<compile_context>
chip_gen: v7x
topology: tpu7x:2x2x1
jax: 0.10.2.dev20260603
libtpu: 0.0.44.dev20260713+nightly
codegen_flags: <defaults>
</compile_context>

<pallas_src>
import functools

import jax
import jax.numpy as jnp
from jax import lax
from jax.experimental import pallas as pl
from jax.experimental.pallas import tpu as pltpu
from jax.experimental.pallas import tpu_sc as plsc

NE = 64
K = 8
D = 2048
T = 16384
R = 1024
GRID = T // R
ALPHA = 0.001

NC = 2
NS = 16
NW = NC * NS
L = 16
RW = T // NW
NG = RW // L

_AUX_SCALE = ALPHA * NE / (float(T) * float(K) * float(T))

_SORT8 = [(0, 1), (2, 3), (4, 5), (6, 7), (0, 2), (1, 3), (4, 6), (5, 7),
          (1, 2), (5, 6), (0, 4), (1, 5), (2, 6), (3, 7), (2, 4), (3, 5),
          (1, 2), (3, 4), (5, 6)]
_BM8 = [(0, 4), (1, 5), (2, 6), (3, 7), (0, 2), (1, 3), (4, 6), (5, 7),
        (0, 1), (2, 3), (4, 5), (6, 7)]


def _logits_body(x_ref, w_ref, key_ref, ps_ref, pi_ref):
    step = pl.program_id(0)
    logits = lax.dot_general(
        w_ref[...], x_ref[...], (((1,), (1,)), ((), ())),
        preferred_element_type=jnp.float32)
    xi = lax.bitcast_convert_type(logits, jnp.int32)
    neg = lax.shift_right_arithmetic(xi, 31)
    s = (xi ^ (neg & jnp.int32(0x7FFFFFFF))) ^ jnp.int32(-2147483648)
    su = lax.bitcast_convert_type(s, jnp.uint32)
    row = lax.broadcasted_iota(jnp.uint32, (NE, R), 0)
    key_ref[...] = (su & jnp.uint32(0xFFFFFFC0)) | (jnp.uint32(63) - row)
    m = jnp.max(logits, axis=0, keepdims=True)
    e = jnp.exp(logits - m)
    s = jnp.sum(e, axis=0, keepdims=True)
    scores = e / s
    pi_part = jnp.sum(scores.reshape(NE, R // 128, 128), axis=1)

    @pl.when(step == 0)
    def _():
        pi_ref[...] = jnp.zeros_like(pi_ref)

    pi_ref[...] += pi_part

    @pl.when(step == GRID - 1)
    def _():
        ps_ref[...] = pi_ref[...]


def _logits_call(xf, weight):
    return pl.pallas_call(
        _logits_body,
        grid=(GRID,),
        in_specs=[
            pl.BlockSpec((R, D), lambda i: (i, 0)),
            pl.BlockSpec((NE, D), lambda i: (0, 0)),
        ],
        out_specs=[
            pl.BlockSpec((NE, R), lambda i: (0, i)),
            pl.BlockSpec((NE, 128), lambda i: (0, 0)),
        ],
        out_shape=[
            jax.ShapeDtypeStruct((NE, T), jnp.uint32),
            jax.ShapeDtypeStruct((NE, 128), jnp.float32),
        ],
        scratch_shapes=[
            pltpu.VMEM((NE, 128), jnp.float32),
        ],
        compiler_params=pltpu.CompilerParams(
            dimension_semantics=("arbitrary",)),
    )(xf, weight)


def _sort_net(keys, net):
    keys = list(keys)
    for i, j in net:
        hi = jnp.maximum(keys[i], keys[j])
        lo = jnp.minimum(keys[i], keys[j])
        keys[i] = hi
        keys[j] = lo
    return keys


@functools.partial(
    pl.kernel,
    out_type=(
        jax.ShapeDtypeStruct((K, T), jnp.float32),
        jax.ShapeDtypeStruct((K, T), jnp.int32),
        jax.ShapeDtypeStruct((NW, NE), jnp.float32),
    ),
    mesh=plsc.VectorSubcoreMesh(core_axis_name="c", subcore_axis_name="s"),
    scratch_types=[
        pltpu.VMEM((NE, RW), jnp.uint32),
        pltpu.VMEM((K, RW), jnp.float32),
        pltpu.VMEM((K, RW), jnp.int32),
        pltpu.VMEM((NE,), jnp.float32),
        pltpu.SemaphoreType.DMA,
    ],
    compiler_params=pltpu.CompilerParams(needs_layout_passes=False),
)
def _sc_route(key_hbm, tw_hbm, ti_hbm, cnt_hbm, kv, twv, tiv, cntv, sem):
    wid = lax.axis_index("s") * NC + lax.axis_index("c")
    base = wid * RW
    half = RW // 2
    pltpu.sync_copy(key_hbm.at[:, pl.ds(base, half)],
                    kv.at[:, pl.ds(0, half)])
    cp2 = pltpu.async_copy(key_hbm.at[:, pl.ds(base + half, half)],
                           kv.at[:, pl.ds(half, half)], sem)

    ones16 = jnp.ones((L,), jnp.float32)
    for e in range(0, NE, L):
        cntv[pl.ds(e, L)] = jnp.zeros((L,), jnp.float32)

    def run_group(col):
        load = lambda j: kv[j, pl.ds(col, L)]
        top = _sort_net([load(j) for j in range(K)], _SORT8)
        for b in range(1, NE // K):
            batch = _sort_net([load(b * K + j) for j in range(K)], _SORT8)
            merged = [jnp.maximum(top[k], batch[K - 1 - k]) for k in range(K)]
            top = _sort_net(merged, _BM8)
        idxs = [lax.bitcast_convert_type(jnp.uint32(63) - (t & jnp.uint32(63)),
                                         jnp.int32) for t in top]
        vals = []
        for t in top:
            si = lax.bitcast_convert_type(t ^ jnp.uint32(0x80000000),
                                          jnp.int32)
            neg = lax.shift_right_arithmetic(si, 31)
            xi = (si & jnp.int32(-64)) ^ (neg & jnp.int32(0x7FFFFFFF))
            vals.append(lax.bitcast_convert_type(xi, jnp.float32))
        es = [ones16] + [jnp.exp(v - vals[0]) for v in vals[1:]]
        ssum = es[0]
        for k in range(1, K):
            ssum = ssum + es[k]
        inv = ones16 / ssum
        for k in range(K):
            twv[k, pl.ds(col, L)] = es[k] * inv
            tiv[k, pl.ds(col, L)] = idxs[k]
            plsc.addupdate_scatter(cntv, [idxs[k]], ones16)

    def group_body(g, _):
        run_group(g * L)
        return 0

    lax.fori_loop(0, NG // 2, group_body, 0)
    cp2.wait()
    lax.fori_loop(NG // 2, NG, group_body, 0)
    pltpu.sync_copy(twv, tw_hbm.at[:, pl.ds(base, RW)])
    pltpu.sync_copy(tiv, ti_hbm.at[:, pl.ds(base, RW)])
    pltpu.sync_copy(cntv, cnt_hbm.at[wid])


def kernel(x, weight):
    xf = x.reshape(T, D)
    lg, ps = _logits_call(xf, weight)
    tw, ti, cnt = _sc_route(lg)
    pi_vec = ps.sum(axis=1)
    cnt_vec = cnt.sum(axis=0)
    aux = jnp.sum(pi_vec * cnt_vec) * jnp.float32(_AUX_SCALE)
    return tw.T, ti.T, aux

# --- scband reference (transcript-rebuilt; emitter-appended) ---
"""Pipeline reference for scband-mo-egate-14078902796920 (READ-ONLY COPY).

The authoritative reference and input builder live on the scoring server;
editing this copy changes nothing except your own understanding.
"""

import jax, jax.numpy as jnp
import numpy as np

NUM_EXPERTS = 64
EXPERTS_TOPK = 8
NORM_TOPK_PROB = True
D_MODEL = 2048
ISTRAIN = True
AUX_LOSS_ALPHA = 0.001
BATCH = 4
SEQ_LEN = 4096


def setup_inputs(seed: int = 0) -> dict:
    key = jax.random.key(seed)
    k1, k2 = jax.random.split(key)
    x = jax.random.normal(k1, (BATCH, SEQ_LEN, D_MODEL), dtype=jnp.float32)
    # kaiming_uniform_(a=sqrt(5)) on (num_experts, d_model): bound = 1/sqrt(fan_in)
    bound = 1.0 / np.sqrt(D_MODEL)
    weight = jax.random.uniform(k2, (NUM_EXPERTS, D_MODEL), dtype=jnp.float32, minval=-bound, maxval=bound)
    return {"x": x, "weight": weight}


def reference(x, weight):
    batch_size, seq_len, d_model = x.shape
    xf = x.reshape(batch_size * seq_len, d_model)
    logits = xf @ weight.T  # F.linear(x, weight, None)
    scores = jax.nn.softmax(logits, axis=-1)
    topk_weight, topk_index = jax.lax.top_k(scores, EXPERTS_TOPK)
    if EXPERTS_TOPK > 1 and NORM_TOPK_PROB:
        topk_prob_sum = topk_weight.sum(axis=-1, keepdims=True) + 1e-20
        topk_weight = topk_weight / topk_prob_sum
    aux_loss = jnp.float32(0.0)
    if ISTRAIN:
        topk_idx_for_aux = topk_index.reshape(-1)
        topk_one_hot = jax.nn.one_hot(topk_idx_for_aux, NUM_EXPERTS, dtype=jnp.float32)
        topk_one_hot_mean = topk_one_hot.mean(axis=0)
        fi = topk_one_hot_mean * NUM_EXPERTS
        pi = scores.mean(axis=0)
        aux_loss = (pi * fi).sum() * AUX_LOSS_ALPHA
    return (topk_weight, topk_index, aux_loss)

if __name__ == "__main__":
    import jax
    _d = setup_inputs()
    print(jax.jit(kernel)(*tuple(_d.values())))

</pallas_src>

<mosaic_0001>
#map = affine_map<(d0, d1) -> (0, 0)>
module attributes {stable_mosaic.version = 14 : i64} {
  func.func @_sc_route(%arg0: i32, %arg1: i32, %arg2: memref<64x16384xi32, #tpu.memory_space<hbm>>, %arg3: memref<8x16384xf32, #tpu.memory_space<hbm>>, %arg4: memref<8x16384xi32, #tpu.memory_space<hbm>>, %arg5: memref<32x64xf32, #tpu.memory_space<hbm>>, %arg6: memref<64x512xi32, #tpu.memory_space<vmem>>, %arg7: memref<8x512xf32, #tpu.memory_space<vmem>>, %arg8: memref<8x512xi32, #tpu.memory_space<vmem>>, %arg9: memref<64xf32, #tpu.memory_space<vmem>>, %arg10: memref<!tpu.dma_semaphore, #tpu.memory_space<semaphore_mem>>) attributes {dimension_semantics = [#tpu.dimension_semantics<core_parallel>, #tpu.dimension_semantics<subcore_parallel>], iteration_bounds = array<i64: 2, 16>, scalar_prefetch = 0 : i64, scratch_operands = 5 : i64, tpu.core_type = #tpu.core_type<sc_vector_subcore>, window_params = [{transform_indices = #map}, {transform_indices = #map}, {transform_indices = #map}, {transform_indices = #map}]} {
    %mul3A = arith.constant 2 : i32
    %mul3A_0 = arith.muli %arg1, %mul3A : i32
    %add3A = arith.addi %mul3A_0, %arg0 : i32
    %mul3A_1 = arith.constant 512 : i32
    %mul3A_2 = arith.muli %add3A, %mul3A_1 : i32
    "tpu.region"() ({
      %run_scoped3A = tpu.sem_alloc : memref<!tpu.dma_semaphore, #tpu.memory_space<semaphore_mem>>
      %dma_start3A_52 = arith.constant 0 : i32
      %dma_start3A_53 = arith.constant 0 : i32
      %dma_start3A_54 = tpu.memref_slice %arg6[%dma_start3A_52, %dma_start3A_53] : memref<64x512xi32, #tpu.memory_space<vmem>> -> memref<64x256xi32, #tpu.memory_space<vmem>>
      %dma_start3A_55 = arith.constant 0 : i32
      %dma_start3A_56 = tpu.memref_slice %arg2[%dma_start3A_55, %mul3A_2] : memref<64x16384xi32, #tpu.memory_space<hbm>> -> memref<64x256xi32, #tpu.memory_space<hbm>>
      %dma_start3A_57 = arith.constant 0 : i32
      %dma_start3A_58 = arith.constant 0 : i32
      %dma_start3A_59 = tpu.memref_slice %arg6[%dma_start3A_57, %dma_start3A_58] : memref<64x512xi32, #tpu.memory_space<vmem>> -> memref<64x256xi32, #tpu.memory_space<vmem>>
      %dma_start3A_60 = arith.constant 0 : i32
      %dma_start3A_61 = tpu.memref_slice %arg2[%dma_start3A_60, %mul3A_2] : memref<64x16384xi32, #tpu.memory_space<hbm>> -> memref<64x256xi32, #tpu.memory_space<hbm>>
      tpu.enqueue_dma source(%dma_start3A_61 : memref<64x256xi32, #tpu.memory_space<hbm>>) target(%dma_start3A_59 : memref<64x256xi32, #tpu.memory_space<vmem>>) target_semaphore(%run_scoped3A : memref<!tpu.dma_semaphore, #tpu.memory_space<semaphore_mem>>)
      %dma_wait3A_62 = arith.constant 0 : i32
      %dma_wait3A_63 = arith.constant 0 : i32
      %dma_wait3A_64 = tpu.memref_slice %arg6[%dma_wait3A_62, %dma_wait3A_63] : memref<64x512xi32, #tpu.memory_space<vmem>> -> memref<64x256xi32, #tpu.memory_space<vmem>>
      %dma_wait3A_65 = arith.constant 0 : i32
      %dma_wait3A_66 = tpu.memref_slice %arg2[%dma_wait3A_65, %mul3A_2] : memref<64x16384xi32, #tpu.memory_space<hbm>> -> memref<64x256xi32, #tpu.memory_space<hbm>>
      %dma_wait3A_67 = arith.constant 0 : i32
      %dma_wait3A_68 = arith.constant 0 : i32
      %dma_wait3A_69 = tpu.memref_slice %arg6[%dma_wait3A_67, %dma_wait3A_68] : memref<64x512xi32, #tpu.memory_space<vmem>> -> memref<64x256xi32, #tpu.memory_space<vmem>>
      %dma_wait3A_70 = arith.constant 0 : i32
      %dma_wait3A_71 = tpu.memref_slice %arg2[%dma_wait3A_70, %mul3A_2] : memref<64x16384xi32, #tpu.memory_space<hbm>> -> memref<64x256xi32, #tpu.memory_space<hbm>>
      tpu.wait_dma2 semaphore(%run_scoped3A : memref<!tpu.dma_semaphore, #tpu.memory_space<semaphore_mem>>) src(%dma_wait3A_71 : memref<64x256xi32, #tpu.memory_space<hbm>>) dst(%dma_wait3A_69 : memref<64x256xi32, #tpu.memory_space<vmem>>)
      tpu.yield
    }) : () -> ()
    %add3A_3 = arith.constant 256 : i32
    %add3A_4 = arith.addi %mul3A_2, %add3A_3 : i32
    %dma_start3A = arith.constant 0 : i32
    %dma_start3A_5 = arith.constant 256 : i32
    %dma_start3A_6 = tpu.memref_slice %arg6[%dma_start3A, %dma_start3A_5] : memref<64x512xi32, #tpu.memory_space<vmem>> -> memref<64x256xi32, #tpu.memory_space<vmem>>
    %dma_start3A_7 = arith.constant 0 : i32
    %dma_start3A_8 = tpu.memref_slice %arg2[%dma_start3A_7, %add3A_4] : memref<64x16384xi32, #tpu.memory_space<hbm>> -> memref<64x256xi32, #tpu.memory_space<hbm>>
    %dma_start3A_9 = arith.constant 0 : i32
    %dma_start3A_10 = arith.constant 256 : i32
    %dma_start3A_11 = tpu.memref_slice %arg6[%dma_start3A_9, %dma_start3A_10] : memref<64x512xi32, #tpu.memory_space<vmem>> -> memref<64x256xi32, #tpu.memory_space<vmem>>
    %dma_start3A_12 = arith.constant 0 : i32
    %dma_start3A_13 = tpu.memref_slice %arg2[%dma_start3A_12, %add3A_4] : memref<64x16384xi32, #tpu.memory_space<hbm>> -> memref<64x256xi32, #tpu.memory_space<hbm>>
    tpu.enqueue_dma source(%dma_start3A_13 : memref<64x256xi32, #tpu.memory_space<hbm>>) target(%dma_start3A_11 : memref<64x256xi32, #tpu.memory_space<vmem>>) target_semaphore(%arg10 : memref<!tpu.dma_semaphore, #tpu.memory_space<semaphore_mem>>)
    %broadcast_in_dim3A = arith.constant 1.000000e+00 : f32
    %broadcast_in_dim3A_14 = vector.broadcast %broadcast_in_dim3A : f32 to vector<16xf32>
    %broadcast_in_dim3A_15 = arith.constant 0.000000e+00 : f32
    %broadcast_in_dim3A_16 = vector.broadcast %broadcast_in_dim3A_15 : f32 to vector<16xf32>
    %swap3A = arith.constant 0 : index
    %swap3A_17 = tpu.vector_load %arg9[%swap3A] {strides = array<i32>} : memref<64xf32, #tpu.memory_space<vmem>>, vector<16xf32>,
    tpu.vector_store %arg9[%swap3A], %broadcast_in_dim3A_16 {strides = array<i32>} : memref<64xf32, #tpu.memory_space<vmem>>, vector<16xf32>,
    %broadcast_in_dim3A_18 = arith.constant 0.000000e+00 : f32
    %broadcast_in_dim3A_19 = vector.broadcast %broadcast_in_dim3A_18 : f32 to vector<16xf32>
    %swap3A_20 = arith.constant 16 : index
    %swap3A_21 = tpu.vector_load %arg9[%swap3A_20] {strides = array<i32>} : memref<64xf32, #tpu.memory_space<vmem>>, vector<16xf32>,
    tpu.vector_store %arg9[%swap3A_20], %broadcast_in_dim3A_19 {strides = array<i32>} : memref<64xf32, #tpu.memory_space<vmem>>, vector<16xf32>,
    %broadcast_in_dim3A_22 = arith.constant 0.000000e+00 : f32
    %broadcast_in_dim3A_23 = vector.broadcast %broadcast_in_dim3A_22 : f32 to vector<16xf32>
    %swap3A_24 = arith.constant 32 : index
    %swap3A_25 = tpu.vector_load %arg9[%swap3A_24] {strides = array<i32>} : memref<64xf32, #tpu.memory_space<vmem>>, vector<16xf32>,
    tpu.vector_store %arg9[%swap3A_24], %broadcast_in_dim3A_23 {strides = array<i32>} : memref<64xf32, #tpu.memory_space<vmem>>, vector<16xf32>,
    %broadcast_in_dim3A_26 = arith.constant 0.000000e+00 : f32
    %broadcast_in_dim3A_27 = vector.broadcast %broadcast_in_dim3A_26 : f32 to vector<16xf32>
    %swap3A_28 = arith.constant 48 : index
    %swap3A_29 = tpu.vector_load %arg9[%swap3A_28] {strides = array<i32>} : memref<64xf32, #tpu.memory_space<vmem>>, vector<16xf32>,
    tpu.vector_store %arg9[%swap3A_28], %broadcast_in_dim3A_27 {strides = array<i32>} : memref<64xf32, #tpu.memory_space<vmem>>, vector<16xf32>,
    %scan3A = arith.constant 0 : i32
    %scan3A_30 = arith.constant 0 : i32
    %scan3A_31 = arith.constant 16 : i32
    %scan3A_32 = arith.addi %scan3A_30, %scan3A_31 : i32
    %scan3A_33 = arith.constant 1 : i32
    %scan3A_34 = scf.for %scan3A_52 = %scan3A_30 to %scan3A_32 step %scan3A_33 iter_args(%scan3A_53 = %scan3A) -> (i32)  : i32 {
      %mul3A_54 = arith.constant 16 : i32
      %mul3A_55 = arith.muli %scan3A_52, %mul3A_54 : i32
      %get3A = arith.constant 0 : i32
      %get3A_56 = arith.index_cast %get3A : i32 to index
      %get3A_57 = arith.index_cast %mul3A_55 : i32 to index
      %get3A_58 = tpu.vector_load %arg6[%get3A_56, %get3A_57] {strides = array<i32>} : memref<64x512xi32, #tpu.memory_space<vmem>>, vector<16xi32>,
      %get3A_59 = arith.constant 1 : i32
      %get3A_60 = arith.index_cast %get3A_59 : i32 to index
      %get3A_61 = arith.index_cast %mul3A_55 : i32 to index
      %get3A_62 = tpu.vector_load %arg6[%get3A_60, %get3A_61] {strides = array<i32>} : memref<64x512xi32, #tpu.memory_space<vmem>>, vector<16xi32>,
      %get3A_63 = arith.constant 2 : i32
      %get3A_64 = arith.index_cast %get3A_63 : i32 to index
      %get3A_65 = arith.index_cast %mul3A_55 : i32 to index
      %get3A_66 = tpu.vector_load %arg6[%get3A_64, %get3A_65] {strides = array<i32>} : memref<64x512xi32, #tpu.memory_space<vmem>>, vector<16xi32>,
      %get3A_67 = arith.constant 3 : i32
      %get3A_68 = arith.index_cast %get3A_67 : i32 to index
      %get3A_69 = arith.index_cast %mul3A_55 : i32 to index
      %get3A_70 = tpu.vector_load %arg6[%get3A_68, %get3A_69] {strides = array<i32>} : memref<64x512xi32, #tpu.memory_space<vmem>>, vector<16xi32>,
      %get3A_71 = arith.constant 4 : i32
      %get3A_72 = arith.index_cast %get3A_71 : i32 to index
      %get3A_73 = arith.index_cast %mul3A_55 : i32 to index
      %get3A_74 = tpu.vector_load %arg6[%get3A_72, %get3A_73] {strides = array<i32>} : memref<64x512xi32, #tpu.memory_space<vmem>>, vector<16xi32>,
      %get3A_75 = arith.constant 5 : i32
      %get3A_76 = arith.index_cast %get3A_75 : i32 to index
      %get3A_77 = arith.index_cast %mul3A_55 : i32 to index
      %get3A_78 = tpu.vector_load %arg6[%get3A_76, %get3A_77] {strides = array<i32>} : memref<64x512xi32, #tpu.memory_space<vmem>>, vector<16xi32>,
      %get3A_79 = arith.constant 6 : i32
      %get3A_80 = arith.index_cast %get3A_79 : i32 to index
      %get3A_81 = arith.index_cast %mul3A_55 : i32 to index
      %get3A_82 = tpu.vector_load %arg6[%get3A_80, %get3A_81] {strides = array<i32>} : memref<64x512xi32, #tpu.memory_space<vmem>>, vector<16xi32>,
      %get3A_83 = arith.constant 7 : i32
      %get3A_84 = arith.index_cast %get3A_83 : i32 to index
      %get3A_85 = arith.index_cast %mul3A_55 : i32 to index
      %get3A_86 = tpu.vector_load %arg6[%get3A_84, %get3A_85] {strides = array<i32>} : memref<64x512xi32, #tpu.memory_space<vmem>>, vector<16xi32>,
      %max3A = arith.maxui %get3A_58, %get3A_62 : vector<16xi32>
      %min3A = arith.minui %get3A_58, %get3A_62 : vector<16xi32>
      %max3A_87 = arith.maxui %get3A_66, %get3A_70 : vector<16xi32>
      %min3A_88 = arith.minui %get3A_66, %get3A_70 : vector<16xi32>
      %max3A_89 = arith.maxui %get3A_74, %get3A_78 : vector<16xi32>
      %min3A_90 = arith.minui %get3A_74, %get3A_78 : vector<16xi32>
      %max3A_91 = arith.maxui %get3A_82, %get3A_86 : vector<16xi32>
      %min3A_92 = arith.minui %get3A_82, %get3A_86 : vector<16xi32>
      %max3A_93 = arith.maxui %max3A, %max3A_87 : vector<16xi32>
      %min3A_94 = arith.minui %max3A, %max3A_87 : vector<16xi32>
      %max3A_95 = arith.maxui %min3A, %min3A_88 : vector<16xi32>
      %min3A_96 = arith.minui %min3A, %min3A_88 : vector<16xi32>
      %max3A_97 = arith.maxui %max3A_89, %max3A_91 : vector<16xi32>
      %min3A_98 = arith.minui %max3A_89, %max3A_91 : vector<16xi32>
      %max3A_99 = arith.maxui %min3A_90, %min3A_92 : vector<16xi32>
      %min3A_100 = arith.minui %min3A_90, %min3A_92 : vector<16xi32>
      %max3A_101 = arith.maxui %max3A_95, %min3A_94 : vector<16xi32>
      %min3A_102 = arith.minui %max3A_95, %min3A_94 : vector<16xi32>
      %max3A_103 = arith.maxui %max3A_99, %min3A_98 : vector<16xi32>
      %min3A_104 = arith.minui %max3A_99, %min3A_98 : vector<16xi32>
      %max3A_105 = arith.maxui %max3A_93, %max3A_97 : vector<16xi32>
      %min3A_106 = arith.minui %max3A_93, %max3A_97 : vector<16xi32>
      %max3A_107 = arith.maxui %max3A_101, %max3A_103 : vector<16xi32>
      %min3A_108 = arith.minui %max3A_101, %max3A_103 : vector<16xi32>
      %max3A_109 = arith.maxui %min3A_102, %min3A_104 : vector<16xi32>
      %min3A_110 = arith.minui %min3A_102, %min3A_104 : vector<16xi32>
      %max3A_111 = arith.maxui %min3A_96, %min3A_100 : vector<16xi32>
      %min3A_112 = arith.minui %min3A_96, %min3A_100 : vector<16xi32>
      %max3A_113 = arith.maxui %max3A_109, %min3A_106 : vector<16xi32>
      %min3A_114 = arith.minui %max3A_109, %min3A_106 : vector<16xi32>
      %max3A_115 = arith.maxui %max3A_111, %min3A_108 : vector<16xi32>
      %min3A_116 = arith.minui %max3A_111, %min3A_108 : vector<16xi32>
      %max3A_117 = arith.maxui %max3A_107, %max3A_113 : vector<16xi32>
      %min3A_118 = arith.minui %max3A_107, %max3A_113 : vector<16xi32>
      %max3A_119 = arith.maxui %max3A_115, %min3A_114 : vector<16xi32>
      %min3A_120 = arith.minui %max3A_115, %min3A_114 : vector<16xi32>
      %max3A_121 = arith.maxui %min3A_116, %min3A_110 : vector<16xi32>
      %min3A_122 = arith.minui %min3A_116, %min3A_110 : vector<16xi32>
      %get3A_123 = arith.constant 8 : i32
      %get3A_124 = arith.index_cast %get3A_123 : i32 to index
      %get3A_125 = arith.index_cast %mul3A_55 : i32 to index
      %get3A_126 = tpu.vector_load %arg6[%get3A_124, %get3A_125] {strides = array<i32>} : memref<64x512xi32, #tpu.memory_space<vmem>>, vector<16xi32>,
      %get3A_127 = arith.constant 9 : i32
      %get3A_128 = arith.index_cast %get3A_127 : i32 to index
      %get3A_129 = arith.index_cast %mul3A_55 : i32 to index
      %get3A_130 = tpu.vector_load %arg6[%get3A_128, %get3A_129] {strides = array<i32>} : memref<64x512xi32, #tpu.memory_space<vmem>>, vector<16xi32>,
      %get3A_131 = arith.constant 10 : i32
      %get3A_132 = arith.index_cast %get3A_131 : i32 to index
      %get3A_133 = arith.index_cast %mul3A_55 : i32 to index
      %get3A_134 = tpu.vector_load %arg6[%get3A_132, %get3A_133] {strides = array<i32>} : memref<64x512xi32, #tpu.memory_space<vmem>>, vector<16xi32>,
      %get3A_135 = arith.constant 11 : i32
      %get3A_136 = arith.index_cast %get3A_135 : i32 to index
      %get3A_137 = arith.index_cast %mul3A_55 : i32 to index
      %get3A_138 = tpu.vector_load %arg6[%get3A_136, %get3A_137] {strides = array<i32>} : memref<64x512xi32, #tpu.memory_space<vmem>>, vector<16xi32>,
      %get3A_139 = arith.constant 12 : i32
      %get3A_140 = arith.index_cast %get3A_139 : i32 to index
      %get3A_141 = arith.index_cast %mul3A_55 : i32 to index
      %get3A_142 = tpu.vector_load %arg6[%get3A_140, %get3A_141] {strides = array<i32>} : memref<64x512xi32, #tpu.memory_space<vmem>>, vector<16xi32>,
      %get3A_143 = arith.constant 13 : i32
      %get3A_144 = arith.index_cast %get3A_143 : i32 to index
      %get3A_145 = arith.index_cast %mul3A_55 : i32 to index
      %get3A_146 = tpu.vector_load %arg6[%get3A_144, %get3A_145] {strides = array<i32>} : memref<64x512xi32, #tpu.memory_space<vmem>>, vector<16xi32>,
      %get3A_147 = arith.constant 14 : i32
      %get3A_148 = arith.index_cast %get3A_147 : i32 to index
      %get3A_149 = arith.index_cast %mul3A_55 : i32 to index
      %get3A_150 = tpu.vector_load %arg6[%get3A_148, %get3A_149] {strides = array<i32>} : memref<64x512xi32, #tpu.memory_space<vmem>>, vector<16xi32>,
      %get3A_151 = arith.constant 15 : i32
      %get3A_152 = arith.index_cast %get3A_151 : i32 to index
      %get3A_153 = arith.index_cast %mul3A_55 : i32 to index
      %get3A_154 = tpu.vector_load %arg6[%get3A_152, %get3A_153] {strides = array<i32>} : memref<64x512xi32, #tpu.memory_space<vmem>>, vector<16xi32>,
      %max3A_155 = arith.maxui %get3A_126, %get3A_130 : vector<16xi32>
      %min3A_156 = arith.minui %get3A_126, %get3A_130 : vector<16xi32>
      %max3A_157 = arith.maxui %get3A_134, %get3A_138 : vector<16xi32>
      %min3A_158 = arith.minui %get3A_134, %get3A_138 : vector<16xi32>
      %max3A_159 = arith.maxui %get3A_142, %get3A_146 : vector<16xi32>
      %min3A_160 = arith.minui %get3A_142, %get3A_146 : vector<16xi32>
      %max3A_161 = arith.maxui %get3A_150, %get3A_154 : vector<16xi32>
      %min3A_162 = arith.minui %get3A_150, %get3A_154 : vector<16xi32>
      %max3A_163 = arith.maxui %max3A_155, %max3A_157 : vector<16xi32>
      %min3A_164 = arith.minui %max3A_155, %max3A_157 : vector<16xi32>
      %max3A_165 = arith.maxui %min3A_156, %min3A_158 : vector<16xi32>
      %min3A_166 = arith.minui %min3A_156, %min3A_158 : vector<16xi32>
      %max3A_167 = arith.maxui %max3A_159, %max3A_161 : vector<16xi32>
      %min3A_168 = arith.minui %max3A_159, %max3A_161 : vector<16xi32>
      %max3A_169 = arith.maxui %min3A_160, %min3A_162 : vector<16xi32>
      %min3A_170 = arith.minui %min3A_160, %min3A_162 : vector<16xi32>
      %max3A_171 = arith.maxui %max3A_165, %min3A_164 : vector<16xi32>
      %min3A_172 = arith.minui %max3A_165, %min3A_164 : vector<16xi32>
      %max3A_173 = arith.maxui %max3A_169, %min3A_168 : vector<16xi32>
      %min3A_174 = arith.minui %max3A_169, %min3A_168 : vector<16xi32>
      %max3A_175 = arith.maxui %max3A_163, %max3A_167 : vector<16xi32>
      %min3A_176 = arith.minui %max3A_163, %max3A_167 : vector<16xi32>
      %max3A_177 = arith.maxui %max3A_171, %max3A_173 : vector<16xi32>
      %min3A_178 = arith.minui %max3A_171, %max3A_173 : vector<16xi32>
      %max3A_179 = arith.maxui %min3A_172, %min3A_174 : vector<16xi32>
      %min3A_180 = arith.minui %min3A_172, %min3A_174 : vector<16xi32>
      %max3A_181 = arith.maxui %min3A_166, %min3A_170 : vector<16xi32>
      %min3A_182 = arith.minui %min3A_166, %min3A_170 : vector<16xi32>
      %max3A_183 = arith.maxui %max3A_179, %min3A_176 : vector<16xi32>
      %min3A_184 = arith.minui %max3A_179, %min3A_176 : vector<16xi32>
      %max3A_185 = arith.maxui %max3A_181, %min3A_178 : vector<16xi32>
      %min3A_186 = arith.minui %max3A_181, %min3A_178 : vector<16xi32>
      %max3A_187 = arith.maxui %max3A_177, %max3A_183 : vector<16xi32>
      %min3A_188 = arith.minui %max3A_177, %max3A_183 : vector<16xi32>
      %max3A_189 = arith.maxui %max3A_185, %min3A_184 : vector<16xi32>
      %min3A_190 = arith.minui %max3A_185, %min3A_184 : vector<16xi32>
      %max3A_191 = arith.maxui %min3A_186, %min3A_180 : vector<16xi32>
      %min3A_192 = arith.minui %min3A_186, %min3A_180 : vector<16xi32>
      %max3A_193 = arith.maxui %max3A_105, %min3A_182 : vector<16xi32>
      %max3A_194 = arith.maxui %max3A_117, %min3A_192 : vector<16xi32>
      %max3A_195 = arith.maxui %min3A_118, %max3A_191 : vector<16xi32>
      %max3A_196 = arith.maxui %max3A_119, %min3A_190 : vector<16xi32>
      %max3A_197 = arith.maxui %min3A_120, %max3A_189 : vector<16xi32>
      %max3A_198 = arith.maxui %max3A_121, %min3A_188 : vector<16xi32>
      %max3A_199 = arith.maxui %min3A_122, %max3A_187 : vector<16xi32>
      %max3A_200 = arith.maxui %min3A_112, %max3A_175 : vector<16xi32>
      %max3A_201 = arith.maxui %max3A_193, %max3A_197 : vector<16xi32>
      %min3A_202 = arith.minui %max3A_193, %max3A_197 : vector<16xi32>
      %max3A_203 = arith.maxui %max3A_194, %max3A_198 : vector<16xi32>
      %min3A_204 = arith.minui %max3A_194, %max3A_198 : vector<16xi32>
      %max3A_205 = arith.maxui %max3A_195, %max3A_199 : vector<16xi32>
      %min3A_206 = arith.minui %max3A_195, %max3A_199 : vector<16xi32>
      %max3A_207 = arith.maxui %max3A_196, %max3A_200 : vector<16xi32>
      %min3A_208 = arith.minui %max3A_196, %max3A_200 : vector<16xi32>
      %max3A_209 = arith.maxui %max3A_201, %max3A_205 : vector<16xi32>
      %min3A_210 = arith.minui %max3A_201, %max3A_205 : vector<16xi32>
      %max3A_211 = arith.maxui %max3A_203, %max3A_207 : vector<16xi32>
      %min3A_212 = arith.minui %max3A_203, %max3A_207 : vector<16xi32>
      %max3A_213 = arith.maxui %min3A_202, %min3A_206 : vector<16xi32>
      %min3A_214 = arith.minui %min3A_202, %min3A_206 : vector<16xi32>
      %max3A_215 = arith.maxui %min3A_204, %min3A_208 : vector<16xi32>
      %min3A_216 = arith.minui %min3A_204, %min3A_208 : vector<16xi32>
      %max3A_217 = arith.maxui %max3A_209, %max3A_211 : vector<16xi32>
      %min3A_218 = arith.minui %max3A_209, %max3A_211 : vector<16xi32>
      %max3A_219 = arith.maxui %min3A_210, %min3A_212 : vector<16xi32>
      %min3A_220 = arith.minui %min3A_210, %min3A_212 : vector<16xi32>
      %max3A_221 = arith.maxui %max3A_213, %max3A_215 : vector<16xi32>
      %min3A_222 = arith.minui %max3A_213, %max3A_215 : vector<16xi32>
      %max3A_223 = arith.maxui %min3A_214, %min3A_216 : vector<16xi32>
      %min3A_224 = arith.minui %min3A_214, %min3A_216 : vector<16xi32>
      %get3A_225 = arith.constant 16 : i32
      %get3A_226 = arith.index_cast %get3A_225 : i32 to index
      %get3A_227 = arith.index_cast %mul3A_55 : i32 to index
      %get3A_228 = tpu.vector_load %arg6[%get3A_226, %get3A_227] {strides = array<i32>} : memref<64x512xi32, #tpu.memory_space<vmem>>, vector<16xi32>,
      %get3A_229 = arith.constant 17 : i32
      %get3A_230 = arith.index_cast %get3A_229 : i32 to index
      %get3A_231 = arith.index_cast %mul3A_55 : i32 to index
      %get3A_232 = tpu.vector_load %arg6[%get3A_230, %get3A_231] {strides = array<i32>} : memref<64x512xi32, #tpu.memory_space<vmem>>, vector<16xi32>,
      %get3A_233 = arith.constant 18 : i32
      %get3A_234 = arith.index_cast %get3A_233 : i32 to index
      %get3A_235 = arith.index_cast %mul3A_55 : i32 to index
      %get3A_236 = tpu.vector_load %arg6[%get3A_234, %get3A_235] {strides = array<i32>} : memref<64x512xi32, #tpu.memory_space<vmem>>, vector<16xi32>,
      %get3A_237 = arith.constant 19 : i32
      %get3A_238 = arith.index_cast %get3A_237 : i32 to index
      %get3A_239 = arith.index_cast %mul3A_55 : i32 to index
      %get3A_240 = tpu.vector_load %arg6[%get3A_238, %get3A_239] {strides = array<i32>} : memref<64x512xi32, #tpu.memory_space<vmem>>, vector<16xi32>,
      %get3A_241 = arith.constant 20 : i32
      %get3A_242 = arith.index_cast %get3A_241 : i32 to index
      %get3A_243 = arith.index_cast %mul3A_55 : i32 to index
      %get3A_244 = tpu.vector_load %arg6[%get3A_242, %get3A_243] {strides = array<i32>} : memref<64x512xi32, #tpu.memory_space<vmem>>, vector<16xi32>,
      %get3A_245 = arith.constant 21 : i32
      %get3A_246 = arith.index_cast %get3A_245 : i32 to index
      %get3A_247 = arith.index_cast %mul3A_55 : i32 to index
      %get3A_248 = tpu.vector_load %arg6[%get3A_246, %get3A_247] {strides = array<i32>} : memref<64x512xi32, #tpu.memory_space<vmem>>, vector<16xi32>,
      %get3A_249 = arith.constant 22 : i32
      %get3A_250 = arith.index_cast %get3A_249 : i32 to index
      %get3A_251 = arith.index_cast %mul3A_55 : i32 to index
      %get3A_252 = tpu.vector_load %arg6[%get3A_250, %get3A_251] {strides = array<i32>} : memref<64x512xi32, #tpu.memory_space<vmem>>, vector<16xi32>,
      %get3A_253 = arith.constant 23 : i32
      %get3A_254 = arith.index_cast %get3A_253 : i32 to index
      %get3A_255 = arith.index_cast %mul3A_55 : i32 to index
      %get3A_256 = tpu.vector_load %arg6[%get3A_254, %get3A_255] {strides = array<i32>} : memref<64x512xi32, #tpu.memory_space<vmem>>, vector<16xi32>,
      %max3A_257 = arith.maxui %get3A_228, %get3A_232 : vector<16xi32>
      %min3A_258 = arith.minui %get3A_228, %get3A_232 : vector<16xi32>
      %max3A_259 = arith.maxui %get3A_236, %get3A_240 : vector<16xi32>
      %min3A_260 = arith.minui %get3A_236, %get3A_240 : vector<16xi32>
      %max3A_261 = arith.maxui %get3A_244, %get3A_248 : vector<16xi32>
      %min3A_262 = arith.minui %get3A_244, %get3A_248 : vector<16xi32>
      %max3A_263 = arith.maxui %get3A_252, %get3A_256 : vector<16xi32>
      %min3A_264 = arith.minui %get3A_252, %get3A_256 : vector<16xi32>
      %max3A_265 = arith.maxui %max3A_257, %max3A_259 : vector<16xi32>
      %min3A_266 = arith.minui %max3A_257, %max3A_259 : vector<16xi32>
      %max3A_267 = arith.maxui %min3A_258, %min3A_260 : vector<16xi32>
      %min3A_268 = arith.minui %min3A_258, %min3A_260 : vector<16xi32>
      %max3A_269 = arith.maxui %max3A_261, %max3A_263 : vector<16xi32>
      %min3A_270 = arith.minui %max3A_261, %max3A_263 : vector<16xi32>
      %max3A_271 = arith.maxui %min3A_262, %min3A_264 : vector<16xi32>
      %min3A_272 = arith.minui %min3A_262, %min3A_264 : vector<16xi32>
      %max3A_273 = arith.maxui %max3A_267, %min3A_266 : vector<16xi32>
      %min3A_274 = arith.minui %max3A_267, %min3A_266 : vector<16xi32>
      %max3A_275 = arith.maxui %max3A_271, %min3A_270 : vector<16xi32>
      %min3A_276 = arith.minui %max3A_271, %min3A_270 : vector<16xi32>
      %max3A_277 = arith.maxui %max3A_265, %max3A_269 : vector<16xi32>
      %min3A_278 = arith.minui %max3A_265, %max3A_269 : vector<16xi32>
      %max3A_279 = arith.maxui %max3A_273, %max3A_275 : vector<16xi32>
      %min3A_280 = arith.minui %max3A_273, %max3A_275 : vector<16xi32>
      %max3A_281 = arith.maxui %min3A_274, %min3A_276 : vector<16xi32>
      %min3A_282 = arith.minui %min3A_274, %min3A_276 : vector<16xi32>
      %max3A_283 = arith.maxui %min3A_268, %min3A_272 : vector<16xi32>
      %min3A_284 = arith.minui %min3A_268, %min3A_272 : vector<16xi32>
      %max3A_285 = arith.maxui %max3A_281, %min3A_278 : vector<16xi32>
      %min3A_286 = arith.minui %max3A_281, %min3A_278 : vector<16xi32>
      %max3A_287 = arith.maxui %max3A_283, %min3A_280 : vector<16xi32>
      %min3A_288 = arith.minui %max3A_283, %min3A_280 : vector<16xi32>
      %max3A_289 = arith.maxui %max3A_279, %max3A_285 : vector<16xi32>
      %min3A_290 = arith.minui %max3A_279, %max3A_285 : vector<16xi32>
      %max3A_291 = arith.maxui %max3A_287, %min3A_286 : vector<16xi32>
      %min3A_292 = arith.minui %max3A_287, %min3A_286 : vector<16xi32>
      %max3A_293 = arith.maxui %min3A_288, %min3A_282 : vector<16xi32>
      %min3A_294 = arith.minui %min3A_288, %min3A_282 : vector<16xi32>
      %max3A_295 = arith.maxui %max3A_217, %min3A_284 : vector<16xi32>
      %max3A_296 = arith.maxui %min3A_218, %min3A_294 : vector<16xi32>
      %max3A_297 = arith.maxui %max3A_219, %max3A_293 : vector<16xi32>
      %max3A_298 = arith.maxui %min3A_220, %min3A_292 : vector<16xi32>
      %max3A_299 = arith.maxui %max3A_221, %max3A_291 : vector<16xi32>
      %max3A_300 = arith.maxui %min3A_222, %min3A_290 : vector<16xi32>
      %max3A_301 = arith.maxui %max3A_223, %max3A_289 : vector<16xi32>
      %max3A_302 = arith.maxui %min3A_224, %max3A_277 : vector<16xi32>
      %max3A_303 = arith.maxui %max3A_295, %max3A_299 : vector<16xi32>
      %min3A_304 = arith.minui %max3A_295, %max3A_299 : vector<16xi32>
      %max3A_305 = arith.maxui %max3A_296, %max3A_300 : vector<16xi32>
      %min3A_306 = arith.minui %max3A_296, %max3A_300 : vector<16xi32>
      %max3A_307 = arith.maxui %max3A_297, %max3A_301 : vector<16xi32>
      %min3A_308 = arith.minui %max3A_297, %max3A_301 : vector<16xi32>
      %max3A_309 = arith.maxui %max3A_298, %max3A_302 : vector<16xi32>
      %min3A_310 = arith.minui %max3A_298, %max3A_302 : vector<16xi32>
      %max3A_311 = arith.maxui %max3A_303, %max3A_307 : vector<16xi32>
      %min3A_312 = arith.minui %max3A_303, %max3A_307 : vector<16xi32>
      %max3A_313 = arith.maxui %max3A_305, %max3A_309 : vector<16xi32>
      %min3A_314 = arith.minui %max3A_305, %max3A_309 : vector<16xi32>
      %max3A_315 = arith.maxui %min3A_304, %min3A_308 : vector<16xi32>
      %min3A_316 = arith.minui %min3A_304, %min3A_308 : vector<16xi32>
      %max3A_317 = arith.maxui %min3A_306, %min3A_310 : vector<16xi32>
      %min3A_318 = arith.minui %min3A_306, %min3A_310 : vector<16xi32>
      %max3A_319 = arith.maxui %max3A_311, %max3A_313 : vector<16xi32>
      %min3A_320 = arith.minui %max3A_311, %max3A_313 : vector<16xi32>
      %max3A_321 = arith.maxui %min3A_312, %min3A_314 : vector<16xi32>
      %min3A_322 = arith.minui %min3A_312, %min3A_314 : vector<16xi32>
      %max3A_323 = arith.maxui %max3A_315, %max3A_317 : vector<16xi32>
      %min3A_324 = arith.minui %max3A_315, %max3A_317 : vector<16xi32>
      %max3A_325 = arith.maxui %min3A_316, %min3A_318 : vector<16xi32>
      %min3A_326 = arith.minui %min3A_316, %min3A_318 : vector<16xi32>
      %get3A_327 = arith.constant 24 : i32
      %get3A_328 = arith.index_cast %get3A_327 : i32 to index
      %get3A_329 = arith.index_cast %mul3A_55 : i32 to index
      %get3A_330 = tpu.vector_load %arg6[%get3A_328, %get3A_329] {strides = array<i32>} : memref<64x512xi32, #tpu.memory_space<vmem>>, vector<16xi32>,
      %get3A_331 = arith.constant 25 : i32
      %get3A_332 = arith.index_cast %get3A_331 : i32 to index
      %get3A_333 = arith.index_cast %mul3A_55 : i32 to index
      %get3A_334 = tpu.vector_load %arg6[%get3A_332, %get3A_333] {strides = array<i32>} : memref<64x512xi32, #tpu.memory_space<vmem>>, vector<16xi32>,
      %get3A_335 = arith.constant 26 : i32
      %get3A_336 = arith.index_cast %get3A_335 : i32 to index
      %get3A_337 = arith.index_cast %mul3A_55 : i32 to index
      %get3A_338 = tpu.vector_load %arg6[%get3A_336, %get3A_337] {strides = array<i32>} : memref<64x512xi32, #tpu.memory_space<vmem>>, vector<16xi32>,
      %get3A_339 = arith.constant 27 : i32
      %get3A_340 = arith.index_cast %get3A_339 : i32 to index
      %get3A_341 = arith.index_cast %mul3A_55 : i32 to index
      %get3A_342 = tpu.vector_load %arg6[%get3A_340, %get3A_341] {strides = array<i32>} : memref<64x512xi32, #tpu.memory_space<vmem>>, vector<16xi32>,
      %get3A_343 = arith.constant 28 : i32
      %get3A_344 = arith.index_cast %get3A_343 : i32 to index
      %get3A_345 = arith.index_cast %mul3A_55 : i32 to index
      %get3A_346 = tpu.vector_load %arg6[%get3A_344, %get3A_345] {strides = array<i32>} : memref<64x512xi32, #tpu.memory_space<vmem>>, vector<16xi32>,
      %get3A_347 = arith.constant 29 : i32
      %get3A_348 = arith.index_cast %get3A_347 : i32 to index
      %get3A_349 = arith.index_cast %mul3A_55 : i32 to index
      %get3A_350 = tpu.vector_load %arg6[%get3A_348, %get3A_349] {strides = array<i32>} : memref<64x512xi32, #tpu.memory_space<vmem>>, vector<16xi32>,
      %get3A_351 = arith.constant 30 : i32
      %get3A_352 = arith.index_cast %get3A_351 : i32 to index
      %get3A_353 = arith.index_cast %mul3A_55 : i32 to index
      %get3A_354 = tpu.vector_load %arg6[%get3A_352, %get3A_353] {strides = array<i32>} : memref<64x512xi32, #tpu.memory_space<vmem>>, vector<16xi32>,
      %get3A_355 = arith.constant 31 : i32
      %get3A_356 = arith.index_cast %get3A_355 : i32 to index
      %get3A_357 = arith.index_cast %mul3A_55 : i32 to index
      %get3A_358 = tpu.vector_load %arg6[%get3A_356, %get3A_357] {strides = array<i32>} : memref<64x512xi32, #tpu.memory_space<vmem>>, vector<16xi32>,
      %max3A_359 = arith.maxui %get3A_330, %get3A_334 : vector<16xi32>
      %min3A_360 = arith.minui %get3A_330, %get3A_334 : vector<16xi32>
      %max3A_361 = arith.maxui %get3A_338, %get3A_342 : vector<16xi32>
      %min3A_362 = arith.minui %get3A_338, %get3A_342 : vector<16xi32>
      %max3A_363 = arith.maxui %get3A_346, %get3A_350 : vector<16xi32>
      %min3A_364 = arith.minui %get3A_346, %get3A_350 : vector<16xi32>
      %max3A_365 = arith.maxui %get3A_354, %get3A_358 : vector<16xi32>
      %min3A_366 = arith.minui %get3A_354, %get3A_358 : vector<16xi32>
      %max3A_367 = arith.maxui %max3A_359, %max3A_361 : vector<16xi32>
      %min3A_368 = arith.minui %max3A_359, %max3A_361 : vector<16xi32>
      %max3A_369 = arith.maxui %min3A_360, %min3A_362 : vector<16xi32>
      %min3A_370 = arith.minui %min3A_360, %min3A_362 : vector<16xi32>
      %max3A_371 = arith.maxui %max3A_363, %max3A_365 : vector<16xi32>
      %min3A_372 = arith.minui %max3A_363, %max3A_365 : vector<16xi32>
      %max3A_373 = arith.maxui %min3A_364, %min3A_366 : vector<16xi32>
      %min3A_374 = arith.minui %min3A_364, %min3A_366 : vector<16xi32>
      %max3A_375 = arith.maxui %max3A_369, %min3A_368 : vector<16xi32>
      %min3A_376 = arith.minui %max3A_369, %min3A_368 : vector<16xi32>
      %max3A_377 = arith.maxui %max3A_373, %min3A_372 : vector<16xi32>
      %min3A_378 = arith.minui %max3A_373, %min3A_372 : vector<16xi32>
      %max3A_379 = arith.maxui %max3A_367, %max3A_371 : vector<16xi32>
      %min3A_380 = arith.minui %max3A_367, %max3A_371 : vector<16xi32>
      %max3A_381 = arith.maxui %max3A_375, %max3A_377 : vector<16xi32>
      %min3A_382 = arith.minui %max3A_375, %max3A_377 : vector<16xi32>
      %max3A_383 = arith.maxui %min3A_376, %min3A_378 : vector<16xi32>
      %min3A_384 = arith.minui %min3A_376, %min3A_378 : vector<16xi32>
      %max3A_385 = arith.maxui %min3A_370, %min3A_374 : vector<16xi32>
      %min3A_386 = arith.minui %min3A_370, %min3A_374 : vector<16xi32>
      %max3A_387 = arith.maxui %max3A_383, %min3A_380 : vector<16xi32>
      %min3A_388 = arith.minui %max3A_383, %min3A_380 : vector<16xi32>
      %max3A_389 = arith.maxui %max3A_385, %min3A_382 : vector<16xi32>
      %min3A_390 = arith.minui %max3A_385, %min3A_382 : vector<16xi32>
      %max3A_391 = arith.maxui %max3A_381, %max3A_387 : vector<16xi32>
      %min3A_392 = arith.minui %max3A_381, %max3A_387 : vector<16xi32>
      %max3A_393 = arith.maxui %max3A_389, %min3A_388 : vector<16xi32>
      %min3A_394 = arith.minui %max3A_389, %min3A_388 : vector<16xi32>
      %max3A_395 = arith.maxui %min3A_390, %min3A_384 : vector<16xi32>
      %min3A_396 = arith.minui %min3A_390, %min3A_384 : vector<16xi32>
      %max3A_397 = arith.maxui %max3A_319, %min3A_386 : vector<16xi32>
      %max3A_398 = arith.maxui %min3A_320, %min3A_396 : vector<16xi32>
      %max3A_399 = arith.maxui %max3A_321, %max3A_395 : vector<16xi32>
      %max3A_400 = arith.maxui %min3A_322, %min3A_394 : vector<16xi32>
      %max3A_401 = arith.maxui %max3A_323, %max3A_393 : vector<16xi32>
      %max3A_402 = arith.maxui %min3A_324, %min3A_392 : vector<16xi32>
      %max3A_403 = arith.maxui %max3A_325, %max3A_391 : vector<16xi32>
      %max3A_404 = arith.maxui %min3A_326, %max3A_379 : vector<16xi32>
      %max3A_405 = arith.maxui %max3A_397, %max3A_401 : vector<16xi32>
      %min3A_406 = arith.minui %max3A_397, %max3A_401 : vector<16xi32>
      %max3A_407 = arith.maxui %max3A_398, %max3A_402 : vector<16xi32>
      %min3A_408 = arith.minui %max3A_398, %max3A_402 : vector<16xi32>
      %max3A_409 = arith.maxui %max3A_399, %max3A_403 : vector<16xi32>
      %min3A_410 = arith.minui %max3A_399, %max3A_403 : vector<16xi32>
      %max3A_411 = arith.maxui %max3A_400, %max3A_404 : vector<16xi32>
      %min3A_412 = arith.minui %max3A_400, %max3A_404 : vector<16xi32>
      %max3A_413 = arith.maxui %max3A_405, %max3A_409 : vector<16xi32>
      %min3A_414 = arith.minui %max3A_405, %max3A_409 : vector<16xi32>
      %max3A_415 = arith.maxui %max3A_407, %max3A_411 : vector<16xi32>
      %min3A_416 = arith.minui %max3A_407, %max3A_411 : vector<16xi32>
      %max3A_417 = arith.maxui %min3A_406, %min3A_410 : vector<16xi32>
      %min3A_418 = arith.minui %min3A_406, %min3A_410 : vector<16xi32>
      %max3A_419 = arith.maxui %min3A_408, %min3A_412 : vector<16xi32>
      %min3A_420 = arith.minui %min3A_408, %min3A_412 : vector<16xi32>
      %max3A_421 = arith.maxui %max3A_413, %max3A_415 : vector<16xi32>
      %min3A_422 = arith.minui %max3A_413, %max3A_415 : vector<16xi32>
      %max3A_423 = arith.maxui %min3A_414, %min3A_416 : vector<16xi32>
      %min3A_424 = arith.minui %min3A_414, %min3A_416 : vector<16xi32>
      %max3A_425 = arith.maxui %max3A_417, %max3A_419 : vector<16xi32>
      %min3A_426 = arith.minui %max3A_417, %max3A_419 : vector<16xi32>
      %max3A_427 = arith.maxui %min3A_418, %min3A_420 : vector<16xi32>
      %min3A_428 = arith.minui %min3A_418, %min3A_420 : vector<16xi32>
      %get3A_429 = arith.constant 32 : i32
      %get3A_430 = arith.index_cast %get3A_429 : i32 to index
      %get3A_431 = arith.index_cast %mul3A_55 : i32 to index
      %get3A_432 = tpu.vector_load %arg6[%get3A_430, %get3A_431] {strides = array<i32>} : memref<64x512xi32, #tpu.memory_space<vmem>>, vector<16xi32>,
      %get3A_433 = arith.constant 33 : i32
      %get3A_434 = arith.index_cast %get3A_433 : i32 to index
      %get3A_435 = arith.index_cast %mul3A_55 : i32 to index
      %get3A_436 = tpu.vector_load %arg6[%get3A_434, %get3A_435] {strides = array<i32>} : memref<64x512xi32, #tpu.memory_space<vmem>>, vector<16xi32>,
      %get3A_437 = arith.constant 34 : i32
      %get3A_438 = arith.index_cast %get3A_437 : i32 to index
      %get3A_439 = arith.index_cast %mul3A_55 : i32 to index
      %get3A_440 = tpu.vector_load %arg6[%get3A_438, %get3A_439] {strides = array<i32>} : memref<64x512xi32, #tpu.memory_space<vmem>>, vector<16xi32>,
      %get3A_441 = arith.constant 35 : i32
      %get3A_442 = arith.index_cast %get3A_441 : i32 to index
      %get3A_443 = arith.index_cast %mul3A_55 : i32 to index
      %get3A_444 = tpu.vector_load %arg6[%get3A_442, %get3A_443] {strides = array<i32>} : memref<64x512xi32, #tpu.memory_space<vmem>>, vector<16xi32>,
      %get3A_445 = arith.constant 36 : i32
      %get3A_446 = arith.index_cast %get3A_445 : i32 to index
      %get3A_447 = arith.index_cast %mul3A_55 : i32 to index
      %get3A_448 = tpu.vector_load %arg6[%get3A_446, %get3A_447] {strides = array<i32>} : memref<64x512xi32, #tpu.memory_space<vmem>>, vector<16xi32>,
      %get3A_449 = arith.constant 37 : i32
      %get3A_450 = arith.index_cast %get3A_449 : i32 to index
      %get3A_451 = arith.index_cast %mul3A_55 : i32 to index
      %get3A_452 = tpu.vector_load %arg6[%get3A_450, %get3A_451] {strides = array<i32>} : memref<64x512xi32, #tpu.memory_space<vmem>>, vector<16xi32>,
      %get3A_453 = arith.constant 38 : i32
      %get3A_454 = arith.index_cast %get3A_453 : i32 to index
      %get3A_455 = arith.index_cast %mul3A_55 : i32 to index
      %get3A_456 = tpu.vector_load %arg6[%get3A_454, %get3A_455] {strides = array<i32>} : memref<64x512xi32, #tpu.memory_space<vmem>>, vector<16xi32>,
      %get3A_457 = arith.constant 39 : i32
      %get3A_458 = arith.index_cast %get3A_457 : i32 to index
      %get3A_459 = arith.index_cast %mul3A_55 : i32 to index
      %get3A_460 = tpu.vector_load %arg6[%get3A_458, %get3A_459] {strides = array<i32>} : memref<64x512xi32, #tpu.memory_space<vmem>>, vector<16xi32>,
      %max3A_461 = arith.maxui %get3A_432, %get3A_436 : vector<16xi32>
      %min3A_462 = arith.minui %get3A_432, %get3A_436 : vector<16xi32>
      %max3A_463 = arith.maxui %get3A_440, %get3A_444 : vector<16xi32>
      %min3A_464 = arith.minui %get3A_440, %get3A_444 : vector<16xi32>
      %max3A_465 = arith.maxui %get3A_448, %get3A_452 : vector<16xi32>
      %min3A_466 = arith.minui %get3A_448, %get3A_452 : vector<16xi32>
      %max3A_467 = arith.maxui %get3A_456, %get3A_460 : vector<16xi32>
      %min3A_468 = arith.minui %get3A_456, %get3A_460 : vector<16xi32>
      %max3A_469 = arith.maxui %max3A_461, %max3A_463 : vector<16xi32>
      %min3A_470 = arith.minui %max3A_461, %max3A_463 : vector<16xi32>
      %max3A_471 = arith.maxui %min3A_462, %min3A_464 : vector<16xi32>
      %min3A_472 = arith.minui %min3A_462, %min3A_464 : vector<16xi32>
      %max3A_473 = arith.maxui %max3A_465, %max3A_467 : vector<16xi32>
      %min3A_474 = arith.minui %max3A_465, %max3A_467 : vector<16xi32>
      %max3A_475 = arith.maxui %min3A_466, %min3A_468 : vector<16xi32>
      %min3A_476 = arith.minui %min3A_466, %min3A_468 : vector<16xi32>
      %max3A_477 = arith.maxui %max3A_471, %min3A_470 : vector<16xi32>
      %min3A_478 = arith.minui %max3A_471, %min3A_470 : vector<16xi32>
      %max3A_479 = arith.maxui %max3A_475, %min3A_474 : vector<16xi32>
      %min3A_480 = arith.minui %max3A_475, %min3A_474 : vector<16xi32>
      %max3A_481 = arith.maxui %max3A_469, %max3A_473 : vector<16xi32>
      %min3A_482 = arith.minui %max3A_469, %max3A_473 : vector<16xi32>
      %max3A_483 = arith.maxui %max3A_477, %max3A_479 : vector<16xi32>
      %min3A_484 = arith.minui %max3A_477, %max3A_479 : vector<16xi32>
      %max3A_485 = arith.maxui %min3A_478, %min3A_480 : vector<16xi32>
      %min3A_486 = arith.minui %min3A_478, %min3A_480 : vector<16xi32>
      %max3A_487 = arith.maxui %min3A_472, %min3A_476 : vector<16xi32>
      %min3A_488 = arith.minui %min3A_472, %min3A_476 : vector<16xi32>
      %max3A_489 = arith.maxui %max3A_485, %min3A_482 : vector<16xi32>
      %min3A_490 = arith.minui %max3A_485, %min3A_482 : vector<16xi32>
      %max3A_491 = arith.maxui %max3A_487, %min3A_484 : vector<16xi32>
      %min3A_492 = arith.minui %max3A_487, %min3A_484 : vector<16xi32>
      %max3A_493 = arith.maxui %max3A_483, %max3A_489 : vector<16xi32>
      %min3A_494 = arith.minui %max3A_483, %max3A_489 : vector<16xi32>
      %max3A_495 = arith.maxui %max3A_491, %min3A_490 : vector<16xi32>
      %min3A_496 = arith.minui %max3A_491, %min3A_490 : vector<16xi32>
      %max3A_497 = arith.maxui %min3A_492, %min3A_486 : vector<16xi32>
      %min3A_498 = arith.minui %min3A_492, %min3A_486 : vector<16xi32>
      %max3A_499 = arith.maxui %max3A_421, %min3A_488 : vector<16xi32>
      %max3A_500 = arith.maxui %min3A_422, %min3A_498 : vector<16xi32>
      %max3A_501 = arith.maxui %max3A_423, %max3A_497 : vector<16xi32>
      %max3A_502 = arith.maxui %min3A_424, %min3A_496 : vector<16xi32>
      %max3A_503 = arith.maxui %max3A_425, %max3A_495 : vector<16xi32>
      %max3A_504 = arith.maxui %min3A_426, %min3A_494 : vector<16xi32>
      %max3A_505 = arith.maxui %max3A_427, %max3A_493 : vector<16xi32>
      %max3A_506 = arith.maxui %min3A_428, %max3A_481 : vector<16xi32>
      %max3A_507 = arith.maxui %max3A_499, %max3A_503 : vector<16xi32>
      %min3A_508 = arith.minui %max3A_499, %max3A_503 : vector<16xi32>
      %max3A_509 = arith.maxui %max3A_500, %max3A_504 : vector<16xi32>
      %min3A_510 = arith.minui %max3A_500, %max3A_504 : vector<16xi32>
      %max3A_511 = arith.maxui %max3A_501, %max3A_505 : vector<16xi32>
      %min3A_512 = arith.minui %max3A_501, %max3A_505 : vector<16xi32>
      %max3A_513 = arith.maxui %max3A_502, %max3A_506 : vector<16xi32>
      %min3A_514 = arith.minui %max3A_502, %max3A_506 : vector<16xi32>
      %max3A_515 = arith.maxui %max3A_507, %max3A_511 : vector<16xi32>
      %min3A_516 = arith.minui %max3A_507, %max3A_511 : vector<16xi32>
      %max3A_517 = arith.maxui %max3A_509, %max3A_513 : vector<16xi32>
      %min3A_518 = arith.minui %max3A_509, %max3A_513 : vector<16xi32>
      %max3A_519 = arith.maxui %min3A_508, %min3A_512 : vector<16xi32>
      %min3A_520 = arith.minui %min3A_508, %min3A_512 : vector<16xi32>
      %max3A_521 = arith.maxui %min3A_510, %min3A_514 : vector<16xi32>
      %min3A_522 = arith.minui %min3A_510, %min3A_514 : vector<16xi32>
      %max3A_523 = arith.maxui %max3A_515, %max3A_517 : vector<16xi32>
      %min3A_524 = arith.minui %max3A_515, %max3A_517 : vector<16xi32>
      %max3A_525 = arith.maxui %min3A_516, %min3A_518 : vector<16xi32>
      %min3A_526 = arith.minui %min3A_516, %min3A_518 : vector<16xi32>
      %max3A_527 = arith.maxui %max3A_519, %max3A_521 : vector<16xi32>
      %min3A_528 = arith.minui %max3A_519, %max3A_521 : vector<16xi32>
      %max3A_529 = arith.maxui %min3A_520, %min3A_522 : vector<16xi32>
      %min3A_530 = arith.minui %min3A_520, %min3A_522 : vector<16xi32>
      %get3A_531 = arith.constant 40 : i32
      %get3A_532 = arith.index_cast %get3A_531 : i32 to index
      %get3A_533 = arith.index_cast %mul3A_55 : i32 to index
      %get3A_534 = tpu.vector_load %arg6[%get3A_532, %get3A_533] {strides = array<i32>} : memref<64x512xi32, #tpu.memory_space<vmem>>, vector<16xi32>,
      %get3A_535 = arith.constant 41 : i32
      %get3A_536 = arith.index_cast %get3A_535 : i32 to index
      %get3A_537 = arith.index_cast %mul3A_55 : i32 to index
      %get3A_538 = tpu.vector_load %arg6[%get3A_536, %get3A_537] {strides = array<i32>} : memref<64x512xi32, #tpu.memory_space<vmem>>, vector<16xi32>,
      %get3A_539 = arith.constant 42 : i32
      %get3A_540 = arith.index_cast %get3A_539 : i32 to index
      %get3A_541 = arith.index_cast %mul3A_55 : i32 to index
      %get3A_542 = tpu.vector_load %arg6[%get3A_540, %get3A_541] {strides = array<i32>} : memref<64x512xi32, #tpu.memory_space<vmem>>, vector<16xi32>,
      %get3A_543 = arith.constant 43 : i32
      %get3A_544 = arith.index_cast %get3A_543 : i32 to index
      %get3A_545 = arith.index_cast %mul3A_55 : i32 to index
      %get3A_546 = tpu.vector_load %arg6[%get3A_544, %get3A_545] {strides = array<i32>} : memref<64x512xi32, #tpu.memory_space<vmem>>, vector<16xi32>,
      %get3A_547 = arith.constant 44 : i32
      %get3A_548 = arith.index_cast %get3A_547 : i32 to index
      %get3A_549 = arith.index_cast %mul3A_55 : i32 to index
      %get3A_550 = tpu.vector_load %arg6[%get3A_548, %get3A_549] {strides = array<i32>} : memref<64x512xi32, #tpu.memory_space<vmem>>, vector<16xi32>,
      %get3A_551 = arith.constant 45 : i32
      %get3A_552 = arith.index_cast %get3A_551 : i32 to index
      %get3A_553 = arith.index_cast %mul3A_55 : i32 to index
      %get3A_554 = tpu.vector_load %arg6[%get3A_552, %get3A_553] {strides = array<i32>} : memref<64x512xi32, #tpu.memory_space<vmem>>, vector<16xi32>,
      %get3A_555 = arith.constant 46 : i32
      %get3A_556 = arith.index_cast %get3A_555 : i32 to index
      %get3A_557 = arith.index_cast %mul3A_55 : i32 to index
      %get3A_558 = tpu.vector_load %arg6[%get3A_556, %get3A_557] {strides = array<i32>} : memref<64x512xi32, #tpu.memory_space<vmem>>, vector<16xi32>,
      %get3A_559 = arith.constant 47 : i32
      %get3A_560 = arith.index_cast %get3A_559 : i32 to index
      %get3A_561 = arith.index_cast %mul3A_55 : i32 to index
      %get3A_562 = tpu.vector_load %arg6[%get3A_560, %get3A_561] {strides = array<i32>} : memref<64x512xi32, #tpu.memory_space<vmem>>, vector<16xi32>,
      %max3A_563 = arith.maxui %get3A_534, %get3A_538 : vector<16xi32>
      %min3A_564 = arith.minui %get3A_534, %get3A_538 : vector<16xi32>
      %max3A_565 = arith.maxui %get3A_542, %get3A_546 : vector<16xi32>
      %min3A_566 = arith.minui %get3A_542, %get3A_546 : vector<16xi32>
      %max3A_567 = arith.maxui %get3A_550, %get3A_554 : vector<16xi32>
      %min3A_568 = arith.minui %get3A_550, %get3A_554 : vector<16xi32>
      %max3A_569 = arith.maxui %get3A_558, %get3A_562 : vector<16xi32>
      %min3A_570 = arith.minui %get3A_558, %get3A_562 : vector<16xi32>
      %max3A_571 = arith.maxui %max3A_563, %max3A_565 : vector<16xi32>
      %min3A_572 = arith.minui %max3A_563, %max3A_565 : vector<16xi32>
      %max3A_573 = arith.maxui %min3A_564, %min3A_566 : vector<16xi32>
      %min3A_574 = arith.minui %min3A_564, %min3A_566 : vector<16xi32>
      %max3A_575 = arith.maxui %max3A_567, %max3A_569 : vector<16xi32>
      %min3A_576 = arith.minui %max3A_567, %max3A_569 : vector<16xi32>
      %max3A_577 = arith.maxui %min3A_568, %min3A_570 : vector<16xi32>
      %min3A_578 = arith.minui %min3A_568, %min3A_570 : vector<16xi32>
      %max3A_579 = arith.maxui %max3A_573, %min3A_572 : vector<16xi32>
      %min3A_580 = arith.minui %max3A_573, %min3A_572 : vector<16xi32>
      %max3A_581 = arith.maxui %max3A_577, %min3A_576 : vector<16xi32>
      %min3A_582 = arith.minui %max3A_577, %min3A_576 : vector<16xi32>
      %max3A_583 = arith.maxui %max3A_571, %max3A_575 : vector<16xi32>
      %min3A_584 = arith.minui %max3A_571, %max3A_575 : vector<16xi32>
      %max3A_585 = arith.maxui %max3A_579, %max3A_581 : vector<16xi32>
      %min3A_586 = arith.minui %max3A_579, %max3A_581 : vector<16xi32>
      %max3A_587 = arith.maxui %min3A_580, %min3A_582 : vector<16xi32>
      %min3A_588 = arith.minui %min3A_580, %min3A_582 : vector<16xi32>
      %max3A_589 = arith.maxui %min3A_574, %min3A_578 : vector<16xi32>
      %min3A_590 = arith.minui %min3A_574, %min3A_578 : vector<16xi32>
      %max3A_591 = arith.maxui %max3A_587, %min3A_584 : vector<16xi32>
      %min3A_592 = arith.minui %max3A_587, %min3A_584 : vector<16xi32>
      %max3A_593 = arith.maxui %max3A_589, %min3A_586 : vector<16xi32>
      %min3A_594 = arith.minui %max3A_589, %min3A_586 : vector<16xi32>
      %max3A_595 = arith.maxui %max3A_585, %max3A_591 : vector<16xi32>
      %min3A_596 = arith.minui %max3A_585, %max3A_591 : vector<16xi32>
      %max3A_597 = arith.maxui %max3A_593, %min3A_592 : vector<16xi32>
      %min3A_598 = arith.minui %max3A_593, %min3A_592 : vector<16xi32>
      %max3A_599 = arith.maxui %min3A_594, %min3A_588 : vector<16xi32>
      %min3A_600 = arith.minui %min3A_594, %min3A_588 : vector<16xi32>
      %max3A_601 = arith.maxui %max3A_523, %min3A_590 : vector<16xi32>
      %max3A_602 = arith.maxui %min3A_524, %min3A_600 : vector<16xi32>
      %max3A_603 = arith.maxui %max3A_525, %max3A_599 : vector<16xi32>
      %max3A_604 = arith.maxui %min3A_526, %min3A_598 : vector<16xi32>
      %max3A_605 = arith.maxui %max3A_527, %max3A_597 : vector<16xi32>
      %max3A_606 = arith.maxui %min3A_528, %min3A_596 : vector<16xi32>
      %max3A_607 = arith.maxui %max3A_529, %max3A_595 : vector<16xi32>
      %max3A_608 = arith.maxui %min3A_530, %max3A_583 : vector<16xi32>
      %max3A_609 = arith.maxui %max3A_601, %max3A_605 : vector<16xi32>
      %min3A_610 = arith.minui %max3A_601, %max3A_605 : vector<16xi32>
      %max3A_611 = arith.maxui %max3A_602, %max3A_606 : vector<16xi32>
      %min3A_612 = arith.minui %max3A_602, %max3A_606 : vector<16xi32>
      %max3A_613 = arith.maxui %max3A_603, %max3A_607 : vector<16xi32>
      %min3A_614 = arith.minui %max3A_603, %max3A_607 : vector<16xi32>
      %max3A_615 = arith.maxui %max3A_604, %max3A_608 : vector<16xi32>
      %min3A_616 = arith.minui %max3A_604, %max3A_608 : vector<16xi32>
      %max3A_617 = arith.maxui %max3A_609, %max3A_613 : vector<16xi32>
      %min3A_618 = arith.minui %max3A_609, %max3A_613 : vector<16xi32>
      %max3A_619 = arith.maxui %max3A_611, %max3A_615 : vector<16xi32>
      %min3A_620 = arith.minui %max3A_611, %max3A_615 : vector<16xi32>
      %max3A_621 = arith.maxui %min3A_610, %min3A_614 : vector<16xi32>
      %min3A_622 = arith.minui %min3A_610, %min3A_614 : vector<16xi32>
      %max3A_623 = arith.maxui %min3A_612, %min3A_616 : vector<16xi32>
      %min3A_624 = arith.minui %min3A_612, %min3A_616 : vector<16xi32>
      %max3A_625 = arith.maxui %max3A_617, %max3A_619 : vector<16xi32>
      %min3A_626 = arith.minui %max3A_617, %max3A_619 : vector<16xi32>
      %max3A_627 = arith.maxui %min3A_618, %min3A_620 : vector<16xi32>
      %min3A_628 = arith.minui %min3A_618, %min3A_620 : vector<16xi32>
      %max3A_629 = arith.maxui %max3A_621, %max3A_623 : vector<16xi32>
      %min3A_630 = arith.minui %max3A_621, %max3A_623 : vector<16xi32>
      %max3A_631 = arith.maxui %min3A_622, %min3A_624 : vector<16xi32>
      %min3A_632 = arith.minui %min3A_622, %min3A_624 : vector<16xi32>
      %get3A_633 = arith.constant 48 : i32
      %get3A_634 = arith.index_cast %get3A_633 : i32 to index
      %get3A_635 = arith.index_cast %mul3A_55 : i32 to index
      %get3A_636 = tpu.vector_load %arg6[%get3A_634, %get3A_635] {strides = array<i32>} : memref<64x512xi32, #tpu.memory_space<vmem>>, vector<16xi32>,
      %get3A_637 = arith.constant 49 : i32
      %get3A_638 = arith.index_cast %get3A_637 : i32 to index
      %get3A_639 = arith.index_cast %mul3A_55 : i32 to index
      %get3A_640 = tpu.vector_load %arg6[%get3A_638, %get3A_639] {strides = array<i32>} : memref<64x512xi32, #tpu.memory_space<vmem>>, vector<16xi32>,
      %get3A_641 = arith.constant 50 : i32
      %get3A_642 = arith.index_cast %get3A_641 : i32 to index
      %get3A_643 = arith.index_cast %mul3A_55 : i32 to index
      %get3A_644 = tpu.vector_load %arg6[%get3A_642, %get3A_643] {strides = array<i32>} : memref<64x512xi32, #tpu.memory_space<vmem>>, vector<16xi32>,
      %get3A_645 = arith.constant 51 : i32
      %get3A_646 = arith.index_cast %get3A_645 : i32 to index
      %get3A_647 = arith.index_cast %mul3A_55 : i32 to index
      %get3A_648 = tpu.vector_load %arg6[%get3A_646, %get3A_647] {strides = array<i32>} : memref<64x512xi32, #tpu.memory_space<vmem>>, vector<16xi32>,
      %get3A_649 = arith.constant 52 : i32
      %get3A_650 = arith.index_cast %get3A_649 : i32 to index
      %get3A_651 = arith.index_cast %mul3A_55 : i32 to index
      %get3A_652 = tpu.vector_load %arg6[%get3A_650, %get3A_651] {strides = array<i32>} : memref<64x512xi32, #tpu.memory_space<vmem>>, vector<16xi32>,
      %get3A_653 = arith.constant 53 : i32
      %get3A_654 = arith.index_cast %get3A_653 : i32 to index
      %get3A_655 = arith.index_cast %mul3A_55 : i32 to index
      %get3A_656 = tpu.vector_load %arg6[%get3A_654, %get3A_655] {strides = array<i32>} : memref<64x512xi32, #tpu.memory_space<vmem>>, vector<16xi32>,
      %get3A_657 = arith.constant 54 : i32
      %get3A_658 = arith.index_cast %get3A_657 : i32 to index
      %get3A_659 = arith.index_cast %mul3A_55 : i32 to index
      %get3A_660 = tpu.vector_load %arg6[%get3A_658, %get3A_659] {strides = array<i32>} : memref<64x512xi32, #tpu.memory_space<vmem>>, vector<16xi32>,
      %get3A_661 = arith.constant 55 : i32
      %get3A_662 = arith.index_cast %get3A_661 : i32 to index
      %get3A_663 = arith.index_cast %mul3A_55 : i32 to index
      %get3A_664 = tpu.vector_load %arg6[%get3A_662, %get3A_663] {strides = array<i32>} : memref<64x512xi32, #tpu.memory_space<vmem>>, vector<16xi32>,
      %max3A_665 = arith.maxui %get3A_636, %get3A_640 : vector<16xi32>
      %min3A_666 = arith.minui %get3A_636, %get3A_640 : vector<16xi32>
      %max3A_667 = arith.maxui %get3A_644, %get3A_648 : vector<16xi32>
      %min3A_668 = arith.minui %get3A_644, %get3A_648 : vector<16xi32>
      %max3A_669 = arith.maxui %get3A_652, %get3A_656 : vector<16xi32>
      %min3A_670 = arith.minui %get3A_652, %get3A_656 : vector<16xi32>
      %max3A_671 = arith.maxui %get3A_660, %get3A_664 : vector<16xi32>
      %min3A_672 = arith.minui %get3A_660, %get3A_664 : vector<16xi32>
      %max3A_673 = arith.maxui %max3A_665, %max3A_667 : vector<16xi32>
      %min3A_674 = arith.minui %max3A_665, %max3A_667 : vector<16xi32>
      %max3A_675 = arith.maxui %min3A_666, %min3A_668 : vector<16xi32>
      %min3A_676 = arith.minui %min3A_666, %min3A_668 : vector<16xi32>
      %max3A_677 = arith.maxui %max3A_669, %max3A_671 : vector<16xi32>
      %min3A_678 = arith.minui %max3A_669, %max3A_671 : vector<16xi32>
      %max3A_679 = arith.maxui %min3A_670, %min3A_672 : vector<16xi32>
      %min3A_680 = arith.minui %min3A_670, %min3A_672 : vector<16xi32>
      %max3A_681 = arith.maxui %max3A_675, %min3A_674 : vector<16xi32>
      %min3A_682 = arith.minui %max3A_675, %min3A_674 : vector<16xi32>
      %max3A_683 = arith.maxui %max3A_679, %min3A_678 : vector<16xi32>
      %min3A_684 = arith.minui %max3A_679, %min3A_678 : vector<16xi32>
      %max3A_685 = arith.maxui %max3A_673, %max3A_677 : vector<16xi32>
      %min3A_686 = arith.minui %max3A_673, %max3A_677 : vector<16xi32>
      %max3A_687 = arith.maxui %max3A_681, %max3A_683 : vector<16xi32>
      %min3A_688 = arith.minui %max3A_681, %max3A_683 : vector<16xi32>
      %max3A_689 = arith.maxui %min3A_682, %min3A_684 : vector<16xi32>
      %min3A_690 = arith.minui %min3A_682, %min3A_684 : vector<16xi32>
      %max3A_691 = arith.maxui %min3A_676, %min3A_680 : vector<16xi32>
      %min3A_692 = arith.minui %min3A_676, %min3A_680 : vector<16xi32>
      %max3A_693 = arith.maxui %max3A_689, %min3A_686 : vector<16xi32>
      %min3A_694 = arith.minui %max3A_689, %min3A_686 : vector<16xi32>
      %max3A_695 = arith.maxui %max3A_691, %min3A_688 : vector<16xi32>
      %min3A_696 = arith.minui %max3A_691, %min3A_688 : vector<16xi32>
      %max3A_697 = arith.maxui %max3A_687, %max3A_693 : vector<16xi32>
      %min3A_698 = arith.minui %max3A_687, %max3A_693 : vector<16xi32>
      %max3A_699 = arith.maxui %max3A_695, %min3A_694 : vector<16xi32>
      %min3A_700 = arith.minui %max3A_695, %min3A_694 : vector<16xi32>
      %max3A_701 = arith.maxui %min3A_696, %min3A_690 : vector<16xi32>
      %min3A_702 = arith.minui %min3A_696, %min3A_690 : vector<16xi32>
      %max3A_703 = arith.maxui %max3A_625, %min3A_692 : vector<16xi32>
      %max3A_704 = arith.maxui %min3A_626, %min3A_702 : vector<16xi32>
      %max3A_705 = arith.maxui %max3A_627, %max3A_701 : vector<16xi32>
      %max3A_706 = arith.maxui %min3A_628, %min3A_700 : vector<16xi32>
      %max3A_707 = arith.maxui %max3A_629, %max3A_699 : vector<16xi32>
      %max3A_708 = arith.maxui %min3A_630, %min3A_698 : vector<16xi32>
      %max3A_709 = arith.maxui %max3A_631, %max3A_697 : vector<16xi32>
      %max3A_710 = arith.maxui %min3A_632, %max3A_685 : vector<16xi32>
      %max3A_711 = arith.maxui %max3A_703, %max3A_707 : vector<16xi32>
      %min3A_712 = arith.minui %max3A_703, %max3A_707 : vector<16xi32>
      %max3A_713 = arith.maxui %max3A_704, %max3A_708 : vector<16xi32>
      %min3A_714 = arith.minui %max3A_704, %max3A_708 : vector<16xi32>
      %max3A_715 = arith.maxui %max3A_705, %max3A_709 : vector<16xi32>
      %min3A_716 = arith.minui %max3A_705, %max3A_709 : vector<16xi32>
      %max3A_717 = arith.maxui %max3A_706, %max3A_710 : vector<16xi32>
      %min3A_718 = arith.minui %max3A_706, %max3A_710 : vector<16xi32>
      %max3A_719 = arith.maxui %max3A_711, %max3A_715 : vector<16xi32>
      %min3A_720 = arith.minui %max3A_711, %max3A_715 : vector<16xi32>
      %max3A_721 = arith.maxui %max3A_713, %max3A_717 : vector<16xi32>
      %min3A_722 = arith.minui %max3A_713, %max3A_717 : vector<16xi32>
      %max3A_723 = arith.maxui %min3A_712, %min3A_716 : vector<16xi32>
      %min3A_724 = arith.minui %min3A_712, %min3A_716 : vector<16xi32>
      %max3A_725 = arith.maxui %min3A_714, %min3A_718 : vector<16xi32>
      %min3A_726 = arith.minui %min3A_714, %min3A_718 : vector<16xi32>
      %max3A_727 = arith.maxui %max3A_719, %max3A_721 : vector<16xi32>
      %min3A_728 = arith.minui %max3A_719, %max3A_721 : vector<16xi32>
      %max3A_729 = arith.maxui %min3A_720, %min3A_722 : vector<16xi32>
      %min3A_730 = arith.minui %min3A_720, %min3A_722 : vector<16xi32>
      %max3A_731 = arith.maxui %max3A_723, %max3A_725 : vector<16xi32>
      %min3A_732 = arith.minui %max3A_723, %max3A_725 : vector<16xi32>
      %max3A_733 = arith.maxui %min3A_724, %min3A_726 : vector<16xi32>
      %min3A_734 = arith.minui %min3A_724, %min3A_726 : vector<16xi32>
      %get3A_735 = arith.constant 56 : i32
      %get3A_736 = arith.index_cast %get3A_735 : i32 to index
      %get3A_737 = arith.index_cast %mul3A_55 : i32 to index
      %get3A_738 = tpu.vector_load %arg6[%get3A_736, %get3A_737] {strides = array<i32>} : memref<64x512xi32, #tpu.memory_space<vmem>>, vector<16xi32>,
      %get3A_739 = arith.constant 57 : i32
      %get3A_740 = arith.index_cast %get3A_739 : i32 to index
      %get3A_741 = arith.index_cast %mul3A_55 : i32 to index
      %get3A_742 = tpu.vector_load %arg6[%get3A_740, %get3A_741] {strides = array<i32>} : memref<64x512xi32, #tpu.memory_space<vmem>>, vector<16xi32>,
      %get3A_743 = arith.constant 58 : i32
      %get3A_744 = arith.index_cast %get3A_743 : i32 to index
      %get3A_745 = arith.index_cast %mul3A_55 : i32 to index
      %get3A_746 = tpu.vector_load %arg6[%get3A_744, %get3A_745] {strides = array<i32>} : memref<64x512xi32, #tpu.memory_space<vmem>>, vector<16xi32>,
      %get3A_747 = arith.constant 59 : i32
      %get3A_748 = arith.index_cast %get3A_747 : i32 to index
      %get3A_749 = arith.index_cast %mul3A_55 : i32 to index
      %get3A_750 = tpu.vector_load %arg6[%get3A_748, %get3A_749] {strides = array<i32>} : memref<64x512xi32, #tpu.memory_space<vmem>>, vector<16xi32>,
      %get3A_751 = arith.constant 60 : i32
      %get3A_752 = arith.index_cast %get3A_751 : i32 to index
      %get3A_753 = arith.index_cast %mul3A_55 : i32 to index
      %get3A_754 = tpu.vector_load %arg6[%get3A_752, %get3A_753] {strides = array<i32>} : memref<64x512xi32, #tpu.memory_space<vmem>>, vector<16xi32>,
      %get3A_755 = arith.constant 61 : i32
      %get3A_756 = arith.index_cast %get3A_755 : i32 to index
      %get3A_757 = arith.index_cast %mul3A_55 : i32 to index
      %get3A_758 = tpu.vector_load %arg6[%get3A_756, %get3A_757] {strides = array<i32>} : memref<64x512xi32, #tpu.memory_space<vmem>>, vector<16xi32>,
      %get3A_759 = arith.constant 62 : i32
      %get3A_760 = arith.index_cast %get3A_759 : i32 to index
      %get3A_761 = arith.index_cast %mul3A_55 : i32 to index
      %get3A_762 = tpu.vector_load %arg6[%get3A_760, %get3A_761] {strides = array<i32>} : memref<64x512xi32, #tpu.memory_space<vmem>>, vector<16xi32>,
      %get3A_763 = arith.constant 63 : i32
      %get3A_764 = arith.index_cast %get3A_763 : i32 to index
      %get3A_765 = arith.index_cast %mul3A_55 : i32 to index
      %get3A_766 = tpu.vector_load %arg6[%get3A_764, %get3A_765] {strides = array<i32>} : memref<64x512xi32, #tpu.memory_space<vmem>>, vector<16xi32>,
      %max3A_767 = arith.maxui %get3A_738, %get3A_742 : vector<16xi32>
      %min3A_768 = arith.minui %get3A_738, %get3A_742 : vector<16xi32>
      %max3A_769 = arith.maxui %get3A_746, %get3A_750 : vector<16xi32>
      %min3A_770 = arith.minui %get3A_746, %get3A_750 : vector<16xi32>
      %max3A_771 = arith.maxui %get3A_754, %get3A_758 : vector<16xi32>
      %min3A_772 = arith.minui %get3A_754, %get3A_758 : vector<16xi32>
      %max3A_773 = arith.maxui %get3A_762, %get3A_766 : vector<16xi32>
      %min3A_774 = arith.minui %get3A_762, %get3A_766 : vector<16xi32>
      %max3A_775 = arith.maxui %max3A_767, %max3A_769 : vector<16xi32>
      %min3A_776 = arith.minui %max3A_767, %max3A_769 : vector<16xi32>
      %max3A_777 = arith.maxui %min3A_768, %min3A_770 : vector<16xi32>
      %min3A_778 = arith.minui %min3A_768, %min3A_770 : vector<16xi32>
      %max3A_779 = arith.maxui %max3A_771, %max3A_773 : vector<16xi32>
      %min3A_780 = arith.minui %max3A_771, %max3A_773 : vector<16xi32>
      %max3A_781 = arith.maxui %min3A_772, %min3A_774 : vector<16xi32>
      %min3A_782 = arith.minui %min3A_772, %min3A_774 : vector<16xi32>
      %max3A_783 = arith.maxui %max3A_777, %min3A_776 : vector<16xi32>
      %min3A_784 = arith.minui %max3A_777, %min3A_776 : vector<16xi32>
      %max3A_785 = arith.maxui %max3A_781, %min3A_780 : vector<16xi32>
      %min3A_786 = arith.minui %max3A_781, %min3A_780 : vector<16xi32>
      %max3A_787 = arith.maxui %max3A_775, %max3A_779 : vector<16xi32>
      %min3A_788 = arith.minui %max3A_775, %max3A_779 : vector<16xi32>
      %max3A_789 = arith.maxui %max3A_783, %max3A_785 : vector<16xi32>
      %min3A_790 = arith.minui %max3A_783, %max3A_785 : vector<16xi32>
      %max3A_791 = arith.maxui %min3A_784, %min3A_786 : vector<16xi32>
      %min3A_792 = arith.minui %min3A_784, %min3A_786 : vector<16xi32>
      %max3A_793 = arith.maxui %min3A_778, %min3A_782 : vector<16xi32>
      %min3A_794 = arith.minui %min3A_778, %min3A_782 : vector<16xi32>
      %max3A_795 = arith.maxui %max3A_791, %min3A_788 : vector<16xi32>
      %min3A_796 = arith.minui %max3A_791, %min3A_788 : vector<16xi32>
      %max3A_797 = arith.maxui %max3A_793, %min3A_790 : vector<16xi32>
      %min3A_798 = arith.minui %max3A_793, %min3A_790 : vector<16xi32>
      %max3A_799 = arith.maxui %max3A_789, %max3A_795 : vector<16xi32>
      %min3A_800 = arith.minui %max3A_789, %max3A_795 : vector<16xi32>
      %max3A_801 = arith.maxui %max3A_797, %min3A_796 : vector<16xi32>
      %min3A_802 = arith.minui %max3A_797, %min3A_796 : vector<16xi32>
      %max3A_803 = arith.maxui %min3A_798, %min3A_792 : vector<16xi32>
      %min3A_804 = arith.minui %min3A_798, %min3A_792 : vector<16xi32>
      %max3A_805 = arith.maxui %max3A_727, %min3A_794 : vector<16xi32>
      %max3A_806 = arith.maxui %min3A_728, %min3A_804 : vector<16xi32>
      %max3A_807 = arith.maxui %max3A_729, %max3A_803 : vector<16xi32>
      %max3A_808 = arith.maxui %min3A_730, %min3A_802 : vector<16xi32>
      %max3A_809 = arith.maxui %max3A_731, %max3A_801 : vector<16xi32>
      %max3A_810 = arith.maxui %min3A_732, %min3A_800 : vector<16xi32>
      %max3A_811 = arith.maxui %max3A_733, %max3A_799 : vector<16xi32>
      %max3A_812 = arith.maxui %min3A_734, %max3A_787 : vector<16xi32>
      %max3A_813 = arith.maxui %max3A_805, %max3A_809 : vector<16xi32>
      %min3A_814 = arith.minui %max3A_805, %max3A_809 : vector<16xi32>
      %max3A_815 = arith.maxui %max3A_806, %max3A_810 : vector<16xi32>
      %min3A_816 = arith.minui %max3A_806, %max3A_810 : vector<16xi32>
      %max3A_817 = arith.maxui %max3A_807, %max3A_811 : vector<16xi32>
      %min3A_818 = arith.minui %max3A_807, %max3A_811 : vector<16xi32>
      %max3A_819 = arith.maxui %max3A_808, %max3A_812 : vector<16xi32>
      %min3A_820 = arith.minui %max3A_808, %max3A_812 : vector<16xi32>
      %max3A_821 = arith.maxui %max3A_813, %max3A_817 : vector<16xi32>
      %min3A_822 = arith.minui %max3A_813, %max3A_817 : vector<16xi32>
      %max3A_823 = arith.maxui %max3A_815, %max3A_819 : vector<16xi32>
      %min3A_824 = arith.minui %max3A_815, %max3A_819 : vector<16xi32>
      %max3A_825 = arith.maxui %min3A_814, %min3A_818 : vector<16xi32>
      %min3A_826 = arith.minui %min3A_814, %min3A_818 : vector<16xi32>
      %max3A_827 = arith.maxui %min3A_816, %min3A_820 : vector<16xi32>
      %min3A_828 = arith.minui %min3A_816, %min3A_820 : vector<16xi32>
      %max3A_829 = arith.maxui %max3A_821, %max3A_823 : vector<16xi32>
      %min3A_830 = arith.minui %max3A_821, %max3A_823 : vector<16xi32>
      %max3A_831 = arith.maxui %min3A_822, %min3A_824 : vector<16xi32>
      %min3A_832 = arith.minui %min3A_822, %min3A_824 : vector<16xi32>
      %max3A_833 = arith.maxui %max3A_825, %max3A_827 : vector<16xi32>
      %min3A_834 = arith.minui %max3A_825, %max3A_827 : vector<16xi32>
      %max3A_835 = arith.maxui %min3A_826, %min3A_828 : vector<16xi32>
      %min3A_836 = arith.minui %min3A_826, %min3A_828 : vector<16xi32>
      %and3A = arith.constant 63 : i32
      %and3A_837 = vector.broadcast %and3A : i32 to vector<16xi32>
      %and3A_838 = arith.andi %max3A_829, %and3A_837 : vector<16xi32>
      %sub3A = arith.constant 63 : i32
      %sub3A_839 = vector.broadcast %sub3A : i32 to vector<16xi32>
      %sub3A_840 = arith.subi %sub3A_839, %and3A_838 : vector<16xi32>
      %bitcast_convert_type3A = tpu.bitcast %sub3A_840 : vector<16xi32> -> vector<16xi32>
      %and3A_841 = arith.constant 63 : i32
      %and3A_842 = vector.broadcast %and3A_841 : i32 to vector<16xi32>
      %and3A_843 = arith.andi %min3A_830, %and3A_842 : vector<16xi32>
      %sub3A_844 = arith.constant 63 : i32
      %sub3A_845 = vector.broadcast %sub3A_844 : i32 to vector<16xi32>
      %sub3A_846 = arith.subi %sub3A_845, %and3A_843 : vector<16xi32>
      %bitcast_convert_type3A_847 = tpu.bitcast %sub3A_846 : vector<16xi32> -> vector<16xi32>
      %and3A_848 = arith.constant 63 : i32
      %and3A_849 = vector.broadcast %and3A_848 : i32 to vector<16xi32>
      %and3A_850 = arith.andi %max3A_831, %and3A_849 : vector<16xi32>
      %sub3A_851 = arith.constant 63 : i32
      %sub3A_852 = vector.broadcast %sub3A_851 : i32 to vector<16xi32>
      %sub3A_853 = arith.subi %sub3A_852, %and3A_850 : vector<16xi32>
      %bitcast_convert_type3A_854 = tpu.bitcast %sub3A_853 : vector<16xi32> -> vector<16xi32>
      %and3A_855 = arith.constant 63 : i32
      %and3A_856 = vector.broadcast %and3A_855 : i32 to vector<16xi32>
      %and3A_857 = arith.andi %min3A_832, %and3A_856 : vector<16xi32>
      %sub3A_858 = arith.constant 63 : i32
      %sub3A_859 = vector.broadcast %sub3A_858 : i32 to vector<16xi32>
      %sub3A_860 = arith.subi %sub3A_859, %and3A_857 : vector<16xi32>
      %bitcast_convert_type3A_861 = tpu.bitcast %sub3A_860 : vector<16xi32> -> vector<16xi32>
      %and3A_862 = arith.constant 63 : i32
      %and3A_863 = vector.broadcast %and3A_862 : i32 to vector<16xi32>
      %and3A_864 = arith.andi %max3A_833, %and3A_863 : vector<16xi32>
      %sub3A_865 = arith.constant 63 : i32
      %sub3A_866 = vector.broadcast %sub3A_865 : i32 to vector<16xi32>
      %sub3A_867 = arith.subi %sub3A_866, %and3A_864 : vector<16xi32>
      %bitcast_convert_type3A_868 = tpu.bitcast %sub3A_867 : vector<16xi32> -> vector<16xi32>
      %and3A_869 = arith.constant 63 : i32
      %and3A_870 = vector.broadcast %and3A_869 : i32 to vector<16xi32>
      %and3A_871 = arith.andi %min3A_834, %and3A_870 : vector<16xi32>
      %sub3A_872 = arith.constant 63 : i32
      %sub3A_873 = vector.broadcast %sub3A_872 : i32 to vector<16xi32>
      %sub3A_874 = arith.subi %sub3A_873, %and3A_871 : vector<16xi32>
      %bitcast_convert_type3A_875 = tpu.bitcast %sub3A_874 : vector<16xi32> -> vector<16xi32>
      %and3A_876 = arith.constant 63 : i32
      %and3A_877 = vector.broadcast %and3A_876 : i32 to vector<16xi32>
      %and3A_878 = arith.andi %max3A_835, %and3A_877 : vector<16xi32>
      %sub3A_879 = arith.constant 63 : i32
      %sub3A_880 = vector.broadcast %sub3A_879 : i32 to vector<16xi32>
      %sub3A_881 = arith.subi %sub3A_880, %and3A_878 : vector<16xi32>
      %bitcast_convert_type3A_882 = tpu.bitcast %sub3A_881 : vector<16xi32> -> vector<16xi32>
      %and3A_883 = arith.constant 63 : i32
      %and3A_884 = vector.broadcast %and3A_883 : i32 to vector<16xi32>
      %and3A_885 = arith.andi %min3A_836, %and3A_884 : vector<16xi32>
      %sub3A_886 = arith.constant 63 : i32
      %sub3A_887 = vector.broadcast %sub3A_886 : i32 to vector<16xi32>
      %sub3A_888 = arith.subi %sub3A_887, %and3A_885 : vector<16xi32>
      %bitcast_convert_type3A_889 = tpu.bitcast %sub3A_888 : vector<16xi32> -> vector<16xi32>
      %xor3A = arith.constant -2147483648 : i32
      %xor3A_890 = vector.broadcast %xor3A : i32 to vector<16xi32>
      %xor3A_891 = arith.xori %max3A_829, %xor3A_890 : vector<16xi32>
      %bitcast_convert_type3A_892 = tpu.bitcast %xor3A_891 : vector<16xi32> -> vector<16xi32>
      %shift_right_arithmetic3A = arith.constant 31 : i32
      %shift_right_arithmetic3A_893 = vector.broadcast %shift_right_arithmetic3A : i32 to vector<16xi32>
      %shift_right_arithmetic3A_894 = arith.shrsi %bitcast_convert_type3A_892, %shift_right_arithmetic3A_893 : vector<16xi32>
      %and3A_895 = arith.constant -64 : i32
      %and3A_896 = vector.broadcast %and3A_895 : i32 to vector<16xi32>
      %and3A_897 = arith.andi %bitcast_convert_type3A_892, %and3A_896 : vector<16xi32>
      %and3A_898 = arith.constant 2147483647 : i32
      %and3A_899 = vector.broadcast %and3A_898 : i32 to vector<16xi32>
      %and3A_900 = arith.andi %shift_right_arithmetic3A_894, %and3A_899 : vector<16xi32>
      %xor3A_901 = arith.xori %and3A_897, %and3A_900 : vector<16xi32>
      %bitcast_convert_type3A_902 = tpu.bitcast %xor3A_901 : vector<16xi32> -> vector<16xf32>
      %xor3A_903 = arith.constant -2147483648 : i32
      %xor3A_904 = vector.broadcast %xor3A_903 : i32 to vector<16xi32>
      %xor3A_905 = arith.xori %min3A_830, %xor3A_904 : vector<16xi32>
      %bitcast_convert_type3A_906 = tpu.bitcast %xor3A_905 : vector<16xi32> -> vector<16xi32>
      %shift_right_arithmetic3A_907 = arith.constant 31 : i32
      %shift_right_arithmetic3A_908 = vector.broadcast %shift_right_arithmetic3A_907 : i32 to vector<16xi32>
      %shift_right_arithmetic3A_909 = arith.shrsi %bitcast_convert_type3A_906, %shift_right_arithmetic3A_908 : vector<16xi32>
      %and3A_910 = arith.constant -64 : i32
      %and3A_911 = vector.broadcast %and3A_910 : i32 to vector<16xi32>
      %and3A_912 = arith.andi %bitcast_convert_type3A_906, %and3A_911 : vector<16xi32>
      %and3A_913 = arith.constant 2147483647 : i32
      %and3A_914 = vector.broadcast %and3A_913 : i32 to vector<16xi32>
      %and3A_915 = arith.andi %shift_right_arithmetic3A_909, %and3A_914 : vector<16xi32>
      %xor3A_916 = arith.xori %and3A_912, %and3A_915 : vector<16xi32>
      %bitcast_convert_type3A_917 = tpu.bitcast %xor3A_916 : vector<16xi32> -> vector<16xf32>
      %xor3A_918 = arith.constant -2147483648 : i32
      %xor3A_919 = vector.broadcast %xor3A_918 : i32 to vector<16xi32>
      %xor3A_920 = arith.xori %max3A_831, %xor3A_919 : vector<16xi32>
      %bitcast_convert_type3A_921 = tpu.bitcast %xor3A_920 : vector<16xi32> -> vector<16xi32>
      %shift_right_arithmetic3A_922 = arith.constant 31 : i32
      %shift_right_arithmetic3A_923 = vector.broadcast %shift_right_arithmetic3A_922 : i32 to vector<16xi32>
      %shift_right_arithmetic3A_924 = arith.shrsi %bitcast_convert_type3A_921, %shift_right_arithmetic3A_923 : vector<16xi32>
      %and3A_925 = arith.constant -64 : i32
      %and3A_926 = vector.broadcast %and3A_925 : i32 to vector<16xi32>
      %and3A_927 = arith.andi %bitcast_convert_type3A_921, %and3A_926 : vector<16xi32>
      %and3A_928 = arith.constant 2147483647 : i32
      %and3A_929 = vector.broadcast %and3A_928 : i32 to vector<16xi32>
      %and3A_930 = arith.andi %shift_right_arithmetic3A_924, %and3A_929 : vector<16xi32>
      %xor3A_931 = arith.xori %and3A_927, %and3A_930 : vector<16xi32>
      %bitcast_convert_type3A_932 = tpu.bitcast %xor3A_931 : vector<16xi32> -> vector<16xf32>
      %xor3A_933 = arith.constant -2147483648 : i32
      %xor3A_934 = vector.broadcast %xor3A_933 : i32 to vector<16xi32>
      %xor3A_935 = arith.xori %min3A_832, %xor3A_934 : vector<16xi32>
      %bitcast_convert_type3A_936 = tpu.bitcast %xor3A_935 : vector<16xi32> -> vector<16xi32>
      %shift_right_arithmetic3A_937 = arith.constant 31 : i32
      %shift_right_arithmetic3A_938 = vector.broadcast %shift_right_arithmetic3A_937 : i32 to vector<16xi32>
      %shift_right_arithmetic3A_939 = arith.shrsi %bitcast_convert_type3A_936, %shift_right_arithmetic3A_938 : vector<16xi32>
      %and3A_940 = arith.constant -64 : i32
      %and3A_941 = vector.broadcast %and3A_940 : i32 to vector<16xi32>
      %and3A_942 = arith.andi %bitcast_convert_type3A_936, %and3A_941 : vector<16xi32>
      %and3A_943 = arith.constant 2147483647 : i32
      %and3A_944 = vector.broadcast %and3A_943 : i32 to vector<16xi32>
      %and3A_945 = arith.andi %shift_right_arithmetic3A_939, %and3A_944 : vector<16xi32>
      %xor3A_946 = arith.xori %and3A_942, %and3A_945 : vector<16xi32>
      %bitcast_convert_type3A_947 = tpu.bitcast %xor3A_946 : vector<16xi32> -> vector<16xf32>
      %xor3A_948 = arith.constant -2147483648 : i32
      %xor3A_949 = vector.broadcast %xor3A_948 : i32 to vector<16xi32>
      %xor3A_950 = arith.xori %max3A_833, %xor3A_949 : vector<16xi32>
      %bitcast_convert_type3A_951 = tpu.bitcast %xor3A_950 : vector<16xi32> -> vector<16xi32>
      %shift_right_arithmetic3A_952 = arith.constant 31 : i32
      %shift_right_arithmetic3A_953 = vector.broadcast %shift_right_arithmetic3A_952 : i32 to vector<16xi32>
      %shift_right_arithmetic3A_954 = arith.shrsi %bitcast_convert_type3A_951, %shift_right_arithmetic3A_953 : vector<16xi32>
      %and3A_955 = arith.constant -64 : i32
      %and3A_956 = vector.broadcast %and3A_955 : i32 to vector<16xi32>
      %and3A_957 = arith.andi %bitcast_convert_type3A_951, %and3A_956 : vector<16xi32>
      %and3A_958 = arith.constant 2147483647 : i32
      %and3A_959 = vector.broadcast %and3A_958 : i32 to vector<16xi32>
      %and3A_960 = arith.andi %shift_right_arithmetic3A_954, %and3A_959 : vector<16xi32>
      %xor3A_961 = arith.xori %and3A_957, %and3A_960 : vector<16xi32>
      %bitcast_convert_type3A_962 = tpu.bitcast %xor3A_961 : vector<16xi32> -> vector<16xf32>
      %xor3A_963 = arith.constant -2147483648 : i32
      %xor3A_964 = vector.broadcast %xor3A_963 : i32 to vector<16xi32>
      %xor3A_965 = arith.xori %min3A_834, %xor3A_964 : vector<16xi32>
      %bitcast_convert_type3A_966 = tpu.bitcast %xor3A_965 : vector<16xi32> -> vector<16xi32>
      %shift_right_arithmetic3A_967 = arith.constant 31 : i32
      %shift_right_arithmetic3A_968 = vector.broadcast %shift_right_arithmetic3A_967 : i32 to vector<16xi32>
      %shift_right_arithmetic3A_969 = arith.shrsi %bitcast_convert_type3A_966, %shift_right_arithmetic3A_968 : vector<16xi32>
      %and3A_970 = arith.constant -64 : i32
      %and3A_971 = vector.broadcast %and3A_970 : i32 to vector<16xi32>
      %and3A_972 = arith.andi %bitcast_convert_type3A_966, %and3A_971 : vector<16xi32>
      %and3A_973 = arith.constant 2147483647 : i32
      %and3A_974 = vector.broadcast %and3A_973 : i32 to vector<16xi32>
      %and3A_975 = arith.andi %shift_right_arithmetic3A_969, %and3A_974 : vector<16xi32>
      %xor3A_976 = arith.xori %and3A_972, %and3A_975 : vector<16xi32>
      %bitcast_convert_type3A_977 = tpu.bitcast %xor3A_976 : vector<16xi32> -> vector<16xf32>
      %xor3A_978 = arith.constant -2147483648 : i32
      %xor3A_979 = vector.broadcast %xor3A_978 : i32 to vector<16xi32>
      %xor3A_980 = arith.xori %max3A_835, %xor3A_979 : vector<16xi32>
      %bitcast_convert_type3A_981 = tpu.bitcast %xor3A_980 : vector<16xi32> -> vector<16xi32>
      %shift_right_arithmetic3A_982 = arith.constant 31 : i32
      %shift_right_arithmetic3A_983 = vector.broadcast %shift_right_arithmetic3A_982 : i32 to vector<16xi32>
      %shift_right_arithmetic3A_984 = arith.shrsi %bitcast_convert_type3A_981, %shift_right_arithmetic3A_983 : vector<16xi32>
      %and3A_985 = arith.constant -64 : i32
      %and3A_986 = vector.broadcast %and3A_985 : i32 to vector<16xi32>
      %and3A_987 = arith.andi %bitcast_convert_type3A_981, %and3A_986 : vector<16xi32>
      %and3A_988 = arith.constant 2147483647 : i32
      %and3A_989 = vector.broadcast %and3A_988 : i32 to vector<16xi32>
      %and3A_990 = arith.andi %shift_right_arithmetic3A_984, %and3A_989 : vector<16xi32>
      %xor3A_991 = arith.xori %and3A_987, %and3A_990 : vector<16xi32>
      %bitcast_convert_type3A_992 = tpu.bitcast %xor3A_991 : vector<16xi32> -> vector<16xf32>
      %xor3A_993 = arith.constant -2147483648 : i32
      %xor3A_994 = vector.broadcast %xor3A_993 : i32 to vector<16xi32>
      %xor3A_995 = arith.xori %min3A_836, %xor3A_994 : vector<16xi32>
      %bitcast_convert_type3A_996 = tpu.bitcast %xor3A_995 : vector<16xi32> -> vector<16xi32>
      %shift_right_arithmetic3A_997 = arith.constant 31 : i32
      %shift_right_arithmetic3A_998 = vector.broadcast %shift_right_arithmetic3A_997 : i32 to vector<16xi32>
      %shift_right_arithmetic3A_999 = arith.shrsi %bitcast_convert_type3A_996, %shift_right_arithmetic3A_998 : vector<16xi32>
      %and3A_1000 = arith.constant -64 : i32
      %and3A_1001 = vector.broadcast %and3A_1000 : i32 to vector<16xi32>
      %and3A_1002 = arith.andi %bitcast_convert_type3A_996, %and3A_1001 : vector<16xi32>
      %and3A_1003 = arith.constant 2147483647 : i32
      %and3A_1004 = vector.broadcast %and3A_1003 : i32 to vector<16xi32>
      %and3A_1005 = arith.andi %shift_right_arithmetic3A_999, %and3A_1004 : vector<16xi32>
      %xor3A_1006 = arith.xori %and3A_1002, %and3A_1005 : vector<16xi32>
      %bitcast_convert_type3A_1007 = tpu.bitcast %xor3A_1006 : vector<16xi32> -> vector<16xf32>
      %sub3A_1008 = arith.subf %bitcast_convert_type3A_917, %bitcast_convert_type3A_902 : vector<16xf32>
      %exp3A = math.exp %sub3A_1008 : vector<16xf32>
      %sub3A_1009 = arith.subf %bitcast_convert_type3A_932, %bitcast_convert_type3A_902 : vector<16xf32>
      %exp3A_1010 = math.exp %sub3A_1009 : vector<16xf32>
      %sub3A_1011 = arith.subf %bitcast_convert_type3A_947, %bitcast_convert_type3A_902 : vector<16xf32>
      %exp3A_1012 = math.exp %sub3A_1011 : vector<16xf32>
      %sub3A_1013 = arith.subf %bitcast_convert_type3A_962, %bitcast_convert_type3A_902 : vector<16xf32>
      %exp3A_1014 = math.exp %sub3A_1013 : vector<16xf32>
      %sub3A_1015 = arith.subf %bitcast_convert_type3A_977, %bitcast_convert_type3A_902 : vector<16xf32>
      %exp3A_1016 = math.exp %sub3A_1015 : vector<16xf32>
      %sub3A_1017 = arith.subf %bitcast_convert_type3A_992, %bitcast_convert_type3A_902 : vector<16xf32>
      %exp3A_1018 = math.exp %sub3A_1017 : vector<16xf32>
      %sub3A_1019 = arith.subf %bitcast_convert_type3A_1007, %bitcast_convert_type3A_902 : vector<16xf32>
      %exp3A_1020 = math.exp %sub3A_1019 : vector<16xf32>
      %add3A_1021 = arith.addf %broadcast_in_dim3A_14, %exp3A : vector<16xf32>
      %add3A_1022 = arith.addf %add3A_1021, %exp3A_1010 : vector<16xf32>
      %add3A_1023 = arith.addf %add3A_1022, %exp3A_1012 : vector<16xf32>
      %add3A_1024 = arith.addf %add3A_1023, %exp3A_1014 : vector<16xf32>
      %add3A_1025 = arith.addf %add3A_1024, %exp3A_1016 : vector<16xf32>
      %add3A_1026 = arith.addf %add3A_1025, %exp3A_1018 : vector<16xf32>
      %add3A_1027 = arith.addf %add3A_1026, %exp3A_1020 : vector<16xf32>
      %div3A = arith.divf %broadcast_in_dim3A_14, %add3A_1027 : vector<16xf32>
      %mul3A_1028 = arith.mulf %broadcast_in_dim3A_14, %div3A : vector<16xf32>
      %swap3A_1029 = arith.constant 0 : i32
      %swap3A_1030 = arith.index_cast %swap3A_1029 : i32 to index
      %swap3A_1031 = arith.index_cast %mul3A_55 : i32 to index
      %swap3A_1032 = tpu.vector_load %arg7[%swap3A_1030, %swap3A_1031] {strides = array<i32>} : memref<8x512xf32, #tpu.memory_space<vmem>>, vector<16xf32>,
      tpu.vector_store %arg7[%swap3A_1030, %swap3A_1031], %mul3A_1028 {strides = array<i32>} : memref<8x512xf32, #tpu.memory_space<vmem>>, vector<16xf32>,
      %swap3A_1033 = arith.constant 0 : i32
      %swap3A_1034 = arith.index_cast %swap3A_1033 : i32 to index
      %swap3A_1035 = arith.index_cast %mul3A_55 : i32 to index
      %swap3A_1036 = tpu.vector_load %arg8[%swap3A_1034, %swap3A_1035] {strides = array<i32>} : memref<8x512xi32, #tpu.memory_space<vmem>>, vector<16xi32>,
      tpu.vector_store %arg8[%swap3A_1034, %swap3A_1035], %bitcast_convert_type3A {strides = array<i32>} : memref<8x512xi32, #tpu.memory_space<vmem>>, vector<16xi32>,
      tpu.vector_store_idx %arg9[%bitcast_convert_type3A], %broadcast_in_dim3A_14 {add = true} : memref<64xf32, #tpu.memory_space<vmem>>[vector<16xi32>], vector<16xf32>,
      %mul3A_1037 = arith.mulf %exp3A, %div3A : vector<16xf32>
      %swap3A_1038 = arith.constant 1 : i32
      %swap3A_1039 = arith.index_cast %swap3A_1038 : i32 to index
      %swap3A_1040 = arith.index_cast %mul3A_55 : i32 to index
      %swap3A_1041 = tpu.vector_load %arg7[%swap3A_1039, %swap3A_1040] {strides = array<i32>} : memref<8x512xf32, #tpu.memory_space<vmem>>, vector<16xf32>,
      tpu.vector_store %arg7[%swap3A_1039, %swap3A_1040], %mul3A_1037 {strides = array<i32>} : memref<8x512xf32, #tpu.memory_space<vmem>>, vector<16xf32>,
      %swap3A_1042 = arith.constant 1 : i32
      %swap3A_1043 = arith.index_cast %swap3A_1042 : i32 to index
      %swap3A_1044 = arith.index_cast %mul3A_55 : i32 to index
      %swap3A_1045 = tpu.vector_load %arg8[%swap3A_1043, %swap3A_1044] {strides = array<i32>} : memref<8x512xi32, #tpu.memory_space<vmem>>, vector<16xi32>,
      tpu.vector_store %arg8[%swap3A_1043, %swap3A_1044], %bitcast_convert_type3A_847 {strides = array<i32>} : memref<8x512xi32, #tpu.memory_space<vmem>>, vector<16xi32>,
      tpu.vector_store_idx %arg9[%bitcast_convert_type3A_847], %broadcast_in_dim3A_14 {add = true} : memref<64xf32, #tpu.memory_space<vmem>>[vector<16xi32>], vector<16xf32>,
      %mul3A_1046 = arith.mulf %exp3A_1010, %div3A : vector<16xf32>
      %swap3A_1047 = arith.constant 2 : i32
      %swap3A_1048 = arith.index_cast %swap3A_1047 : i32 to index
      %swap3A_1049 = arith.index_cast %mul3A_55 : i32 to index
      %swap3A_1050 = tpu.vector_load %arg7[%swap3A_1048, %swap3A_1049] {strides = array<i32>} : memref<8x512xf32, #tpu.memory_space<vmem>>, vector<16xf32>,
      tpu.vector_store %arg7[%swap3A_1048, %swap3A_1049], %mul3A_1046 {strides = array<i32>} : memref<8x512xf32, #tpu.memory_space<vmem>>, vector<16xf32>,
      %swap3A_1051 = arith.constant 2 : i32
      %swap3A_1052 = arith.index_cast %swap3A_1051 : i32 to index
      %swap3A_1053 = arith.index_cast %mul3A_55 : i32 to index
      %swap3A_1054 = tpu.vector_load %arg8[%swap3A_1052, %swap3A_1053] {strides = array<i32>} : memref<8x512xi32, #tpu.memory_space<vmem>>, vector<16xi32>,
      tpu.vector_store %arg8[%swap3A_1052, %swap3A_1053], %bitcast_convert_type3A_854 {strides = array<i32>} : memref<8x512xi32, #tpu.memory_space<vmem>>, vector<16xi32>,
      tpu.vector_store_idx %arg9[%bitcast_convert_type3A_854], %broadcast_in_dim3A_14 {add = true} : memref<64xf32, #tpu.memory_space<vmem>>[vector<16xi32>], vector<16xf32>,
      %mul3A_1055 = arith.mulf %exp3A_1012, %div3A : vector<16xf32>
      %swap3A_1056 = arith.constant 3 : i32
      %swap3A_1057 = arith.index_cast %swap3A_1056 : i32 to index
      %swap3A_1058 = arith.index_cast %mul3A_55 : i32 to index
      %swap3A_1059 = tpu.vector_load %arg7[%swap3A_1057, %swap3A_1058] {strides = array<i32>} : memref<8x512xf32, #tpu.memory_space<vmem>>, vector<16xf32>,
      tpu.vector_store %arg7[%swap3A_1057, %swap3A_1058], %mul3A_1055 {strides = array<i32>} : memref<8x512xf32, #tpu.memory_space<vmem>>, vector<16xf32>,
      %swap3A_1060 = arith.constant 3 : i32
      %swap3A_1061 = arith.index_cast %swap3A_1060 : i32 to index
      %swap3A_1062 = arith.index_cast %mul3A_55 : i32 to index
      %swap3A_1063 = tpu.vector_load %arg8[%swap3A_1061, %swap3A_1062] {strides = array<i32>} : memref<8x512xi32, #tpu.memory_space<vmem>>, vector<16xi32>,
      tpu.vector_store %arg8[%swap3A_1061, %swap3A_1062], %bitcast_convert_type3A_861 {strides = array<i32>} : memref<8x512xi32, #tpu.memory_space<vmem>>, vector<16xi32>,
      tpu.vector_store_idx %arg9[%bitcast_convert_type3A_861], %broadcast_in_dim3A_14 {add = true} : memref<64xf32, #tpu.memory_space<vmem>>[vector<16xi32>], vector<16xf32>,
      %mul3A_1064 = arith.mulf %exp3A_1014, %div3A : vector<16xf32>
      %swap3A_1065 = arith.constant 4 : i32
      %swap3A_1066 = arith.index_cast %swap3A_1065 : i32 to index
      %swap3A_1067 = arith.index_cast %mul3A_55 : i32 to index
      %swap3A_1068 = tpu.vector_load %arg7[%swap3A_1066, %swap3A_1067] {strides = array<i32>} : memref<8x512xf32, #tpu.memory_space<vmem>>, vector<16xf32>,
      tpu.vector_store %arg7[%swap3A_1066, %swap3A_1067], %mul3A_1064 {strides = array<i32>} : memref<8x512xf32, #tpu.memory_space<vmem>>, vector<16xf32>,
      %swap3A_1069 = arith.constant 4 : i32
      %swap3A_1070 = arith.index_cast %swap3A_1069 : i32 to index
      %swap3A_1071 = arith.index_cast %mul3A_55 : i32 to index
      %swap3A_1072 = tpu.vector_load %arg8[%swap3A_1070, %swap3A_1071] {strides = array<i32>} : memref<8x512xi32, #tpu.memory_space<vmem>>, vector<16xi32>,
      tpu.vector_store %arg8[%swap3A_1070, %swap3A_1071], %bitcast_convert_type3A_868 {strides = array<i32>} : memref<8x512xi32, #tpu.memory_space<vmem>>, vector<16xi32>,
      tpu.vector_store_idx %arg9[%bitcast_convert_type3A_868], %broadcast_in_dim3A_14 {add = true} : memref<64xf32, #tpu.memory_space<vmem>>[vector<16xi32>], vector<16xf32>,
      %mul3A_1073 = arith.mulf %exp3A_1016, %div3A : vector<16xf32>
      %swap3A_1074 = arith.constant 5 : i32
      %swap3A_1075 = arith.index_cast %swap3A_1074 : i32 to index
      %swap3A_1076 = arith.index_cast %mul3A_55 : i32 to index
      %swap3A_1077 = tpu.vector_load %arg7[%swap3A_1075, %swap3A_1076] {strides = array<i32>} : memref<8x512xf32, #tpu.memory_space<vmem>>, vector<16xf32>,
      tpu.vector_store %arg7[%swap3A_1075, %swap3A_1076], %mul3A_1073 {strides = array<i32>} : memref<8x512xf32, #tpu.memory_space<vmem>>, vector<16xf32>,
      %swap3A_1078 = arith.constant 5 : i32
      %swap3A_1079 = arith.index_cast %swap3A_1078 : i32 to index
      %swap3A_1080 = arith.index_cast %mul3A_55 : i32 to index
      %swap3A_1081 = tpu.vector_load %arg8[%swap3A_1079, %swap3A_1080] {strides = array<i32>} : memref<8x512xi32, #tpu.memory_space<vmem>>, vector<16xi32>,
      tpu.vector_store %arg8[%swap3A_1079, %swap3A_1080], %bitcast_convert_type3A_875 {strides = array<i32>} : memref<8x512xi32, #tpu.memory_space<vmem>>, vector<16xi32>,
      tpu.vector_store_idx %arg9[%bitcast_convert_type3A_875], %broadcast_in_dim3A_14 {add = true} : memref<64xf32, #tpu.memory_space<vmem>>[vector<16xi32>], vector<16xf32>,
      %mul3A_1082 = arith.mulf %exp3A_1018, %div3A : vector<16xf32>
      %swap3A_1083 = arith.constant 6 : i32
      %swap3A_1084 = arith.index_cast %swap3A_1083 : i32 to index
      %swap3A_1085 = arith.index_cast %mul3A_55 : i32 to index
      %swap3A_1086 = tpu.vector_load %arg7[%swap3A_1084, %swap3A_1085] {strides = array<i32>} : memref<8x512xf32, #tpu.memory_space<vmem>>, vector<16xf32>,
      tpu.vector_store %arg7[%swap3A_1084, %swap3A_1085], %mul3A_1082 {strides = array<i32>} : memref<8x512xf32, #tpu.memory_space<vmem>>, vector<16xf32>,
      %swap3A_1087 = arith.constant 6 : i32
      %swap3A_1088 = arith.index_cast %swap3A_1087 : i32 to index
      %swap3A_1089 = arith.index_cast %mul3A_55 : i32 to index
      %swap3A_1090 = tpu.vector_load %arg8[%swap3A_1088, %swap3A_1089] {strides = array<i32>} : memref<8x512xi32, #tpu.memory_space<vmem>>, vector<16xi32>,
      tpu.vector_store %arg8[%swap3A_1088, %swap3A_1089], %bitcast_convert_type3A_882 {strides = array<i32>} : memref<8x512xi32, #tpu.memory_space<vmem>>, vector<16xi32>,
      tpu.vector_store_idx %arg9[%bitcast_convert_type3A_882], %broadcast_in_dim3A_14 {add = true} : memref<64xf32, #tpu.memory_space<vmem>>[vector<16xi32>], vector<16xf32>,
      %mul3A_1091 = arith.mulf %exp3A_1020, %div3A : vector<16xf32>
      %swap3A_1092 = arith.constant 7 : i32
      %swap3A_1093 = arith.index_cast %swap3A_1092 : i32 to index
      %swap3A_1094 = arith.index_cast %mul3A_55 : i32 to index
      %swap3A_1095 = tpu.vector_load %arg7[%swap3A_1093, %swap3A_1094] {strides = array<i32>} : memref<8x512xf32, #tpu.memory_space<vmem>>, vector<16xf32>,
      tpu.vector_store %arg7[%swap3A_1093, %swap3A_1094], %mul3A_1091 {strides = array<i32>} : memref<8x512xf32, #tpu.memory_space<vmem>>, vector<16xf32>,
      %swap3A_1096 = arith.constant 7 : i32
      %swap3A_1097 = arith.index_cast %swap3A_1096 : i32 to index
      %swap3A_1098 = arith.index_cast %mul3A_55 : i32 to index
      %swap3A_1099 = tpu.vector_load %arg8[%swap3A_1097, %swap3A_1098] {strides = array<i32>} : memref<8x512xi32, #tpu.memory_space<vmem>>, vector<16xi32>,
      tpu.vector_store %arg8[%swap3A_1097, %swap3A_1098], %bitcast_convert_type3A_889 {strides = array<i32>} : memref<8x512xi32, #tpu.memory_space<vmem>>, vector<16xi32>,
      tpu.vector_store_idx %arg9[%bitcast_convert_type3A_889], %broadcast_in_dim3A_14 {add = true} : memref<64xf32, #tpu.memory_space<vmem>>[vector<16xi32>], vector<16xf32>,
      %scan3A_1100 = arith.constant 0 : i32
      scf.yield %scan3A_1100 : i32
    }
    %scan3A_35 = arith.constant 16 : i32
    %dma_wait3A = arith.constant 0 : i32
    %dma_wait3A_36 = arith.constant 256 : i32
    %dma_wait3A_37 = tpu.memref_slice %arg6[%dma_wait3A, %dma_wait3A_36] : memref<64x512xi32, #tpu.memory_space<vmem>> -> memref<64x256xi32, #tpu.memory_space<vmem>>
    %dma_wait3A_38 = arith.constant 0 : i32
    %dma_wait3A_39 = tpu.memref_slice %arg2[%dma_wait3A_38, %add3A_4] : memref<64x16384xi32, #tpu.memory_space<hbm>> -> memref<64x256xi32, #tpu.memory_space<hbm>>
    %dma_wait3A_40 = arith.constant 0 : i32
    %dma_wait3A_41 = arith.constant 256 : i32
    %dma_wait3A_42 = tpu.memref_slice %arg6[%dma_wait3A_40, %dma_wait3A_41] : memref<64x512xi32, #tpu.memory_space<vmem>> -> memref<64x256xi32, #tpu.memory_space<vmem>>
    %dma_wait3A_43 = arith.constant 0 : i32
    %dma_wait3A_44 = tpu.memref_slice %arg2[%dma_wait3A_43, %add3A_4] : memref<64x16384xi32, #tpu.memory_space<hbm>> -> memref<64x256xi32, #tpu.memory_space<hbm>>
    tpu.wait_dma2 semaphore(%arg10 : memref<!tpu.dma_semaphore, #tpu.memory_space<semaphore_mem>>) src(%dma_wait3A_44 : memref<64x256xi32, #tpu.memory_space<hbm>>) dst(%dma_wait3A_42 : memref<64x256xi32, #tpu.memory_space<vmem>>)
    %scan3A_45 = arith.constant 0 : i32
    %scan3A_46 = arith.constant 16 : i32
    %scan3A_47 = arith.constant 16 : i32
    %scan3A_48 = arith.addi %scan3A_46, %scan3A_47 : i32
    %scan3A_49 = arith.constant 1 : i32
    %scan3A_50 = scf.for %scan3A_52 = %scan3A_46 to %scan3A_48 step %scan3A_49 iter_args(%scan3A_53 = %scan3A_45) -> (i32)  : i32 {
      %mul3A_54 = arith.constant 16 : i32
      %mul3A_55 = arith.muli %scan3A_52, %mul3A_54 : i32
      %get3A = arith.constant 0 : i32
      %get3A_56 = arith.index_cast %get3A : i32 to index
      %get3A_57 = arith.index_cast %mul3A_55 : i32 to index
      %get3A_58 = tpu.vector_load %arg6[%get3A_56, %get3A_57] {strides = array<i32>} : memref<64x512xi32, #tpu.memory_space<vmem>>, vector<16xi32>,
      %get3A_59 = arith.constant 1 : i32
      %get3A_60 = arith.index_cast %get3A_59 : i32 to index
      %get3A_61 = arith.index_cast %mul3A_55 : i32 to index
      %get3A_62 = tpu.vector_load %arg6[%get3A_60, %get3A_61] {strides = array<i32>} : memref<64x512xi32, #tpu.memory_space<vmem>>, vector<16xi32>,
      %get3A_63 = arith.constant 2 : i32
      %get3A_64 = arith.index_cast %get3A_63 : i32 to index
      %get3A_65 = arith.index_cast %mul3A_55 : i32 to index
      %get3A_66 = tpu.vector_load %arg6[%get3A_64, %get3A_65] {strides = array<i32>} : memref<64x512xi32, #tpu.memory_space<vmem>>, vector<16xi32>,
      %get3A_67 = arith.constant 3 : i32
      %get3A_68 = arith.index_cast %get3A_67 : i32 to index
      %get3A_69 = arith.index_cast %mul3A_55 : i32 to index
      %get3A_70 = tpu.vector_load %arg6[%get3A_68, %get3A_69] {strides = array<i32>} : memref<64x512xi32, #tpu.memory_space<vmem>>, vector<16xi32>,
      %get3A_71 = arith.constant 4 : i32
      %get3A_72 = arith.index_cast %get3A_71 : i32 to index
      %get3A_73 = arith.index_cast %mul3A_55 : i32 to index
      %get3A_74 = tpu.vector_load %arg6[%get3A_72, %get3A_73] {strides = array<i32>} : memref<64x512xi32, #tpu.memory_space<vmem>>, vector<16xi32>,
      %get3A_75 = arith.constant 5 : i32
      %get3A_76 = arith.index_cast %get3A_75 : i32 to index
      %get3A_77 = arith.index_cast %mul3A_55 : i32 to index
      %get3A_78 = tpu.vector_load %arg6[%get3A_76, %get3A_77] {strides = array<i32>} : memref<64x512xi32, #tpu.memory_space<vmem>>, vector<16xi32>,
      %get3A_79 = arith.constant 6 : i32
      %get3A_80 = arith.index_cast %get3A_79 : i32 to index
      %get3A_81 = arith.index_cast %mul3A_55 : i32 to index
      %get3A_82 = tpu.vector_load %arg6[%get3A_80, %get3A_81] {strides = array<i32>} : memref<64x512xi32, #tpu.memory_space<vmem>>, vector<16xi32>,
      %get3A_83 = arith.constant 7 : i32
      %get3A_84 = arith.index_cast %get3A_83 : i32 to index
      %get3A_85 = arith.index_cast %mul3A_55 : i32 to index
      %get3A_86 = tpu.vector_load %arg6[%get3A_84, %get3A_85] {strides = array<i32>} : memref<64x512xi32, #tpu.memory_space<vmem>>, vector<16xi32>,
      %max3A = arith.maxui %get3A_58, %get3A_62 : vector<16xi32>
      %min3A = arith.minui %get3A_58, %get3A_62 : vector<16xi32>
      %max3A_87 = arith.maxui %get3A_66, %get3A_70 : vector<16xi32>
      %min3A_88 = arith.minui %get3A_66, %get3A_70 : vector<16xi32>
      %max3A_89 = arith.maxui %get3A_74, %get3A_78 : vector<16xi32>
      %min3A_90 = arith.minui %get3A_74, %get3A_78 : vector<16xi32>
      %max3A_91 = arith.maxui %get3A_82, %get3A_86 : vector<16xi32>
      %min3A_92 = arith.minui %get3A_82, %get3A_86 : vector<16xi32>
      %max3A_93 = arith.maxui %max3A, %max3A_87 : vector<16xi32>
      %min3A_94 = arith.minui %max3A, %max3A_87 : vector<16xi32>
      %max3A_95 = arith.maxui %min3A, %min3A_88 : vector<16xi32>
      %min3A_96 = arith.minui %min3A, %min3A_88 : vector<16xi32>
      %max3A_97 = arith.maxui %max3A_89, %max3A_91 : vector<16xi32>
      %min3A_98 = arith.minui %max3A_89, %max3A_91 : vector<16xi32>
      %max3A_99 = arith.maxui %min3A_90, %min3A_92 : vector<16xi32>
      %min3A_100 = arith.minui %min3A_90, %min3A_92 : vector<16xi32>
      %max3A_101 = arith.maxui %max3A_95, %min3A_94 : vector<16xi32>
      %min3A_102 = arith.minui %max3A_95, %min3A_94 : vector<16xi32>
      %max3A_103 = arith.maxui %max3A_99, %min3A_98 : vector<16xi32>
      %min3A_104 = arith.minui %max3A_99, %min3A_98 : vector<16xi32>
      %max3A_105 = arith.maxui %max3A_93, %max3A_97 : vector<16xi32>
      %min3A_106 = arith.minui %max3A_93, %max3A_97 : vector<16xi32>
      %max3A_107 = arith.maxui %max3A_101, %max3A_103 : vector<16xi32>
      %min3A_108 = arith.minui %max3A_101, %max3A_103 : vector<16xi32>
      %max3A_109 = arith.maxui %min3A_102, %min3A_104 : vector<16xi32>
      %min3A_110 = arith.minui %min3A_102, %min3A_104 : vector<16xi32>
      %max3A_111 = arith.maxui %min3A_96, %min3A_100 : vector<16xi32>
      %min3A_112 = arith.minui %min3A_96, %min3A_100 : vector<16xi32>
      %max3A_113 = arith.maxui %max3A_109, %min3A_106 : vector<16xi32>
      %min3A_114 = arith.minui %max3A_109, %min3A_106 : vector<16xi32>
      %max3A_115 = arith.maxui %max3A_111, %min3A_108 : vector<16xi32>
      %min3A_116 = arith.minui %max3A_111, %min3A_108 : vector<16xi32>
      %max3A_117 = arith.maxui %max3A_107, %max3A_113 : vector<16xi32>
      %min3A_118 = arith.minui %max3A_107, %max3A_113 : vector<16xi32>
      %max3A_119 = arith.maxui %max3A_115, %min3A_114 : vector<16xi32>
      %min3A_120 = arith.minui %max3A_115, %min3A_114 : vector<16xi32>
      %max3A_121 = arith.maxui %min3A_116, %min3A_110 : vector<16xi32>
      %min3A_122 = arith.minui %min3A_116, %min3A_110 : vector<16xi32>
      %get3A_123 = arith.constant 8 : i32
      %get3A_124 = arith.index_cast %get3A_123 : i32 to index
      %get3A_125 = arith.index_cast %mul3A_55 : i32 to index
      %get3A_126 = tpu.vector_load %arg6[%get3A_124, %get3A_125] {strides = array<i32>} : memref<64x512xi32, #tpu.memory_space<vmem>>, vector<16xi32>,
      %get3A_127 = arith.constant 9 : i32
      %get3A_128 = arith.index_cast %get3A_127 : i32 to index
      %get3A_129 = arith.index_cast %mul3A_55 : i32 to index
      %get3A_130 = tpu.vector_load %arg6[%get3A_128, %get3A_129] {strides = array<i32>} : memref<64x512xi32, #tpu.memory_space<vmem>>, vector<16xi32>,
      %get3A_131 = arith.constant 10 : i32
      %get3A_132 = arith.index_cast %get3A_131 : i32 to index
      %get3A_133 = arith.index_cast %mul3A_55 : i32 to index
      %get3A_134 = tpu.vector_load %arg6[%get3A_132, %get3A_133] {strides = array<i32>} : memref<64x512xi32, #tpu.memory_space<vmem>>, vector<16xi32>,
      %get3A_135 = arith.constant 11 : i32
      %get3A_136 = arith.index_cast %get3A_135 : i32 to index
      %get3A_137 = arith.index_cast %mul3A_55 : i32 to index
      %get3A_138 = tpu.vector_load %arg6[%get3A_136, %get3A_137] {strides = array<i32>} : memref<64x512xi32, #tpu.memory_space<vmem>>, vector<16xi32>,
      %get3A_139 = arith.constant 12 : i32
      %get3A_140 = arith.index_cast %get3A_139 : i32 to index
      %get3A_141 = arith.index_cast %mul3A_55 : i32 to index
      %get3A_142 = tpu.vector_load %arg6[%get3A_140, %get3A_141] {strides = array<i32>} : memref<64x512xi32, #tpu.memory_space<vmem>>, vector<16xi32>,
      %get3A_143 = arith.constant 13 : i32
      %get3A_144 = arith.index_cast %get3A_143 : i32 to index
      %get3A_145 = arith.index_cast %mul3A_55 : i32 to index
      %get3A_146 = tpu.vector_load %arg6[%get3A_144, %get3A_145] {strides = array<i32>} : memref<64x512xi32, #tpu.memory_space<vmem>>, vector<16xi32>,
      %get3A_147 = arith.constant 14 : i32
      %get3A_148 = arith.index_cast %get3A_147 : i32 to index
      %get3A_149 = arith.index_cast %mul3A_55 : i32 to index
      %get3A_150 = tpu.vector_load %arg6[%get3A_148, %get3A_149] {strides = array<i32>} : memref<64x512xi32, #tpu.memory_space<vmem>>, vector<16xi32>,
      %get3A_151 = arith.constant 15 : i32
      %get3A_152 = arith.index_cast %get3A_151 : i32 to index
      %get3A_153 = arith.index_cast %mul3A_55 : i32 to index
      %get3A_154 = tpu.vector_load %arg6[%get3A_152, %get3A_153] {strides = array<i32>} : memref<64x512xi32, #tpu.memory_space<vmem>>, vector<16xi32>,
      %max3A_155 = arith.maxui %get3A_126, %get3A_130 : vector<16xi32>
      %min3A_156 = arith.minui %get3A_126, %get3A_130 : vector<16xi32>
      %max3A_157 = arith.maxui %get3A_134, %get3A_138 : vector<16xi32>
      %min3A_158 = arith.minui %get3A_134, %get3A_138 : vector<16xi32>
      %max3A_159 = arith.maxui %get3A_142, %get3A_146 : vector<16xi32>
      %min3A_160 = arith.minui %get3A_142, %get3A_146 : vector<16xi32>
      %max3A_161 = arith.maxui %get3A_150, %get3A_154 : vector<16xi32>
      %min3A_162 = arith.minui %get3A_150, %get3A_154 : vector<16xi32>
      %max3A_163 = arith.maxui %max3A_155, %max3A_157 : vector<16xi32>
      %min3A_164 = arith.minui %max3A_155, %max3A_157 : vector<16xi32>
      %max3A_165 = arith.maxui %min3A_156, %min3A_158 : vector<16xi32>
      %min3A_166 = arith.minui %min3A_156, %min3A_158 : vector<16xi32>
      %max3A_167 = arith.maxui %max3A_159, %max3A_161 : vector<16xi32>
      %min3A_168 = arith.minui %max3A_159, %max3A_161 : vector<16xi32>
      %max3A_169 = arith.maxui %min3A_160, %min3A_162 : vector<16xi32>
      %min3A_170 = arith.minui %min3A_160, %min3A_162 : vector<16xi32>
      %max3A_171 = arith.maxui %max3A_165, %min3A_164 : vector<16xi32>
      %min3A_172 = arith.minui %max3A_165, %min3A_164 : vector<16xi32>
      %max3A_173 = arith.maxui %max3A_169, %min3A_168 : vector<16xi32>
      %min3A_174 = arith.minui %max3A_169, %min3A_168 : vector<16xi32>
      %max3A_175 = arith.maxui %max3A_163, %max3A_167 : vector<16xi32>
      %min3A_176 = arith.minui %max3A_163, %max3A_167 : vector<16xi32>
      %max3A_177 = arith.maxui %max3A_171, %max3A_173 : vector<16xi32>
      %min3A_178 = arith.minui %max3A_171, %max3A_173 : vector<16xi32>
      %max3A_179 = arith.maxui %min3A_172, %min3A_174 : vector<16xi32>
      %min3A_180 = arith.minui %min3A_172, %min3A_174 : vector<16xi32>
      %max3A_181 = arith.maxui %min3A_166, %min3A_170 : vector<16xi32>
      %min3A_182 = arith.minui %min3A_166, %min3A_170 : vector<16xi32>
      %max3A_183 = arith.maxui %max3A_179, %min3A_176 : vector<16xi32>
      %min3A_184 = arith.minui %max3A_179, %min3A_176 : vector<16xi32>
      %max3A_185 = arith.maxui %max3A_181, %min3A_178 : vector<16xi32>
      %min3A_186 = arith.minui %max3A_181, %min3A_178 : vector<16xi32>
      %max3A_187 = arith.maxui %max3A_177, %max3A_183 : vector<16xi32>
      %min3A_188 = arith.minui %max3A_177, %max3A_183 : vector<16xi32>
      %max3A_189 = arith.maxui %max3A_185, %min3A_184 : vector<16xi32>
      %min3A_190 = arith.minui %max3A_185, %min3A_184 : vector<16xi32>
      %max3A_191 = arith.maxui %min3A_186, %min3A_180 : vector<16xi32>
      %min3A_192 = arith.minui %min3A_186, %min3A_180 : vector<16xi32>
      %max3A_193 = arith.maxui %max3A_105, %min3A_182 : vector<16xi32>
      %max3A_194 = arith.maxui %max3A_117, %min3A_192 : vector<16xi32>
      %max3A_195 = arith.maxui %min3A_118, %max3A_191 : vector<16xi32>
      %max3A_196 = arith.maxui %max3A_119, %min3A_190 : vector<16xi32>
      %max3A_197 = arith.maxui %min3A_120, %max3A_189 : vector<16xi32>
      %max3A_198 = arith.maxui %max3A_121, %min3A_188 : vector<16xi32>
      %max3A_199 = arith.maxui %min3A_122, %max3A_187 : vector<16xi32>
      %max3A_200 = arith.maxui %min3A_112, %max3A_175 : vector<16xi32>
      %max3A_201 = arith.maxui %max3A_193, %max3A_197 : vector<16xi32>
      %min3A_202 = arith.minui %max3A_193, %max3A_197 : vector<16xi32>
      %max3A_203 = arith.maxui %max3A_194, %max3A_198 : vector<16xi32>
      %min3A_204 = arith.minui %max3A_194, %max3A_198 : vector<16xi32>
      %max3A_205 = arith.maxui %max3A_195, %max3A_199 : vector<16xi32>
      %min3A_206 = arith.minui %max3A_195, %max3A_199 : vector<16xi32>
      %max3A_207 = arith.maxui %max3A_196, %max3A_200 : vector<16xi32>
      %min3A_208 = arith.minui %max3A_196, %max3A_200 : vector<16xi32>
      %max3A_209 = arith.maxui %max3A_201, %max3A_205 : vector<16xi32>
      %min3A_210 = arith.minui %max3A_201, %max3A_205 : vector<16xi32>
      %max3A_211 = arith.maxui %max3A_203, %max3A_207 : vector<16xi32>
      %min3A_212 = arith.minui %max3A_203, %max3A_207 : vector<16xi32>
      %max3A_213 = arith.maxui %min3A_202, %min3A_206 : vector<16xi32>
      %min3A_214 = arith.minui %min3A_202, %min3A_206 : vector<16xi32>
      %max3A_215 = arith.maxui %min3A_204, %min3A_208 : vector<16xi32>
      %min3A_216 = arith.minui %min3A_204, %min3A_208 : vector<16xi32>
      %max3A_217 = arith.maxui %max3A_209, %max3A_211 : vector<16xi32>
      %min3A_218 = arith.minui %max3A_209, %max3A_211 : vector<16xi32>
      %max3A_219 = arith.maxui %min3A_210, %min3A_212 : vector<16xi32>
      %min3A_220 = arith.minui %min3A_210, %min3A_212 : vector<16xi32>
      %max3A_221 = arith.maxui %max3A_213, %max3A_215 : vector<16xi32>
      %min3A_222 = arith.minui %max3A_213, %max3A_215 : vector<16xi32>
      %max3A_223 = arith.maxui %min3A_214, %min3A_216 : vector<16xi32>
      %min3A_224 = arith.minui %min3A_214, %min3A_216 : vector<16xi32>
      %get3A_225 = arith.constant 16 : i32
      %get3A_226 = arith.index_cast %get3A_225 : i32 to index
      %get3A_227 = arith.index_cast %mul3A_55 : i32 to index
      %get3A_228 = tpu.vector_load %arg6[%get3A_226, %get3A_227] {strides = array<i32>} : memref<64x512xi32, #tpu.memory_space<vmem>>, vector<16xi32>,
      %get3A_229 = arith.constant 17 : i32
      %get3A_230 = arith.index_cast %get3A_229 : i32 to index
      %get3A_231 = arith.index_cast %mul3A_55 : i32 to index
      %get3A_232 = tpu.vector_load %arg6[%get3A_230, %get3A_231] {strides = array<i32>} : memref<64x512xi32, #tpu.memory_space<vmem>>, vector<16xi32>,
      %get3A_233 = arith.constant 18 : i32
      %get3A_234 = arith.index_cast %get3A_233 : i32 to index
      %get3A_235 = arith.index_cast %mul3A_55 : i32 to index
      %get3A_236 = tpu.vector_load %arg6[%get3A_234, %get3A_235] {strides = array<i32>} : memref<64x512xi32, #tpu.memory_space<vmem>>, vector<16xi32>,
      %get3A_237 = arith.constant 19 : i32
      %get3A_238 = arith.index_cast %get3A_237 : i32 to index
      %get3A_239 = arith.index_cast %mul3A_55 : i32 to index
      %get3A_240 = tpu.vector_load %arg6[%get3A_238, %get3A_239] {strides = array<i32>} : memref<64x512xi32, #tpu.memory_space<vmem>>, vector<16xi32>,
      %get3A_241 = arith.constant 20 : i32
      %get3A_242 = arith.index_cast %get3A_241 : i32 to index
      %get3A_243 = arith.index_cast %mul3A_55 : i32 to index
      %get3A_244 = tpu.vector_load %arg6[%get3A_242, %get3A_243] {strides = array<i32>} : memref<64x512xi32, #tpu.memory_space<vmem>>, vector<16xi32>,
      %get3A_245 = arith.constant 21 : i32
      %get3A_246 = arith.index_cast %get3A_245 : i32 to index
      %get3A_247 = arith.index_cast %mul3A_55 : i32 to index
      %get3A_248 = tpu.vector_load %arg6[%get3A_246, %get3A_247] {strides = array<i32>} : memref<64x512xi32, #tpu.memory_space<vmem>>, vector<16xi32>,
      %get3A_249 = arith.constant 22 : i32
      %get3A_250 = arith.index_cast %get3A_249 : i32 to index
      %get3A_251 = arith.index_cast %mul3A_55 : i32 to index
      %get3A_252 = tpu.vector_load %arg6[%get3A_250, %get3A_251] {strides = array<i32>} : memref<64x512xi32, #tpu.memory_space<vmem>>, vector<16xi32>,
      %get3A_253 = arith.constant 23 : i32
      %get3A_254 = arith.index_cast %get3A_253 : i32 to index
      %get3A_255 = arith.index_cast %mul3A_55 : i32 to index
      %get3A_256 = tpu.vector_load %arg6[%get3A_254, %get3A_255] {strides = array<i32>} : memref<64x512xi32, #tpu.memory_space<vmem>>, vector<16xi32>,
      %max3A_257 = arith.maxui %get3A_228, %get3A_232 : vector<16xi32>
      %min3A_258 = arith.minui %get3A_228, %get3A_232 : vector<16xi32>
      %max3A_259 = arith.maxui %get3A_236, %get3A_240 : vector<16xi32>
      %min3A_260 = arith.minui %get3A_236, %get3A_240 : vector<16xi32>
      %max3A_261 = arith.maxui %get3A_244, %get3A_248 : vector<16xi32>
      %min3A_262 = arith.minui %get3A_244, %get3A_248 : vector<16xi32>
      %max3A_263 = arith.maxui %get3A_252, %get3A_256 : vector<16xi32>
      %min3A_264 = arith.minui %get3A_252, %get3A_256 : vector<16xi32>
      %max3A_265 = arith.maxui %max3A_257, %max3A_259 : vector<16xi32>
      %min3A_266 = arith.minui %max3A_257, %max3A_259 : vector<16xi32>
      %max3A_267 = arith.maxui %min3A_258, %min3A_260 : vector<16xi32>
      %min3A_268 = arith.minui %min3A_258, %min3A_260 : vector<16xi32>
      %max3A_269 = arith.maxui %max3A_261, %max3A_263 : vector<16xi32>
      %min3A_270 = arith.minui %max3A_261, %max3A_263 : vector<16xi32>
      %max3A_271 = arith.maxui %min3A_262, %min3A_264 : vector<16xi32>
      %min3A_272 = arith.minui %min3A_262, %min3A_264 : vector<16xi32>
      %max3A_273 = arith.maxui %max3A_267, %min3A_266 : vector<16xi32>
      %min3A_274 = arith.minui %max3A_267, %min3A_266 : vector<16xi32>
      %max3A_275 = arith.maxui %max3A_271, %min3A_270 : vector<16xi32>
      %min3A_276 = arith.minui %max3A_271, %min3A_270 : vector<16xi32>
      %max3A_277 = arith.maxui %max3A_265, %max3A_269 : vector<16xi32>
      %min3A_278 = arith.minui %max3A_265, %max3A_269 : vector<16xi32>
      %max3A_279 = arith.maxui %max3A_273, %max3A_275 : vector<16xi32>
      %min3A_280 = arith.minui %max3A_273, %max3A_275 : vector<16xi32>
      %max3A_281 = arith.maxui %min3A_274, %min3A_276 : vector<16xi32>
      %min3A_282 = arith.minui %min3A_274, %min3A_276 : vector<16xi32>
      %max3A_283 = arith.maxui %min3A_268, %min3A_272 : vector<16xi32>
      %min3A_284 = arith.minui %min3A_268, %min3A_272 : vector<16xi32>
      %max3A_285 = arith.maxui %max3A_281, %min3A_278 : vector<16xi32>
      %min3A_286 = arith.minui %max3A_281, %min3A_278 : vector<16xi32>
      %max3A_287 = arith.maxui %max3A_283, %min3A_280 : vector<16xi32>
      %min3A_288 = arith.minui %max3A_283, %min3A_280 : vector<16xi32>
      %max3A_289 = arith.maxui %max3A_279, %max3A_285 : vector<16xi32>
      %min3A_290 = arith.minui %max3A_279, %max3A_285 : vector<16xi32>
      %max3A_291 = arith.maxui %max3A_287, %min3A_286 : vector<16xi32>
      %min3A_292 = arith.minui %max3A_287, %min3A_286 : vector<16xi32>
      %max3A_293 = arith.maxui %min3A_288, %min3A_282 : vector<16xi32>
      %min3A_294 = arith.minui %min3A_288, %min3A_282 : vector<16xi32>
      %max3A_295 = arith.maxui %max3A_217, %min3A_284 : vector<16xi32>
      %max3A_296 = arith.maxui %min3A_218, %min3A_294 : vector<16xi32>
      %max3A_297 = arith.maxui %max3A_219, %max3A_293 : vector<16xi32>
      %max3A_298 = arith.maxui %min3A_220, %min3A_292 : vector<16xi32>
      %max3A_299 = arith.maxui %max3A_221, %max3A_291 : vector<16xi32>
      %max3A_300 = arith.maxui %min3A_222, %min3A_290 : vector<16xi32>
      %max3A_301 = arith.maxui %max3A_223, %max3A_289 : vector<16xi32>
      %max3A_302 = arith.maxui %min3A_224, %max3A_277 : vector<16xi32>
      %max3A_303 = arith.maxui %max3A_295, %max3A_299 : vector<16xi32>
      %min3A_304 = arith.minui %max3A_295, %max3A_299 : vector<16xi32>
      %max3A_305 = arith.maxui %max3A_296, %max3A_300 : vector<16xi32>
      %min3A_306 = arith.minui %max3A_296, %max3A_300 : vector<16xi32>
      %max3A_307 = arith.maxui %max3A_297, %max3A_301 : vector<16xi32>
      %min3A_308 = arith.minui %max3A_297, %max3A_301 : vector<16xi32>
      %max3A_309 = arith.maxui %max3A_298, %max3A_302 : vector<16xi32>
      %min3A_310 = arith.minui %max3A_298, %max3A_302 : vector<16xi32>
      %max3A_311 = arith.maxui %max3A_303, %max3A_307 : vector<16xi32>
      %min3A_312 = arith.minui %max3A_303, %max3A_307 : vector<16xi32>
      %max3A_313 = arith.maxui %max3A_305, %max3A_309 : vector<16xi32>
      %min3A_314 = arith.minui %max3A_305, %max3A_309 : vector<16xi32>
      %max3A_315 = arith.maxui %min3A_304, %min3A_308 : vector<16xi32>
      %min3A_316 = arith.minui %min3A_304, %min3A_308 : vector<16xi32>
      %max3A_317 = arith.maxui %min3A_306, %min3A_310 : vector<16xi32>
      %min3A_318 = arith.minui %min3A_306, %min3A_310 : vector<16xi32>
      %max3A_319 = arith.maxui %max3A_311, %max3A_313 : vector<16xi32>
      %min3A_320 = arith.minui %max3A_311, %max3A_313 : vector<16xi32>
      %max3A_321 = arith.maxui %min3A_312, %min3A_314 : vector<16xi32>
      %min3A_322 = arith.minui %min3A_312, %min3A_314 : vector<16xi32>
      %max3A_323 = arith.maxui %max3A_315, %max3A_317 : vector<16xi32>
      %min3A_324 = arith.minui %max3A_315, %max3A_317 : vector<16xi32>
      %max3A_325 = arith.maxui %min3A_316, %min3A_318 : vector<16xi32>
      %min3A_326 = arith.minui %min3A_316, %min3A_318 : vector<16xi32>
      %get3A_327 = arith.constant 24 : i32
      %get3A_328 = arith.index_cast %get3A_327 : i32 to index
      %get3A_329 = arith.index_cast %mul3A_55 : i32 to index
      %get3A_330 = tpu.vector_load %arg6[%get3A_328, %get3A_329] {strides = array<i32>} : memref<64x512xi32, #tpu.memory_space<vmem>>, vector<16xi32>,
      %get3A_331 = arith.constant 25 : i32
      %get3A_332 = arith.index_cast %get3A_331 : i32 to index
      %get3A_333 = arith.index_cast %mul3A_55 : i32 to index
      %get3A_334 = tpu.vector_load %arg6[%get3A_332, %get3A_333] {strides = array<i32>} : memref<64x512xi32, #tpu.memory_space<vmem>>, vector<16xi32>,
      %get3A_335 = arith.constant 26 : i32
      %get3A_336 = arith.index_cast %get3A_335 : i32 to index
      %get3A_337 = arith.index_cast %mul3A_55 : i32 to index
      %get3A_338 = tpu.vector_load %arg6[%get3A_336, %get3A_337] {strides = array<i32>} : memref<64x512xi32, #tpu.memory_space<vmem>>, vector<16xi32>,
      %get3A_339 = arith.constant 27 : i32
      %get3A_340 = arith.index_cast %get3A_339 : i32 to index
      %get3A_341 = arith.index_cast %mul3A_55 : i32 to index
      %get3A_342 = tpu.vector_load %arg6[%get3A_340, %get3A_341] {strides = array<i32>} : memref<64x512xi32, #tpu.memory_space<vmem>>, vector<16xi32>,
      %get3A_343 = arith.constant 28 : i32
      %get3A_344 = arith.index_cast %get3A_343 : i32 to index
      %get3A_345 = arith.index_cast %mul3A_55 : i32 to index
      %get3A_346 = tpu.vector_load %arg6[%get3A_344, %get3A_345] {strides = array<i32>} : memref<64x512xi32, #tpu.memory_space<vmem>>, vector<16xi32>,
      %get3A_347 = arith.constant 29 : i32
      %get3A_348 = arith.index_cast %get3A_347 : i32 to index
      %get3A_349 = arith.index_cast %mul3A_55 : i32 to index
      %get3A_350 = tpu.vector_load %arg6[%get3A_348, %get3A_349] {strides = array<i32>} : memref<64x512xi32, #tpu.memory_space<vmem>>, vector<16xi32>,
      %get3A_351 = arith.constant 30 : i32
      %get3A_352 = arith.index_cast %get3A_351 : i32 to index
      %get3A_353 = arith.index_cast %mul3A_55 : i32 to index
      %get3A_354 = tpu.vector_load %arg6[%get3A_352, %get3A_353] {strides = array<i32>} : memref<64x512xi32, #tpu.memory_space<vmem>>, vector<16xi32>,
      %get3A_355 = arith.constant 31 : i32
      %get3A_356 = arith.index_cast %get3A_355 : i32 to index
      %get3A_357 = arith.index_cast %mul3A_55 : i32 to index
      %get3A_358 = tpu.vector_load %arg6[%get3A_356, %get3A_357] {strides = array<i32>} : memref<64x512xi32, #tpu.memory_space<vmem>>, vector<16xi32>,
      %max3A_359 = arith.maxui %get3A_330, %get3A_334 : vector<16xi32>
      %min3A_360 = arith.minui %get3A_330, %get3A_334 : vector<16xi32>
      %max3A_361 = arith.maxui %get3A_338, %get3A_342 : vector<16xi32>
      %min3A_362 = arith.minui %get3A_338, %get3A_342 : vector<16xi32>
      %max3A_363 = arith.maxui %get3A_346, %get3A_350 : vector<16xi32>
      %min3A_364 = arith.minui %get3A_346, %get3A_350 : vector<16xi32>
      %max3A_365 = arith.maxui %get3A_354, %get3A_358 : vector<16xi32>
      %min3A_366 = arith.minui %get3A_354, %get3A_358 : vector<16xi32>
      %max3A_367 = arith.maxui %max3A_359, %max3A_361 : vector<16xi32>
      %min3A_368 = arith.minui %max3A_359, %max3A_361 : vector<16xi32>
      %max3A_369 = arith.maxui %min3A_360, %min3A_362 : vector<16xi32>
      %min3A_370 = arith.minui %min3A_360, %min3A_362 : vector<16xi32>
      %max3A_371 = arith.maxui %max3A_363, %max3A_365 : vector<16xi32>
      %min3A_372 = arith.minui %max3A_363, %max3A_365 : vector<16xi32>
      %max3A_373 = arith.maxui %min3A_364, %min3A_366 : vector<16xi32>
      %min3A_374 = arith.minui %min3A_364, %min3A_366 : vector<16xi32>
      %max3A_375 = arith.maxui %max3A_369, %min3A_368 : vector<16xi32>
      %min3A_376 = arith.minui %max3A_369, %min3A_368 : vector<16xi32>
      %max3A_377 = arith.maxui %max3A_373, %min3A_372 : vector<16xi32>
      %min3A_378 = arith.minui %max3A_373, %min3A_372 : vector<16xi32>
      %max3A_379 = arith.maxui %max3A_367, %max3A_371 : vector<16xi32>
      %min3A_380 = arith.minui %max3A_367, %max3A_371 : vector<16xi32>
      %max3A_381 = arith.maxui %max3A_375, %max3A_377 : vector<16xi32>
      %min3A_382 = arith.minui %max3A_375, %max3A_377 : vector<16xi32>
      %max3A_383 = arith.maxui %min3A_376, %min3A_378 : vector<16xi32>
      %min3A_384 = arith.minui %min3A_376, %min3A_378 : vector<16xi32>
      %max3A_385 = arith.maxui %min3A_370, %min3A_374 : vector<16xi32>
      %min3A_386 = arith.minui %min3A_370, %min3A_374 : vector<16xi32>
      %max3A_387 = arith.maxui %max3A_383, %min3A_380 : vector<16xi32>
      %min3A_388 = arith.minui %max3A_383, %min3A_380 : vector<16xi32>
      %max3A_389 = arith.maxui %max3A_385, %min3A_382 : vector<16xi32>
      %min3A_390 = arith.minui %max3A_385, %min3A_382 : vector<16xi32>
      %max3A_391 = arith.maxui %max3A_381, %max3A_387 : vector<16xi32>
      %min3A_392 = arith.minui %max3A_381, %max3A_387 : vector<16xi32>
      %max3A_393 = arith.maxui %max3A_389, %min3A_388 : vector<16xi32>
      %min3A_394 = arith.minui %max3A_389, %min3A_388 : vector<16xi32>
      %max3A_395 = arith.maxui %min3A_390, %min3A_384 : vector<16xi32>
      %min3A_396 = arith.minui %min3A_390, %min3A_384 : vector<16xi32>
      %max3A_397 = arith.maxui %max3A_319, %min3A_386 : vector<16xi32>
      %max3A_398 = arith.maxui %min3A_320, %min3A_396 : vector<16xi32>
      %max3A_399 = arith.maxui %max3A_321, %max3A_395 : vector<16xi32>
      %max3A_400 = arith.maxui %min3A_322, %min3A_394 : vector<16xi32>
      %max3A_401 = arith.maxui %max3A_323, %max3A_393 : vector<16xi32>
      %max3A_402 = arith.maxui %min3A_324, %min3A_392 : vector<16xi32>
      %max3A_403 = arith.maxui %max3A_325, %max3A_391 : vector<16xi32>
      %max3A_404 = arith.maxui %min3A_326, %max3A_379 : vector<16xi32>
      %max3A_405 = arith.maxui %max3A_397, %max3A_401 : vector<16xi32>
      %min3A_406 = arith.minui %max3A_397, %max3A_401 : vector<16xi32>
      %max3A_407 = arith.maxui %max3A_398, %max3A_402 : vector<16xi32>
      %min3A_408 = arith.minui %max3A_398, %max3A_402 : vector<16xi32>
      %max3A_409 = arith.maxui %max3A_399, %max3A_403 : vector<16xi32>
      %min3A_410 = arith.minui %max3A_399, %max3A_403 : vector<16xi32>
      %max3A_411 = arith.maxui %max3A_400, %max3A_404 : vector<16xi32>
      %min3A_412 = arith.minui %max3A_400, %max3A_404 : vector<16xi32>
      %max3A_413 = arith.maxui %max3A_405, %max3A_409 : vector<16xi32>
      %min3A_414 = arith.minui %max3A_405, %max3A_409 : vector<16xi32>
      %max3A_415 = arith.maxui %max3A_407, %max3A_411 : vector<16xi32>
      %min3A_416 = arith.minui %max3A_407, %max3A_411 : vector<16xi32>
      %max3A_417 = arith.maxui %min3A_406, %min3A_410 : vector<16xi32>
      %min3A_418 = arith.minui %min3A_406, %min3A_410 : vector<16xi32>
      %max3A_419 = arith.maxui %min3A_408, %min3A_412 : vector<16xi32>
      %min3A_420 = arith.minui %min3A_408, %min3A_412 : vector<16xi32>
      %max3A_421 = arith.maxui %max3A_413, %max3A_415 : vector<16xi32>
      %min3A_422 = arith.minui %max3A_413, %max3A_415 : vector<16xi32>
      %max3A_423 = arith.maxui %min3A_414, %min3A_416 : vector<16xi32>
      %min3A_424 = arith.minui %min3A_414, %min3A_416 : vector<16xi32>
      %max3A_425 = arith.maxui %max3A_417, %max3A_419 : vector<16xi32>
      %min3A_426 = arith.minui %max3A_417, %max3A_419 : vector<16xi32>
      %max3A_427 = arith.maxui %min3A_418, %min3A_420 : vector<16xi32>
      %min3A_428 = arith.minui %min3A_418, %min3A_420 : vector<16xi32>
      %get3A_429 = arith.constant 32 : i32
      %get3A_430 = arith.index_cast %get3A_429 : i32 to index
      %get3A_431 = arith.index_cast %mul3A_55 : i32 to index
      %get3A_432 = tpu.vector_load %arg6[%get3A_430, %get3A_431] {strides = array<i32>} : memref<64x512xi32, #tpu.memory_space<vmem>>, vector<16xi32>,
      %get3A_433 = arith.constant 33 : i32
      %get3A_434 = arith.index_cast %get3A_433 : i32 to index
      %get3A_435 = arith.index_cast %mul3A_55 : i32 to index
      %get3A_436 = tpu.vector_load %arg6[%get3A_434, %get3A_435] {strides = array<i32>} : memref<64x512xi32, #tpu.memory_space<vmem>>, vector<16xi32>,
      %get3A_437 = arith.constant 34 : i32
      %get3A_438 = arith.index_cast %get3A_437 : i32 to index
      %get3A_439 = arith.index_cast %mul3A_55 : i32 to index
      %get3A_440 = tpu.vector_load %arg6[%get3A_438, %get3A_439] {strides = array<i32>} : memref<64x512xi32, #tpu.memory_space<vmem>>, vector<16xi32>,
      %get3A_441 = arith.constant 35 : i32
      %get3A_442 = arith.index_cast %get3A_441 : i32 to index
      %get3A_443 = arith.index_cast %mul3A_55 : i32 to index
      %get3A_444 = tpu.vector_load %arg6[%get3A_442, %get3A_443] {strides = array<i32>} : memref<64x512xi32, #tpu.memory_space<vmem>>, vector<16xi32>,
      %get3A_445 = arith.constant 36 : i32
      %get3A_446 = arith.index_cast %get3A_445 : i32 to index
      %get3A_447 = arith.index_cast %mul3A_55 : i32 to index
      %get3A_448 = tpu.vector_load %arg6[%get3A_446, %get3A_447] {strides = array<i32>} : memref<64x512xi32, #tpu.memory_space<vmem>>, vector<16xi32>,
      %get3A_449 = arith.constant 37 : i32
      %get3A_450 = arith.index_cast %get3A_449 : i32 to index
      %get3A_451 = arith.index_cast %mul3A_55 : i32 to index
      %get3A_452 = tpu.vector_load %arg6[%get3A_450, %get3A_451] {strides = array<i32>} : memref<64x512xi32, #tpu.memory_space<vmem>>, vector<16xi32>,
      %get3A_453 = arith.constant 38 : i32
      %get3A_454 = arith.index_cast %get3A_453 : i32 to index
      %get3A_455 = arith.index_cast %mul3A_55 : i32 to index
      %get3A_456 = tpu.vector_load %arg6[%get3A_454, %get3A_455] {strides = array<i32>} : memref<64x512xi32, #tpu.memory_space<vmem>>, vector<16xi32>,
      %get3A_457 = arith.constant 39 : i32
      %get3A_458 = arith.index_cast %get3A_457 : i32 to index
      %get3A_459 = arith.index_cast %mul3A_55 : i32 to index
      %get3A_460 = tpu.vector_load %arg6[%get3A_458, %get3A_459] {strides = array<i32>} : memref<64x512xi32, #tpu.memory_space<vmem>>, vector<16xi32>,
      %max3A_461 = arith.maxui %get3A_432, %get3A_436 : vector<16xi32>
      %min3A_462 = arith.minui %get3A_432, %get3A_436 : vector<16xi32>
      %max3A_463 = arith.maxui %get3A_440, %get3A_444 : vector<16xi32>
      %min3A_464 = arith.minui %get3A_440, %get3A_444 : vector<16xi32>
      %max3A_465 = arith.maxui %get3A_448, %get3A_452 : vector<16xi32>
      %min3A_466 = arith.minui %get3A_448, %get3A_452 : vector<16xi32>
      %max3A_467 = arith.maxui %get3A_456, %get3A_460 : vector<16xi32>
      %min3A_468 = arith.minui %get3A_456, %get3A_460 : vector<16xi32>
      %max3A_469 = arith.maxui %max3A_461, %max3A_463 : vector<16xi32>
      %min3A_470 = arith.minui %max3A_461, %max3A_463 : vector<16xi32>
      %max3A_471 = arith.maxui %min3A_462, %min3A_464 : vector<16xi32>
      %min3A_472 = arith.minui %min3A_462, %min3A_464 : vector<16xi32>
      %max3A_473 = arith.maxui %max3A_465, %max3A_467 : vector<16xi32>
      %min3A_474 = arith.minui %max3A_465, %max3A_467 : vector<16xi32>
      %max3A_475 = arith.maxui %min3A_466, %min3A_468 : vector<16xi32>
      %min3A_476 = arith.minui %min3A_466, %min3A_468 : vector<16xi32>
      %max3A_477 = arith.maxui %max3A_471, %min3A_470 : vector<16xi32>
      %min3A_478 = arith.minui %max3A_471, %min3A_470 : vector<16xi32>
      %max3A_479 = arith.maxui %max3A_475, %min3A_474 : vector<16xi32>
      %min3A_480 = arith.minui %max3A_475, %min3A_474 : vector<16xi32>
      %max3A_481 = arith.maxui %max3A_469, %max3A_473 : vector<16xi32>
      %min3A_482 = arith.minui %max3A_469, %max3A_473 : vector<16xi32>
      %max3A_483 = arith.maxui %max3A_477, %max3A_479 : vector<16xi32>
      %min3A_484 = arith.minui %max3A_477, %max3A_479 : vector<16xi32>
      %max3A_485 = arith.maxui %min3A_478, %min3A_480 : vector<16xi32>
      %min3A_486 = arith.minui %min3A_478, %min3A_480 : vector<16xi32>
      %max3A_487 = arith.maxui %min3A_472, %min3A_476 : vector<16xi32>
      %min3A_488 = arith.minui %min3A_472, %min3A_476 : vector<16xi32>
      %max3A_489 = arith.maxui %max3A_485, %min3A_482 : vector<16xi32>
      %min3A_490 = arith.minui %max3A_485, %min3A_482 : vector<16xi32>
      %max3A_491 = arith.maxui %max3A_487, %min3A_484 : vector<16xi32>
      %min3A_492 = arith.minui %max3A_487, %min3A_484 : vector<16xi32>
      %max3A_493 = arith.maxui %max3A_483, %max3A_489 : vector<16xi32>
      %min3A_494 = arith.minui %max3A_483, %max3A_489 : vector<16xi32>
      %max3A_495 = arith.maxui %max3A_491, %min3A_490 : vector<16xi32>
      %min3A_496 = arith.minui %max3A_491, %min3A_490 : vector<16xi32>
      %max3A_497 = arith.maxui %min3A_492, %min3A_486 : vector<16xi32>
      %min3A_498 = arith.minui %min3A_492, %min3A_486 : vector<16xi32>
      %max3A_499 = arith.maxui %max3A_421, %min3A_488 : vector<16xi32>
      %max3A_500 = arith.maxui %min3A_422, %min3A_498 : vector<16xi32>
      %max3A_501 = arith.maxui %max3A_423, %max3A_497 : vector<16xi32>
      %max3A_502 = arith.maxui %min3A_424, %min3A_496 : vector<16xi32>
      %max3A_503 = arith.maxui %max3A_425, %max3A_495 : vector<16xi32>
      %max3A_504 = arith.maxui %min3A_426, %min3A_494 : vector<16xi32>
      %max3A_505 = arith.maxui %max3A_427, %max3A_493 : vector<16xi32>
      %max3A_506 = arith.maxui %min3A_428, %max3A_481 : vector<16xi32>
      %max3A_507 = arith.maxui %max3A_499, %max3A_503 : vector<16xi32>
      %min3A_508 = arith.minui %max3A_499, %max3A_503 : vector<16xi32>
      %max3A_509 = arith.maxui %max3A_500, %max3A_504 : vector<16xi32>
      %min3A_510 = arith.minui %max3A_500, %max3A_504 : vector<16xi32>
      %max3A_511 = arith.maxui %max3A_501, %max3A_505 : vector<16xi32>
      %min3A_512 = arith.minui %max3A_501, %max3A_505 : vector<16xi32>
      %max3A_513 = arith.maxui %max3A_502, %max3A_506 : vector<16xi32>
      %min3A_514 = arith.minui %max3A_502, %max3A_506 : vector<16xi32>
      %max3A_515 = arith.maxui %max3A_507, %max3A_511 : vector<16xi32>
      %min3A_516 = arith.minui %max3A_507, %max3A_511 : vector<16xi32>
      %max3A_517 = arith.maxui %max3A_509, %max3A_513 : vector<16xi32>
      %min3A_518 = arith.minui %max3A_509, %max3A_513 : vector<16xi32>
      %max3A_519 = arith.maxui %min3A_508, %min3A_512 : vector<16xi32>
      %min3A_520 = arith.minui %min3A_508, %min3A_512 : vector<16xi32>
      %max3A_521 = arith.maxui %min3A_510, %min3A_514 : vector<16xi32>
      %min3A_522 = arith.minui %min3A_510, %min3A_514 : vector<16xi32>
      %max3A_523 = arith.maxui %max3A_515, %max3A_517 : vector<16xi32>
      %min3A_524 = arith.minui %max3A_515, %max3A_517 : vector<16xi32>
      %max3A_525 = arith.maxui %min3A_516, %min3A_518 : vector<16xi32>
      %min3A_526 = arith.minui %min3A_516, %min3A_518 : vector<16xi32>
      %max3A_527 = arith.maxui %max3A_519, %max3A_521 : vector<16xi32>
      %min3A_528 = arith.minui %max3A_519, %max3A_521 : vector<16xi32>
      %max3A_529 = arith.maxui %min3A_520, %min3A_522 : vector<16xi32>
      %min3A_530 = arith.minui %min3A_520, %min3A_522 : vector<16xi32>
      %get3A_531 = arith.constant 40 : i32
      %get3A_532 = arith.index_cast %get3A_531 : i32 to index
      %get3A_533 = arith.index_cast %mul3A_55 : i32 to index
      %get3A_534 = tpu.vector_load %arg6[%get3A_532, %get3A_533] {strides = array<i32>} : memref<64x512xi32, #tpu.memory_space<vmem>>, vector<16xi32>,
      %get3A_535 = arith.constant 41 : i32
      %get3A_536 = arith.index_cast %get3A_535 : i32 to index
      %get3A_537 = arith.index_cast %mul3A_55 : i32 to index
      %get3A_538 = tpu.vector_load %arg6[%get3A_536, %get3A_537] {strides = array<i32>} : memref<64x512xi32, #tpu.memory_space<vmem>>, vector<16xi32>,
      %get3A_539 = arith.constant 42 : i32
      %get3A_540 = arith.index_cast %get3A_539 : i32 to index
      %get3A_541 = arith.index_cast %mul3A_55 : i32 to index
      %get3A_542 = tpu.vector_load %arg6[%get3A_540, %get3A_541] {strides = array<i32>} : memref<64x512xi32, #tpu.memory_space<vmem>>, vector<16xi32>,
      %get3A_543 = arith.constant 43 : i32
      %get3A_544 = arith.index_cast %get3A_543 : i32 to index
      %get3A_545 = arith.index_cast %mul3A_55 : i32 to index
      %get3A_546 = tpu.vector_load %arg6[%get3A_544, %get3A_545] {strides = array<i32>} : memref<64x512xi32, #tpu.memory_space<vmem>>, vector<16xi32>,
      %get3A_547 = arith.constant 44 : i32
      %get3A_548 = arith.index_cast %get3A_547 : i32 to index
      %get3A_549 = arith.index_cast %mul3A_55 : i32 to index
      %get3A_550 = tpu.vector_load %arg6[%get3A_548, %get3A_549] {strides = array<i32>} : memref<64x512xi32, #tpu.memory_space<vmem>>, vector<16xi32>,
      %get3A_551 = arith.constant 45 : i32
      %get3A_552 = arith.index_cast %get3A_551 : i32 to index
      %get3A_553 = arith.index_cast %mul3A_55 : i32 to index
      %get3A_554 = tpu.vector_load %arg6[%get3A_552, %get3A_553] {strides = array<i32>} : memref<64x512xi32, #tpu.memory_space<vmem>>, vector<16xi32>,
      %get3A_555 = arith.constant 46 : i32
      %get3A_556 = arith.index_cast %get3A_555 : i32 to index
      %get3A_557 = arith.index_cast %mul3A_55 : i32 to index
      %get3A_558 = tpu.vector_load %arg6[%get3A_556, %get3A_557] {strides = array<i32>} : memref<64x512xi32, #tpu.memory_space<vmem>>, vector<16xi32>,
      %get3A_559 = arith.constant 47 : i32
      %get3A_560 = arith.index_cast %get3A_559 : i32 to index
      %get3A_561 = arith.index_cast %mul3A_55 : i32 to index
      %get3A_562 = tpu.vector_load %arg6[%get3A_560, %get3A_561] {strides = array<i32>} : memref<64x512xi32, #tpu.memory_space<vmem>>, vector<16xi32>,
      %max3A_563 = arith.maxui %get3A_534, %get3A_538 : vector<16xi32>
      %min3A_564 = arith.minui %get3A_534, %get3A_538 : vector<16xi32>
      %max3A_565 = arith.maxui %get3A_542, %get3A_546 : vector<16xi32>
      %min3A_566 = arith.minui %get3A_542, %get3A_546 : vector<16xi32>
      %max3A_567 = arith.maxui %get3A_550, %get3A_554 : vector<16xi32>
      %min3A_568 = arith.minui %get3A_550, %get3A_554 : vector<16xi32>
      %max3A_569 = arith.maxui %get3A_558, %get3A_562 : vector<16xi32>
      %min3A_570 = arith.minui %get3A_558, %get3A_562 : vector<16xi32>
      %max3A_571 = arith.maxui %max3A_563, %max3A_565 : vector<16xi32>
      %min3A_572 = arith.minui %max3A_563, %max3A_565 : vector<16xi32>
      %max3A_573 = arith.maxui %min3A_564, %min3A_566 : vector<16xi32>
      %min3A_574 = arith.minui %min3A_564, %min3A_566 : vector<16xi32>
      %max3A_575 = arith.maxui %max3A_567, %max3A_569 : vector<16xi32>
      %min3A_576 = arith.minui %max3A_567, %max3A_569 : vector<16xi32>
      %max3A_577 = arith.maxui %min3A_568, %min3A_570 : vector<16xi32>
      %min3A_578 = arith.minui %min3A_568, %min3A_570 : vector<16xi32>
      %max3A_579 = arith.maxui %max3A_573, %min3A_572 : vector<16xi32>
      %min3A_580 = arith.minui %max3A_573, %min3A_572 : vector<16xi32>
      %max3A_581 = arith.maxui %max3A_577, %min3A_576 : vector<16xi32>
      %min3A_582 = arith.minui %max3A_577, %min3A_576 : vector<16xi32>
      %max3A_583 = arith.maxui %max3A_571, %max3A_575 : vector<16xi32>
      %min3A_584 = arith.minui %max3A_571, %max3A_575 : vector<16xi32>
      %max3A_585 = arith.maxui %max3A_579, %max3A_581 : vector<16xi32>
      %min3A_586 = arith.minui %max3A_579, %max3A_581 : vector<16xi32>
      %max3A_587 = arith.maxui %min3A_580, %min3A_582 : vector<16xi32>
      %min3A_588 = arith.minui %min3A_580, %min3A_582 : vector<16xi32>
      %max3A_589 = arith.maxui %min3A_574, %min3A_578 : vector<16xi32>
      %min3A_590 = arith.minui %min3A_574, %min3A_578 : vector<16xi32>
      %max3A_591 = arith.maxui %max3A_587, %min3A_584 : vector<16xi32>
      %min3A_592 = arith.minui %max3A_587, %min3A_584 : vector<16xi32>
      %max3A_593 = arith.maxui %max3A_589, %min3A_586 : vector<16xi32>
      %min3A_594 = arith.minui %max3A_589, %min3A_586 : vector<16xi32>
      %max3A_595 = arith.maxui %max3A_585, %max3A_591 : vector<16xi32>
      %min3A_596 = arith.minui %max3A_585, %max3A_591 : vector<16xi32>
      %max3A_597 = arith.maxui %max3A_593, %min3A_592 : vector<16xi32>
      %min3A_598 = arith.minui %max3A_593, %min3A_592 : vector<16xi32>
      %max3A_599 = arith.maxui %min3A_594, %min3A_588 : vector<16xi32>
      %min3A_600 = arith.minui %min3A_594, %min3A_588 : vector<16xi32>
      %max3A_601 = arith.maxui %max3A_523, %min3A_590 : vector<16xi32>
      %max3A_602 = arith.maxui %min3A_524, %min3A_600 : vector<16xi32>
      %max3A_603 = arith.maxui %max3A_525, %max3A_599 : vector<16xi32>
      %max3A_604 = arith.maxui %min3A_526, %min3A_598 : vector<16xi32>
      %max3A_605 = arith.maxui %max3A_527, %max3A_597 : vector<16xi32>
      %max3A_606 = arith.maxui %min3A_528, %min3A_596 : vector<16xi32>
      %max3A_607 = arith.maxui %max3A_529, %max3A_595 : vector<16xi32>
      %max3A_608 = arith.maxui %min3A_530, %max3A_583 : vector<16xi32>
      %max3A_609 = arith.maxui %max3A_601, %max3A_605 : vector<16xi32>
      %min3A_610 = arith.minui %max3A_601, %max3A_605 : vector<16xi32>
      %max3A_611 = arith.maxui %max3A_602, %max3A_606 : vector<16xi32>
      %min3A_612 = arith.minui %max3A_602, %max3A_606 : vector<16xi32>
      %max3A_613 = arith.maxui %max3A_603, %max3A_607 : vector<16xi32>
      %min3A_614 = arith.minui %max3A_603, %max3A_607 : vector<16xi32>
      %max3A_615 = arith.maxui %max3A_604, %max3A_608 : vector<16xi32>
      %min3A_616 = arith.minui %max3A_604, %max3A_608 : vector<16xi32>
      %max3A_617 = arith.maxui %max3A_609, %max3A_613 : vector<16xi32>
      %min3A_618 = arith.minui %max3A_609, %max3A_613 : vector<16xi32>
      %max3A_619 = arith.maxui %max3A_611, %max3A_615 : vector<16xi32>
      %min3A_620 = arith.minui %max3A_611, %max3A_615 : vector<16xi32>
      %max3A_621 = arith.maxui %min3A_610, %min3A_614 : vector<16xi32>
      %min3A_622 = arith.minui %min3A_610, %min3A_614 : vector<16xi32>
      %max3A_623 = arith.maxui %min3A_612, %min3A_616 : vector<16xi32>
      %min3A_624 = arith.minui %min3A_612, %min3A_616 : vector<16xi32>
      %max3A_625 = arith.maxui %max3A_617, %max3A_619 : vector<16xi32>
      %min3A_626 = arith.minui %max3A_617, %max3A_619 : vector<16xi32>
      %max3A_627 = arith.maxui %min3A_618, %min3A_620 : vector<16xi32>
      %min3A_628 = arith.minui %min3A_618, %min3A_620 : vector<16xi32>
      %max3A_629 = arith.maxui %max3A_621, %max3A_623 : vector<16xi32>
      %min3A_630 = arith.minui %max3A_621, %max3A_623 : vector<16xi32>
      %max3A_631 = arith.maxui %min3A_622, %min3A_624 : vector<16xi32>
      %min3A_632 = arith.minui %min3A_622, %min3A_624 : vector<16xi32>
      %get3A_633 = arith.constant 48 : i32
      %get3A_634 = arith.index_cast %get3A_633 : i32 to index
      %get3A_635 = arith.index_cast %mul3A_55 : i32 to index
      %get3A_636 = tpu.vector_load %arg6[%get3A_634, %get3A_635] {strides = array<i32>} : memref<64x512xi32, #tpu.memory_space<vmem>>, vector<16xi32>,
      %get3A_637 = arith.constant 49 : i32
      %get3A_638 = arith.index_cast %get3A_637 : i32 to index
      %get3A_639 = arith.index_cast %mul3A_55 : i32 to index
      %get3A_640 = tpu.vector_load %arg6[%get3A_638, %get3A_639] {strides = array<i32>} : memref<64x512xi32, #tpu.memory_space<vmem>>, vector<16xi32>,
      %get3A_641 = arith.constant 50 : i32
      %get3A_642 = arith.index_cast %get3A_641 : i32 to index
      %get3A_643 = arith.index_cast %mul3A_55 : i32 to index
      %get3A_644 = tpu.vector_load %arg6[%get3A_642, %get3A_643] {strides = array<i32>} : memref<64x512xi32, #tpu.memory_space<vmem>>, vector<16xi32>,
      %get3A_645 = arith.constant 51 : i32
      %get3A_646 = arith.index_cast %get3A_645 : i32 to index
      %get3A_647 = arith.index_cast %mul3A_55 : i32 to index
      %get3A_648 = tpu.vector_load %arg6[%get3A_646, %get3A_647] {strides = array<i32>} : memref<64x512xi32, #tpu.memory_space<vmem>>, vector<16xi32>,
      %get3A_649 = arith.constant 52 : i32
      %get3A_650 = arith.index_cast %get3A_649 : i32 to index
      %get3A_651 = arith.index_cast %mul3A_55 : i32 to index
      %get3A_652 = tpu.vector_load %arg6[%get3A_650, %get3A_651] {strides = array<i32>} : memref<64x512xi32, #tpu.memory_space<vmem>>, vector<16xi32>,
      %get3A_653 = arith.constant 53 : i32
      %get3A_654 = arith.index_cast %get3A_653 : i32 to index
      %get3A_655 = arith.index_cast %mul3A_55 : i32 to index
      %get3A_656 = tpu.vector_load %arg6[%get3A_654, %get3A_655] {strides = array<i32>} : memref<64x512xi32, #tpu.memory_space<vmem>>, vector<16xi32>,
      %get3A_657 = arith.constant 54 : i32
      %get3A_658 = arith.index_cast %get3A_657 : i32 to index
      %get3A_659 = arith.index_cast %mul3A_55 : i32 to index
      %get3A_660 = tpu.vector_load %arg6[%get3A_658, %get3A_659] {strides = array<i32>} : memref<64x512xi32, #tpu.memory_space<vmem>>, vector<16xi32>,
      %get3A_661 = arith.constant 55 : i32
      %get3A_662 = arith.index_cast %get3A_661 : i32 to index
      %get3A_663 = arith.index_cast %mul3A_55 : i32 to index
      %get3A_664 = tpu.vector_load %arg6[%get3A_662, %get3A_663] {strides = array<i32>} : memref<64x512xi32, #tpu.memory_space<vmem>>, vector<16xi32>,
      %max3A_665 = arith.maxui %get3A_636, %get3A_640 : vector<16xi32>
      %min3A_666 = arith.minui %get3A_636, %get3A_640 : vector<16xi32>
      %max3A_667 = arith.maxui %get3A_644, %get3A_648 : vector<16xi32>
      %min3A_668 = arith.minui %get3A_644, %get3A_648 : vector<16xi32>
      %max3A_669 = arith.maxui %get3A_652, %get3A_656 : vector<16xi32>
      %min3A_670 = arith.minui %get3A_652, %get3A_656 : vector<16xi32>
      %max3A_671 = arith.maxui %get3A_660, %get3A_664 : vector<16xi32>
      %min3A_672 = arith.minui %get3A_660, %get3A_664 : vector<16xi32>
      %max3A_673 = arith.maxui %max3A_665, %max3A_667 : vector<16xi32>
      %min3A_674 = arith.minui %max3A_665, %max3A_667 : vector<16xi32>
      %max3A_675 = arith.maxui %min3A_666, %min3A_668 : vector<16xi32>
      %min3A_676 = arith.minui %min3A_666, %min3A_668 : vector<16xi32>
      %max3A_677 = arith.maxui %max3A_669, %max3A_671 : vector<16xi32>
      %min3A_678 = arith.minui %max3A_669, %max3A_671 : vector<16xi32>
      %max3A_679 = arith.maxui %min3A_670, %min3A_672 : vector<16xi32>
      %min3A_680 = arith.minui %min3A_670, %min3A_672 : vector<16xi32>
      %max3A_681 = arith.maxui %max3A_675, %min3A_674 : vector<16xi32>
      %min3A_682 = arith.minui %max3A_675, %min3A_674 : vector<16xi32>
      %max3A_683 = arith.maxui %max3A_679, %min3A_678 : vector<16xi32>
      %min3A_684 = arith.minui %max3A_679, %min3A_678 : vector<16xi32>
      %max3A_685 = arith.maxui %max3A_673, %max3A_677 : vector<16xi32>
      %min3A_686 = arith.minui %max3A_673, %max3A_677 : vector<16xi32>
      %max3A_687 = arith.maxui %max3A_681, %max3A_683 : vector<16xi32>
      %min3A_688 = arith.minui %max3A_681, %max3A_683 : vector<16xi32>
      %max3A_689 = arith.maxui %min3A_682, %min3A_684 : vector<16xi32>
      %min3A_690 = arith.minui %min3A_682, %min3A_684 : vector<16xi32>
      %max3A_691 = arith.maxui %min3A_676, %min3A_680 : vector<16xi32>
      %min3A_692 = arith.minui %min3A_676, %min3A_680 : vector<16xi32>
      %max3A_693 = arith.maxui %max3A_689, %min3A_686 : vector<16xi32>
      %min3A_694 = arith.minui %max3A_689, %min3A_686 : vector<16xi32>
      %max3A_695 = arith.maxui %max3A_691, %min3A_688 : vector<16xi32>
      %min3A_696 = arith.minui %max3A_691, %min3A_688 : vector<16xi32>
      %max3A_697 = arith.maxui %max3A_687, %max3A_693 : vector<16xi32>
      %min3A_698 = arith.minui %max3A_687, %max3A_693 : vector<16xi32>
      %max3A_699 = arith.maxui %max3A_695, %min3A_694 : vector<16xi32>
      %min3A_700 = arith.minui %max3A_695, %min3A_694 : vector<16xi32>
      %max3A_701 = arith.maxui %min3A_696, %min3A_690 : vector<16xi32>
      %min3A_702 = arith.minui %min3A_696, %min3A_690 : vector<16xi32>
      %max3A_703 = arith.maxui %max3A_625, %min3A_692 : vector<16xi32>
      %max3A_704 = arith.maxui %min3A_626, %min3A_702 : vector<16xi32>
      %max3A_705 = arith.maxui %max3A_627, %max3A_701 : vector<16xi32>
      %max3A_706 = arith.maxui %min3A_628, %min3A_700 : vector<16xi32>
      %max3A_707 = arith.maxui %max3A_629, %max3A_699 : vector<16xi32>
      %max3A_708 = arith.maxui %min3A_630, %min3A_698 : vector<16xi32>
      %max3A_709 = arith.maxui %max3A_631, %max3A_697 : vector<16xi32>
      %max3A_710 = arith.maxui %min3A_632, %max3A_685 : vector<16xi32>
      %max3A_711 = arith.maxui %max3A_703, %max3A_707 : vector<16xi32>
      %min3A_712 = arith.minui %max3A_703, %max3A_707 : vector<16xi32>
      %max3A_713 = arith.maxui %max3A_704, %max3A_708 : vector<16xi32>
      %min3A_714 = arith.minui %max3A_704, %max3A_708 : vector<16xi32>
      %max3A_715 = arith.maxui %max3A_705, %max3A_709 : vector<16xi32>
      %min3A_716 = arith.minui %max3A_705, %max3A_709 : vector<16xi32>
      %max3A_717 = arith.maxui %max3A_706, %max3A_710 : vector<16xi32>
      %min3A_718 = arith.minui %max3A_706, %max3A_710 : vector<16xi32>
      %max3A_719 = arith.maxui %max3A_711, %max3A_715 : vector<16xi32>
      %min3A_720 = arith.minui %max3A_711, %max3A_715 : vector<16xi32>
      %max3A_721 = arith.maxui %max3A_713, %max3A_717 : vector<16xi32>
      %min3A_722 = arith.minui %max3A_713, %max3A_717 : vector<16xi32>
      %max3A_723 = arith.maxui %min3A_712, %min3A_716 : vector<16xi32>
      %min3A_724 = arith.minui %min3A_712, %min3A_716 : vector<16xi32>
      %max3A_725 = arith.maxui %min3A_714, %min3A_718 : vector<16xi32>
      %min3A_726 = arith.minui %min3A_714, %min3A_718 : vector<16xi32>
      %max3A_727 = arith.maxui %max3A_719, %max3A_721 : vector<16xi32>
      %min3A_728 = arith.minui %max3A_719, %max3A_721 : vector<16xi32>
      %max3A_729 = arith.maxui %min3A_720, %min3A_722 : vector<16xi32>
      %min3A_730 = arith.minui %min3A_720, %min3A_722 : vector<16xi32>
      %max3A_731 = arith.maxui %max3A_723, %max3A_725 : vector<16xi32>
      %min3A_732 = arith.minui %max3A_723, %max3A_725 : vector<16xi32>
      %max3A_733 = arith.maxui %min3A_724, %min3A_726 : vector<16xi32>
      %min3A_734 = arith.minui %min3A_724, %min3A_726 : vector<16xi32>
      %get3A_735 = arith.constant 56 : i32
      %get3A_736 = arith.index_cast %get3A_735 : i32 to index
      %get3A_737 = arith.index_cast %mul3A_55 : i32 to index
      %get3A_738 = tpu.vector_load %arg6[%get3A_736, %get3A_737] {strides = array<i32>} : memref<64x512xi32, #tpu.memory_space<vmem>>, vector<16xi32>,
      %get3A_739 = arith.constant 57 : i32
      %get3A_740 = arith.index_cast %get3A_739 : i32 to index
      %get3A_741 = arith.index_cast %mul3A_55 : i32 to index
      %get3A_742 = tpu.vector_load %arg6[%get3A_740, %get3A_741] {strides = array<i32>} : memref<64x512xi32, #tpu.memory_space<vmem>>, vector<16xi32>,
      %get3A_743 = arith.constant 58 : i32
      %get3A_744 = arith.index_cast %get3A_743 : i32 to index
      %get3A_745 = arith.index_cast %mul3A_55 : i32 to index
      %get3A_746 = tpu.vector_load %arg6[%get3A_744, %get3A_745] {strides = array<i32>} : memref<64x512xi32, #tpu.memory_space<vmem>>, vector<16xi32>,
      %get3A_747 = arith.constant 59 : i32
      %get3A_748 = arith.index_cast %get3A_747 : i32 to index
      %get3A_749 = arith.index_cast %mul3A_55 : i32 to index
      %get3A_750 = tpu.vector_load %arg6[%get3A_748, %get3A_749] {strides = array<i32>} : memref<64x512xi32, #tpu.memory_space<vmem>>, vector<16xi32>,
      %get3A_751 = arith.constant 60 : i32
      %get3A_752 = arith.index_cast %get3A_751 : i32 to index
      %get3A_753 = arith.index_cast %mul3A_55 : i32 to index
      %get3A_754 = tpu.vector_load %arg6[%get3A_752, %get3A_753] {strides = array<i32>} : memref<64x512xi32, #tpu.memory_space<vmem>>, vector<16xi32>,
      %get3A_755 = arith.constant 61 : i32
      %get3A_756 = arith.index_cast %get3A_755 : i32 to index
      %get3A_757 = arith.index_cast %mul3A_55 : i32 to index
      %get3A_758 = tpu.vector_load %arg6[%get3A_756, %get3A_757] {strides = array<i32>} : memref<64x512xi32, #tpu.memory_space<vmem>>, vector<16xi32>,
      %get3A_759 = arith.constant 62 : i32
      %get3A_760 = arith.index_cast %get3A_759 : i32 to index
      %get3A_761 = arith.index_cast %mul3A_55 : i32 to index
      %get3A_762 = tpu.vector_load %arg6[%get3A_760, %get3A_761] {strides = array<i32>} : memref<64x512xi32, #tpu.memory_space<vmem>>, vector<16xi32>,
      %get3A_763 = arith.constant 63 : i32
      %get3A_764 = arith.index_cast %get3A_763 : i32 to index
      %get3A_765 = arith.index_cast %mul3A_55 : i32 to index
      %get3A_766 = tpu.vector_load %arg6[%get3A_764, %get3A_765] {strides = array<i32>} : memref<64x512xi32, #tpu.memory_space<vmem>>, vector<16xi32>,
      %max3A_767 = arith.maxui %get3A_738, %get3A_742 : vector<16xi32>
      %min3A_768 = arith.minui %get3A_738, %get3A_742 : vector<16xi32>
      %max3A_769 = arith.maxui %get3A_746, %get3A_750 : vector<16xi32>
      %min3A_770 = arith.minui %get3A_746, %get3A_750 : vector<16xi32>
      %max3A_771 = arith.maxui %get3A_754, %get3A_758 : vector<16xi32>
      %min3A_772 = arith.minui %get3A_754, %get3A_758 : vector<16xi32>
      %max3A_773 = arith.maxui %get3A_762, %get3A_766 : vector<16xi32>
      %min3A_774 = arith.minui %get3A_762, %get3A_766 : vector<16xi32>
      %max3A_775 = arith.maxui %max3A_767, %max3A_769 : vector<16xi32>
      %min3A_776 = arith.minui %max3A_767, %max3A_769 : vector<16xi32>
      %max3A_777 = arith.maxui %min3A_768, %min3A_770 : vector<16xi32>
      %min3A_778 = arith.minui %min3A_768, %min3A_770 : vector<16xi32>
      %max3A_779 = arith.maxui %max3A_771, %max3A_773 : vector<16xi32>
      %min3A_780 = arith.minui %max3A_771, %max3A_773 : vector<16xi32>
      %max3A_781 = arith.maxui %min3A_772, %min3A_774 : vector<16xi32>
      %min3A_782 = arith.minui %min3A_772, %min3A_774 : vector<16xi32>
      %max3A_783 = arith.maxui %max3A_777, %min3A_776 : vector<16xi32>
      %min3A_784 = arith.minui %max3A_777, %min3A_776 : vector<16xi32>
      %max3A_785 = arith.maxui %max3A_781, %min3A_780 : vector<16xi32>
      %min3A_786 = arith.minui %max3A_781, %min3A_780 : vector<16xi32>
      %max3A_787 = arith.maxui %max3A_775, %max3A_779 : vector<16xi32>
      %min3A_788 = arith.minui %max3A_775, %max3A_779 : vector<16xi32>
      %max3A_789 = arith.maxui %max3A_783, %max3A_785 : vector<16xi32>
      %min3A_790 = arith.minui %max3A_783, %max3A_785 : vector<16xi32>
      %max3A_791 = arith.maxui %min3A_784, %min3A_786 : vector<16xi32>
      %min3A_792 = arith.minui %min3A_784, %min3A_786 : vector<16xi32>
      %max3A_793 = arith.maxui %min3A_778, %min3A_782 : vector<16xi32>
      %min3A_794 = arith.minui %min3A_778, %min3A_782 : vector<16xi32>
      %max3A_795 = arith.maxui %max3A_791, %min3A_788 : vector<16xi32>
      %min3A_796 = arith.minui %max3A_791, %min3A_788 : vector<16xi32>
      %max3A_797 = arith.maxui %max3A_793, %min3A_790 : vector<16xi32>
      %min3A_798 = arith.minui %max3A_793, %min3A_790 : vector<16xi32>
      %max3A_799 = arith.maxui %max3A_789, %max3A_795 : vector<16xi32>
      %min3A_800 = arith.minui %max3A_789, %max3A_795 : vector<16xi32>
      %max3A_801 = arith.maxui %max3A_797, %min3A_796 : vector<16xi32>
      %min3A_802 = arith.minui %max3A_797, %min3A_796 : vector<16xi32>
      %max3A_803 = arith.maxui %min3A_798, %min3A_792 : vector<16xi32>
      %min3A_804 = arith.minui %min3A_798, %min3A_792 : vector<16xi32>
      %max3A_805 = arith.maxui %max3A_727, %min3A_794 : vector<16xi32>
      %max3A_806 = arith.maxui %min3A_728, %min3A_804 : vector<16xi32>
      %max3A_807 = arith.maxui %max3A_729, %max3A_803 : vector<16xi32>
      %max3A_808 = arith.maxui %min3A_730, %min3A_802 : vector<16xi32>
      %max3A_809 = arith.maxui %max3A_731, %max3A_801 : vector<16xi32>
      %max3A_810 = arith.maxui %min3A_732, %min3A_800 : vector<16xi32>
      %max3A_811 = arith.maxui %max3A_733, %max3A_799 : vector<16xi32>
      %max3A_812 = arith.maxui %min3A_734, %max3A_787 : vector<16xi32>
      %max3A_813 = arith.maxui %max3A_805, %max3A_809 : vector<16xi32>
      %min3A_814 = arith.minui %max3A_805, %max3A_809 : vector<16xi32>
      %max3A_815 = arith.maxui %max3A_806, %max3A_810 : vector<16xi32>
      %min3A_816 = arith.minui %max3A_806, %max3A_810 : vector<16xi32>
      %max3A_817 = arith.maxui %max3A_807, %max3A_811 : vector<16xi32>
      %min3A_818 = arith.minui %max3A_807, %max3A_811 : vector<16xi32>
      %max3A_819 = arith.maxui %max3A_808, %max3A_812 : vector<16xi32>
      %min3A_820 = arith.minui %max3A_808, %max3A_812 : vector<16xi32>
      %max3A_821 = arith.maxui %max3A_813, %max3A_817 : vector<16xi32>
      %min3A_822 = arith.minui %max3A_813, %max3A_817 : vector<16xi32>
      %max3A_823 = arith.maxui %max3A_815, %max3A_819 : vector<16xi32>
      %min3A_824 = arith.minui %max3A_815, %max3A_819 : vector<16xi32>
      %max3A_825 = arith.maxui %min3A_814, %min3A_818 : vector<16xi32>
      %min3A_826 = arith.minui %min3A_814, %min3A_818 : vector<16xi32>
      %max3A_827 = arith.maxui %min3A_816, %min3A_820 : vector<16xi32>
      %min3A_828 = arith.minui %min3A_816, %min3A_820 : vector<16xi32>
      %max3A_829 = arith.maxui %max3A_821, %max3A_823 : vector<16xi32>
      %min3A_830 = arith.minui %max3A_821, %max3A_823 : vector<16xi32>
      %max3A_831 = arith.maxui %min3A_822, %min3A_824 : vector<16xi32>
      %min3A_832 = arith.minui %min3A_822, %min3A_824 : vector<16xi32>
      %max3A_833 = arith.maxui %max3A_825, %max3A_827 : vector<16xi32>
      %min3A_834 = arith.minui %max3A_825, %max3A_827 : vector<16xi32>
      %max3A_835 = arith.maxui %min3A_826, %min3A_828 : vector<16xi32>
      %min3A_836 = arith.minui %min3A_826, %min3A_828 : vector<16xi32>
      %and3A = arith.constant 63 : i32
      %and3A_837 = vector.broadcast %and3A : i32 to vector<16xi32>
      %and3A_838 = arith.andi %max3A_829, %and3A_837 : vector<16xi32>
      %sub3A = arith.constant 63 : i32
      %sub3A_839 = vector.broadcast %sub3A : i32 to vector<16xi32>
      %sub3A_840 = arith.subi %sub3A_839, %and3A_838 : vector<16xi32>
      %bitcast_convert_type3A = tpu.bitcast %sub3A_840 : vector<16xi32> -> vector<16xi32>
      %and3A_841 = arith.constant 63 : i32
      %and3A_842 = vector.broadcast %and3A_841 : i32 to vector<16xi32>
      %and3A_843 = arith.andi %min3A_830, %and3A_842 : vector<16xi32>
      %sub3A_844 = arith.constant 63 : i32
      %sub3A_845 = vector.broadcast %sub3A_844 : i32 to vector<16xi32>
      %sub3A_846 = arith.subi %sub3A_845, %and3A_843 : vector<16xi32>
      %bitcast_convert_type3A_847 = tpu.bitcast %sub3A_846 : vector<16xi32> -> vector<16xi32>
      %and3A_848 = arith.constant 63 : i32
      %and3A_849 = vector.broadcast %and3A_848 : i32 to vector<16xi32>
      %and3A_850 = arith.andi %max3A_831, %and3A_849 : vector<16xi32>
      %sub3A_851 = arith.constant 63 : i32
      %sub3A_852 = vector.broadcast %sub3A_851 : i32 to vector<16xi32>
      %sub3A_853 = arith.subi %sub3A_852, %and3A_850 : vector<16xi32>
      %bitcast_convert_type3A_854 = tpu.bitcast %sub3A_853 : vector<16xi32> -> vector<16xi32>
      %and3A_855 = arith.constant 63 : i32
      %and3A_856 = vector.broadcast %and3A_855 : i32 to vector<16xi32>
      %and3A_857 = arith.andi %min3A_832, %and3A_856 : vector<16xi32>
      %sub3A_858 = arith.constant 63 : i32
      %sub3A_859 = vector.broadcast %sub3A_858 : i32 to vector<16xi32>
      %sub3A_860 = arith.subi %sub3A_859, %and3A_857 : vector<16xi32>
      %bitcast_convert_type3A_861 = tpu.bitcast %sub3A_860 : vector<16xi32> -> vector<16xi32>
      %and3A_862 = arith.constant 63 : i32
      %and3A_863 = vector.broadcast %and3A_862 : i32 to vector<16xi32>
      %and3A_864 = arith.andi %max3A_833, %and3A_863 : vector<16xi32>
      %sub3A_865 = arith.constant 63 : i32
      %sub3A_866 = vector.broadcast %sub3A_865 : i32 to vector<16xi32>
      %sub3A_867 = arith.subi %sub3A_866, %and3A_864 : vector<16xi32>
      %bitcast_convert_type3A_868 = tpu.bitcast %sub3A_867 : vector<16xi32> -> vector<16xi32>
      %and3A_869 = arith.constant 63 : i32
      %and3A_870 = vector.broadcast %and3A_869 : i32 to vector<16xi32>
      %and3A_871 = arith.andi %min3A_834, %and3A_870 : vector<16xi32>
      %sub3A_872 = arith.constant 63 : i32
      %sub3A_873 = vector.broadcast %sub3A_872 : i32 to vector<16xi32>
      %sub3A_874 = arith.subi %sub3A_873, %and3A_871 : vector<16xi32>
      %bitcast_convert_type3A_875 = tpu.bitcast %sub3A_874 : vector<16xi32> -> vector<16xi32>
      %and3A_876 = arith.constant 63 : i32
      %and3A_877 = vector.broadcast %and3A_876 : i32 to vector<16xi32>
      %and3A_878 = arith.andi %max3A_835, %and3A_877 : vector<16xi32>
      %sub3A_879 = arith.constant 63 : i32
      %sub3A_880 = vector.broadcast %sub3A_879 : i32 to vector<16xi32>
      %sub3A_881 = arith.subi %sub3A_880, %and3A_878 : vector<16xi32>
      %bitcast_convert_type3A_882 = tpu.bitcast %sub3A_881 : vector<16xi32> -> vector<16xi32>
      %and3A_883 = arith.constant 63 : i32
      %and3A_884 = vector.broadcast %and3A_883 : i32 to vector<16xi32>
      %and3A_885 = arith.andi %min3A_836, %and3A_884 : vector<16xi32>
      %sub3A_886 = arith.constant 63 : i32
      %sub3A_887 = vector.broadcast %sub3A_886 : i32 to vector<16xi32>
      %sub3A_888 = arith.subi %sub3A_887, %and3A_885 : vector<16xi32>
      %bitcast_convert_type3A_889 = tpu.bitcast %sub3A_888 : vector<16xi32> -> vector<16xi32>
      %xor3A = arith.constant -2147483648 : i32
      %xor3A_890 = vector.broadcast %xor3A : i32 to vector<16xi32>
      %xor3A_891 = arith.xori %max3A_829, %xor3A_890 : vector<16xi32>
      %bitcast_convert_type3A_892 = tpu.bitcast %xor3A_891 : vector<16xi32> -> vector<16xi32>
      %shift_right_arithmetic3A = arith.constant 31 : i32
      %shift_right_arithmetic3A_893 = vector.broadcast %shift_right_arithmetic3A : i32 to vector<16xi32>
      %shift_right_arithmetic3A_894 = arith.shrsi %bitcast_convert_type3A_892, %shift_right_arithmetic3A_893 : vector<16xi32>
      %and3A_895 = arith.constant -64 : i32
      %and3A_896 = vector.broadcast %and3A_895 : i32 to vector<16xi32>
      %and3A_897 = arith.andi %bitcast_convert_type3A_892, %and3A_896 : vector<16xi32>
      %and3A_898 = arith.constant 2147483647 : i32
      %and3A_899 = vector.broadcast %and3A_898 : i32 to vector<16xi32>
      %and3A_900 = arith.andi %shift_right_arithmetic3A_894, %and3A_899 : vector<16xi32>
      %xor3A_901 = arith.xori %and3A_897, %and3A_900 : vector<16xi32>
      %bitcast_convert_type3A_902 = tpu.bitcast %xor3A_901 : vector<16xi32> -> vector<16xf32>
      %xor3A_903 = arith.constant -2147483648 : i32
      %xor3A_904 = vector.broadcast %xor3A_903 : i32 to vector<16xi32>
      %xor3A_905 = arith.xori %min3A_830, %xor3A_904 : vector<16xi32>
      %bitcast_convert_type3A_906 = tpu.bitcast %xor3A_905 : vector<16xi32> -> vector<16xi32>
      %shift_right_arithmetic3A_907 = arith.constant 31 : i32
      %shift_right_arithmetic3A_908 = vector.broadcast %shift_right_arithmetic3A_907 : i32 to vector<16xi32>
      %shift_right_arithmetic3A_909 = arith.shrsi %bitcast_convert_type3A_906, %shift_right_arithmetic3A_908 : vector<16xi32>
      %and3A_910 = arith.constant -64 : i32
      %and3A_911 = vector.broadcast %and3A_910 : i32 to vector<16xi32>
      %and3A_912 = arith.andi %bitcast_convert_type3A_906, %and3A_911 : vector<16xi32>
      %and3A_913 = arith.constant 2147483647 : i32
      %and3A_914 = vector.broadcast %and3A_913 : i32 to vector<16xi32>
      %and3A_915 = arith.andi %shift_right_arithmetic3A_909, %and3A_914 : vector<16xi32>
      %xor3A_916 = arith.xori %and3A_912, %and3A_915 : vector<16xi32>
      %bitcast_convert_type3A_917 = tpu.bitcast %xor3A_916 : vector<16xi32> -> vector<16xf32>
      %xor3A_918 = arith.constant -2147483648 : i32
      %xor3A_919 = vector.broadcast %xor3A_918 : i32 to vector<16xi32>
      %xor3A_920 = arith.xori %max3A_831, %xor3A_919 : vector<16xi32>
      %bitcast_convert_type3A_921 = tpu.bitcast %xor3A_920 : vector<16xi32> -> vector<16xi32>
      %shift_right_arithmetic3A_922 = arith.constant 31 : i32
      %shift_right_arithmetic3A_923 = vector.broadcast %shift_right_arithmetic3A_922 : i32 to vector<16xi32>
      %shift_right_arithmetic3A_924 = arith.shrsi %bitcast_convert_type3A_921, %shift_right_arithmetic3A_923 : vector<16xi32>
      %and3A_925 = arith.constant -64 : i32
      %and3A_926 = vector.broadcast %and3A_925 : i32 to vector<16xi32>
      %and3A_927 = arith.andi %bitcast_convert_type3A_921, %and3A_926 : vector<16xi32>
      %and3A_928 = arith.constant 2147483647 : i32
      %and3A_929 = vector.broadcast %and3A_928 : i32 to vector<16xi32>
      %and3A_930 = arith.andi %shift_right_arithmetic3A_924, %and3A_929 : vector<16xi32>
      %xor3A_931 = arith.xori %and3A_927, %and3A_930 : vector<16xi32>
      %bitcast_convert_type3A_932 = tpu.bitcast %xor3A_931 : vector<16xi32> -> vector<16xf32>
      %xor3A_933 = arith.constant -2147483648 : i32
      %xor3A_934 = vector.broadcast %xor3A_933 : i32 to vector<16xi32>
      %xor3A_935 = arith.xori %min3A_832, %xor3A_934 : vector<16xi32>
      %bitcast_convert_type3A_936 = tpu.bitcast %xor3A_935 : vector<16xi32> -> vector<16xi32>
      %shift_right_arithmetic3A_937 = arith.constant 31 : i32
      %shift_right_arithmetic3A_938 = vector.broadcast %shift_right_arithmetic3A_937 : i32 to vector<16xi32>
      %shift_right_arithmetic3A_939 = arith.shrsi %bitcast_convert_type3A_936, %shift_right_arithmetic3A_938 : vector<16xi32>
      %and3A_940 = arith.constant -64 : i32
      %and3A_941 = vector.broadcast %and3A_940 : i32 to vector<16xi32>
      %and3A_942 = arith.andi %bitcast_convert_type3A_936, %and3A_941 : vector<16xi32>
      %and3A_943 = arith.constant 2147483647 : i32
      %and3A_944 = vector.broadcast %and3A_943 : i32 to vector<16xi32>
      %and3A_945 = arith.andi %shift_right_arithmetic3A_939, %and3A_944 : vector<16xi32>
      %xor3A_946 = arith.xori %and3A_942, %and3A_945 : vector<16xi32>
      %bitcast_convert_type3A_947 = tpu.bitcast %xor3A_946 : vector<16xi32> -> vector<16xf32>
      %xor3A_948 = arith.constant -2147483648 : i32
      %xor3A_949 = vector.broadcast %xor3A_948 : i32 to vector<16xi32>
      %xor3A_950 = arith.xori %max3A_833, %xor3A_949 : vector<16xi32>
      %bitcast_convert_type3A_951 = tpu.bitcast %xor3A_950 : vector<16xi32> -> vector<16xi32>
      %shift_right_arithmetic3A_952 = arith.constant 31 : i32
      %shift_right_arithmetic3A_953 = vector.broadcast %shift_right_arithmetic3A_952 : i32 to vector<16xi32>
      %shift_right_arithmetic3A_954 = arith.shrsi %bitcast_convert_type3A_951, %shift_right_arithmetic3A_953 : vector<16xi32>
      %and3A_955 = arith.constant -64 : i32
      %and3A_956 = vector.broadcast %and3A_955 : i32 to vector<16xi32>
      %and3A_957 = arith.andi %bitcast_convert_type3A_951, %and3A_956 : vector<16xi32>
      %and3A_958 = arith.constant 2147483647 : i32
      %and3A_959 = vector.broadcast %and3A_958 : i32 to vector<16xi32>
      %and3A_960 = arith.andi %shift_right_arithmetic3A_954, %and3A_959 : vector<16xi32>
      %xor3A_961 = arith.xori %and3A_957, %and3A_960 : vector<16xi32>
      %bitcast_convert_type3A_962 = tpu.bitcast %xor3A_961 : vector<16xi32> -> vector<16xf32>
      %xor3A_963 = arith.constant -2147483648 : i32
      %xor3A_964 = vector.broadcast %xor3A_963 : i32 to vector<16xi32>
      %xor3A_965 = arith.xori %min3A_834, %xor3A_964 : vector<16xi32>
      %bitcast_convert_type3A_966 = tpu.bitcast %xor3A_965 : vector<16xi32> -> vector<16xi32>
      %shift_right_arithmetic3A_967 = arith.constant 31 : i32
      %shift_right_arithmetic3A_968 = vector.broadcast %shift_right_arithmetic3A_967 : i32 to vector<16xi32>
      %shift_right_arithmetic3A_969 = arith.shrsi %bitcast_convert_type3A_966, %shift_right_arithmetic3A_968 : vector<16xi32>
      %and3A_970 = arith.constant -64 : i32
      %and3A_971 = vector.broadcast %and3A_970 : i32 to vector<16xi32>
      %and3A_972 = arith.andi %bitcast_convert_type3A_966, %and3A_971 : vector<16xi32>
      %and3A_973 = arith.constant 2147483647 : i32
      %and3A_974 = vector.broadcast %and3A_973 : i32 to vector<16xi32>
      %and3A_975 = arith.andi %shift_right_arithmetic3A_969, %and3A_974 : vector<16xi32>
      %xor3A_976 = arith.xori %and3A_972, %and3A_975 : vector<16xi32>
      %bitcast_convert_type3A_977 = tpu.bitcast %xor3A_976 : vector<16xi32> -> vector<16xf32>
      %xor3A_978 = arith.constant -2147483648 : i32
      %xor3A_979 = vector.broadcast %xor3A_978 : i32 to vector<16xi32>
      %xor3A_980 = arith.xori %max3A_835, %xor3A_979 : vector<16xi32>
      %bitcast_convert_type3A_981 = tpu.bitcast %xor3A_980 : vector<16xi32> -> vector<16xi32>
      %shift_right_arithmetic3A_982 = arith.constant 31 : i32
      %shift_right_arithmetic3A_983 = vector.broadcast %shift_right_arithmetic3A_982 : i32 to vector<16xi32>
      %shift_right_arithmetic3A_984 = arith.shrsi %bitcast_convert_type3A_981, %shift_right_arithmetic3A_983 : vector<16xi32>
      %and3A_985 = arith.constant -64 : i32
      %and3A_986 = vector.broadcast %and3A_985 : i32 to vector<16xi32>
      %and3A_987 = arith.andi %bitcast_convert_type3A_981, %and3A_986 : vector<16xi32>
      %and3A_988 = arith.constant 2147483647 : i32
      %and3A_989 = vector.broadcast %and3A_988 : i32 to vector<16xi32>
      %and3A_990 = arith.andi %shift_right_arithmetic3A_984, %and3A_989 : vector<16xi32>
      %xor3A_991 = arith.xori %and3A_987, %and3A_990 : vector<16xi32>
      %bitcast_convert_type3A_992 = tpu.bitcast %xor3A_991 : vector<16xi32> -> vector<16xf32>
      %xor3A_993 = arith.constant -2147483648 : i32
      %xor3A_994 = vector.broadcast %xor3A_993 : i32 to vector<16xi32>
      %xor3A_995 = arith.xori %min3A_836, %xor3A_994 : vector<16xi32>
      %bitcast_convert_type3A_996 = tpu.bitcast %xor3A_995 : vector<16xi32> -> vector<16xi32>
      %shift_right_arithmetic3A_997 = arith.constant 31 : i32
      %shift_right_arithmetic3A_998 = vector.broadcast %shift_right_arithmetic3A_997 : i32 to vector<16xi32>
      %shift_right_arithmetic3A_999 = arith.shrsi %bitcast_convert_type3A_996, %shift_right_arithmetic3A_998 : vector<16xi32>
      %and3A_1000 = arith.constant -64 : i32
      %and3A_1001 = vector.broadcast %and3A_1000 : i32 to vector<16xi32>
      %and3A_1002 = arith.andi %bitcast_convert_type3A_996, %and3A_1001 : vector<16xi32>
      %and3A_1003 = arith.constant 2147483647 : i32
      %and3A_1004 = vector.broadcast %and3A_1003 : i32 to vector<16xi32>
      %and3A_1005 = arith.andi %shift_right_arithmetic3A_999, %and3A_1004 : vector<16xi32>
      %xor3A_1006 = arith.xori %and3A_1002, %and3A_1005 : vector<16xi32>
      %bitcast_convert_type3A_1007 = tpu.bitcast %xor3A_1006 : vector<16xi32> -> vector<16xf32>
      %sub3A_1008 = arith.subf %bitcast_convert_type3A_917, %bitcast_convert_type3A_902 : vector<16xf32>
      %exp3A = math.exp %sub3A_1008 : vector<16xf32>
      %sub3A_1009 = arith.subf %bitcast_convert_type3A_932, %bitcast_convert_type3A_902 : vector<16xf32>
      %exp3A_1010 = math.exp %sub3A_1009 : vector<16xf32>
      %sub3A_1011 = arith.subf %bitcast_convert_type3A_947, %bitcast_convert_type3A_902 : vector<16xf32>
      %exp3A_1012 = math.exp %sub3A_1011 : vector<16xf32>
      %sub3A_1013 = arith.subf %bitcast_convert_type3A_962, %bitcast_convert_type3A_902 : vector<16xf32>
      %exp3A_1014 = math.exp %sub3A_1013 : vector<16xf32>
      %sub3A_1015 = arith.subf %bitcast_convert_type3A_977, %bitcast_convert_type3A_902 : vector<16xf32>
      %exp3A_1016 = math.exp %sub3A_1015 : vector<16xf32>
      %sub3A_1017 = arith.subf %bitcast_convert_type3A_992, %bitcast_convert_type3A_902 : vector<16xf32>
      %exp3A_1018 = math.exp %sub3A_1017 : vector<16xf32>
      %sub3A_1019 = arith.subf %bitcast_convert_type3A_1007, %bitcast_convert_type3A_902 : vector<16xf32>
      %exp3A_1020 = math.exp %sub3A_1019 : vector<16xf32>
      %add3A_1021 = arith.addf %broadcast_in_dim3A_14, %exp3A : vector<16xf32>
      %add3A_1022 = arith.addf %add3A_1021, %exp3A_1010 : vector<16xf32>
      %add3A_1023 = arith.addf %add3A_1022, %exp3A_1012 : vector<16xf32>
      %add3A_1024 = arith.addf %add3A_1023, %exp3A_1014 : vector<16xf32>
      %add3A_1025 = arith.addf %add3A_1024, %exp3A_1016 : vector<16xf32>
      %add3A_1026 = arith.addf %add3A_1025, %exp3A_1018 : vector<16xf32>
      %add3A_1027 = arith.addf %add3A_1026, %exp3A_1020 : vector<16xf32>
      %div3A = arith.divf %broadcast_in_dim3A_14, %add3A_1027 : vector<16xf32>
      %mul3A_1028 = arith.mulf %broadcast_in_dim3A_14, %div3A : vector<16xf32>
      %swap3A_1029 = arith.constant 0 : i32
      %swap3A_1030 = arith.index_cast %swap3A_1029 : i32 to index
      %swap3A_1031 = arith.index_cast %mul3A_55 : i32 to index
      %swap3A_1032 = tpu.vector_load %arg7[%swap3A_1030, %swap3A_1031] {strides = array<i32>} : memref<8x512xf32, #tpu.memory_space<vmem>>, vector<16xf32>,
      tpu.vector_store %arg7[%swap3A_1030, %swap3A_1031], %mul3A_1028 {strides = array<i32>} : memref<8x512xf32, #tpu.memory_space<vmem>>, vector<16xf32>,
      %swap3A_1033 = arith.constant 0 : i32
      %swap3A_1034 = arith.index_cast %swap3A_1033 : i32 to index
      %swap3A_1035 = arith.index_cast %mul3A_55 : i32 to index
      %swap3A_1036 = tpu.vector_load %arg8[%swap3A_1034, %swap3A_1035] {strides = array<i32>} : memref<8x512xi32, #tpu.memory_space<vmem>>, vector<16xi32>,
      tpu.vector_store %arg8[%swap3A_1034, %swap3A_1035], %bitcast_convert_type3A {strides = array<i32>} : memref<8x512xi32, #tpu.memory_space<vmem>>, vector<16xi32>,
      tpu.vector_store_idx %arg9[%bitcast_convert_type3A], %broadcast_in_dim3A_14 {add = true} : memref<64xf32, #tpu.memory_space<vmem>>[vector<16xi32>], vector<16xf32>,
      %mul3A_1037 = arith.mulf %exp3A, %div3A : vector<16xf32>
      %swap3A_1038 = arith.constant 1 : i32
      %swap3A_1039 = arith.index_cast %swap3A_1038 : i32 to index
      %swap3A_1040 = arith.index_cast %mul3A_55 : i32 to index
      %swap3A_1041 = tpu.vector_load %arg7[%swap3A_1039, %swap3A_1040] {strides = array<i32>} : memref<8x512xf32, #tpu.memory_space<vmem>>, vector<16xf32>,
      tpu.vector_store %arg7[%swap3A_1039, %swap3A_1040], %mul3A_1037 {strides = array<i32>} : memref<8x512xf32, #tpu.memory_space<vmem>>, vector<16xf32>,
      %swap3A_1042 = arith.constant 1 : i32
      %swap3A_1043 = arith.index_cast %swap3A_1042 : i32 to index
      %swap3A_1044 = arith.index_cast %mul3A_55 : i32 to index
      %swap3A_1045 = tpu.vector_load %arg8[%swap3A_1043, %swap3A_1044] {strides = array<i32>} : memref<8x512xi32, #tpu.memory_space<vmem>>, vector<16xi32>,
      tpu.vector_store %arg8[%swap3A_1043, %swap3A_1044], %bitcast_convert_type3A_847 {strides = array<i32>} : memref<8x512xi32, #tpu.memory_space<vmem>>, vector<16xi32>,
      tpu.vector_store_idx %arg9[%bitcast_convert_type3A_847], %broadcast_in_dim3A_14 {add = true} : memref<64xf32, #tpu.memory_space<vmem>>[vector<16xi32>], vector<16xf32>,
      %mul3A_1046 = arith.mulf %exp3A_1010, %div3A : vector<16xf32>
      %swap3A_1047 = arith.constant 2 : i32
      %swap3A_1048 = arith.index_cast %swap3A_1047 : i32 to index
      %swap3A_1049 = arith.index_cast %mul3A_55 : i32 to index
      %swap3A_1050 = tpu.vector_load %arg7[%swap3A_1048, %swap3A_1049] {strides = array<i32>} : memref<8x512xf32, #tpu.memory_space<vmem>>, vector<16xf32>,
      tpu.vector_store %arg7[%swap3A_1048, %swap3A_1049], %mul3A_1046 {strides = array<i32>} : memref<8x512xf32, #tpu.memory_space<vmem>>, vector<16xf32>,
      %swap3A_1051 = arith.constant 2 : i32
      %swap3A_1052 = arith.index_cast %swap3A_1051 : i32 to index
      %swap3A_1053 = arith.index_cast %mul3A_55 : i32 to index
      %swap3A_1054 = tpu.vector_load %arg8[%swap3A_1052, %swap3A_1053] {strides = array<i32>} : memref<8x512xi32, #tpu.memory_space<vmem>>, vector<16xi32>,
      tpu.vector_store %arg8[%swap3A_1052, %swap3A_1053], %bitcast_convert_type3A_854 {strides = array<i32>} : memref<8x512xi32, #tpu.memory_space<vmem>>, vector<16xi32>,
      tpu.vector_store_idx %arg9[%bitcast_convert_type3A_854], %broadcast_in_dim3A_14 {add = true} : memref<64xf32, #tpu.memory_space<vmem>>[vector<16xi32>], vector<16xf32>,
      %mul3A_1055 = arith.mulf %exp3A_1012, %div3A : vector<16xf32>
      %swap3A_1056 = arith.constant 3 : i32
      %swap3A_1057 = arith.index_cast %swap3A_1056 : i32 to index
      %swap3A_1058 = arith.index_cast %mul3A_55 : i32 to index
      %swap3A_1059 = tpu.vector_load %arg7[%swap3A_1057, %swap3A_1058] {strides = array<i32>} : memref<8x512xf32, #tpu.memory_space<vmem>>, vector<16xf32>,
      tpu.vector_store %arg7[%swap3A_1057, %swap3A_1058], %mul3A_1055 {strides = array<i32>} : memref<8x512xf32, #tpu.memory_space<vmem>>, vector<16xf32>,
      %swap3A_1060 = arith.constant 3 : i32
      %swap3A_1061 = arith.index_cast %swap3A_1060 : i32 to index
      %swap3A_1062 = arith.index_cast %mul3A_55 : i32 to index
      %swap3A_1063 = tpu.vector_load %arg8[%swap3A_1061, %swap3A_1062] {strides = array<i32>} : memref<8x512xi32, #tpu.memory_space<vmem>>, vector<16xi32>,
      tpu.vector_store %arg8[%swap3A_1061, %swap3A_1062], %bitcast_convert_type3A_861 {strides = array<i32>} : memref<8x512xi32, #tpu.memory_space<vmem>>, vector<16xi32>,
      tpu.vector_store_idx %arg9[%bitcast_convert_type3A_861], %broadcast_in_dim3A_14 {add = true} : memref<64xf32, #tpu.memory_space<vmem>>[vector<16xi32>], vector<16xf32>,
      %mul3A_1064 = arith.mulf %exp3A_1014, %div3A : vector<16xf32>
      %swap3A_1065 = arith.constant 4 : i32
      %swap3A_1066 = arith.index_cast %swap3A_1065 : i32 to index
      %swap3A_1067 = arith.index_cast %mul3A_55 : i32 to index
      %swap3A_1068 = tpu.vector_load %arg7[%swap3A_1066, %swap3A_1067] {strides = array<i32>} : memref<8x512xf32, #tpu.memory_space<vmem>>, vector<16xf32>,
      tpu.vector_store %arg7[%swap3A_1066, %swap3A_1067], %mul3A_1064 {strides = array<i32>} : memref<8x512xf32, #tpu.memory_space<vmem>>, vector<16xf32>,
      %swap3A_1069 = arith.constant 4 : i32
      %swap3A_1070 = arith.index_cast %swap3A_1069 : i32 to index
      %swap3A_1071 = arith.index_cast %mul3A_55 : i32 to index
      %swap3A_1072 = tpu.vector_load %arg8[%swap3A_1070, %swap3A_1071] {strides = array<i32>} : memref<8x512xi32, #tpu.memory_space<vmem>>, vector<16xi32>,
      tpu.vector_store %arg8[%swap3A_1070, %swap3A_1071], %bitcast_convert_type3A_868 {strides = array<i32>} : memref<8x512xi32, #tpu.memory_space<vmem>>, vector<16xi32>,
      tpu.vector_store_idx %arg9[%bitcast_convert_type3A_868], %broadcast_in_dim3A_14 {add = true} : memref<64xf32, #tpu.memory_space<vmem>>[vector<16xi32>], vector<16xf32>,
      %mul3A_1073 = arith.mulf %exp3A_1016, %div3A : vector<16xf32>
      %swap3A_1074 = arith.constant 5 : i32
      %swap3A_1075 = arith.index_cast %swap3A_1074 : i32 to index
      %swap3A_1076 = arith.index_cast %mul3A_55 : i32 to index
      %swap3A_1077 = tpu.vector_load %arg7[%swap3A_1075, %swap3A_1076] {strides = array<i32>} : memref<8x512xf32, #tpu.memory_space<vmem>>, vector<16xf32>,
      tpu.vector_store %arg7[%swap3A_1075, %swap3A_1076], %mul3A_1073 {strides = array<i32>} : memref<8x512xf32, #tpu.memory_space<vmem>>, vector<16xf32>,
      %swap3A_1078 = arith.constant 5 : i32
      %swap3A_1079 = arith.index_cast %swap3A_1078 : i32 to index
      %swap3A_1080 = arith.index_cast %mul3A_55 : i32 to index
      %swap3A_1081 = tpu.vector_load %arg8[%swap3A_1079, %swap3A_1080] {strides = array<i32>} : memref<8x512xi32, #tpu.memory_space<vmem>>, vector<16xi32>,
      tpu.vector_store %arg8[%swap3A_1079, %swap3A_1080], %bitcast_convert_type3A_875 {strides = array<i32>} : memref<8x512xi32, #tpu.memory_space<vmem>>, vector<16xi32>,
      tpu.vector_store_idx %arg9[%bitcast_convert_type3A_875], %broadcast_in_dim3A_14 {add = true} : memref<64xf32, #tpu.memory_space<vmem>>[vector<16xi32>], vector<16xf32>,
      %mul3A_1082 = arith.mulf %exp3A_1018, %div3A : vector<16xf32>
      %swap3A_1083 = arith.constant 6 : i32
      %swap3A_1084 = arith.index_cast %swap3A_1083 : i32 to index
      %swap3A_1085 = arith.index_cast %mul3A_55 : i32 to index
      %swap3A_1086 = tpu.vector_load %arg7[%swap3A_1084, %swap3A_1085] {strides = array<i32>} : memref<8x512xf32, #tpu.memory_space<vmem>>, vector<16xf32>,
      tpu.vector_store %arg7[%swap3A_1084, %swap3A_1085], %mul3A_1082 {strides = array<i32>} : memref<8x512xf32, #tpu.memory_space<vmem>>, vector<16xf32>,
      %swap3A_1087 = arith.constant 6 : i32
      %swap3A_1088 = arith.index_cast %swap3A_1087 : i32 to index
      %swap3A_1089 = arith.index_cast %mul3A_55 : i32 to index
      %swap3A_1090 = tpu.vector_load %arg8[%swap3A_1088, %swap3A_1089] {strides = array<i32>} : memref<8x512xi32, #tpu.memory_space<vmem>>, vector<16xi32>,
      tpu.vector_store %arg8[%swap3A_1088, %swap3A_1089], %bitcast_convert_type3A_882 {strides = array<i32>} : memref<8x512xi32, #tpu.memory_space<vmem>>, vector<16xi32>,
      tpu.vector_store_idx %arg9[%bitcast_convert_type3A_882], %broadcast_in_dim3A_14 {add = true} : memref<64xf32, #tpu.memory_space<vmem>>[vector<16xi32>], vector<16xf32>,
      %mul3A_1091 = arith.mulf %exp3A_1020, %div3A : vector<16xf32>
      %swap3A_1092 = arith.constant 7 : i32
      %swap3A_1093 = arith.index_cast %swap3A_1092 : i32 to index
      %swap3A_1094 = arith.index_cast %mul3A_55 : i32 to index
      %swap3A_1095 = tpu.vector_load %arg7[%swap3A_1093, %swap3A_1094] {strides = array<i32>} : memref<8x512xf32, #tpu.memory_space<vmem>>, vector<16xf32>,
      tpu.vector_store %arg7[%swap3A_1093, %swap3A_1094], %mul3A_1091 {strides = array<i32>} : memref<8x512xf32, #tpu.memory_space<vmem>>, vector<16xf32>,
      %swap3A_1096 = arith.constant 7 : i32
      %swap3A_1097 = arith.index_cast %swap3A_1096 : i32 to index
      %swap3A_1098 = arith.index_cast %mul3A_55 : i32 to index
      %swap3A_1099 = tpu.vector_load %arg8[%swap3A_1097, %swap3A_1098] {strides = array<i32>} : memref<8x512xi32, #tpu.memory_space<vmem>>, vector<16xi32>,
      tpu.vector_store %arg8[%swap3A_1097, %swap3A_1098], %bitcast_convert_type3A_889 {strides = array<i32>} : memref<8x512xi32, #tpu.memory_space<vmem>>, vector<16xi32>,
      tpu.vector_store_idx %arg9[%bitcast_convert_type3A_889], %broadcast_in_dim3A_14 {add = true} : memref<64xf32, #tpu.memory_space<vmem>>[vector<16xi32>], vector<16xf32>,
      %scan3A_1100 = arith.constant 0 : i32
      scf.yield %scan3A_1100 : i32
    }
    %scan3A_51 = arith.constant 16 : i32
    "tpu.region"() ({
      %run_scoped3A = tpu.sem_alloc : memref<!tpu.dma_semaphore, #tpu.memory_space<semaphore_mem>>
      %dma_start3A_52 = arith.constant 0 : i32
      %dma_start3A_53 = tpu.memref_slice %arg3[%dma_start3A_52, %mul3A_2] : memref<8x16384xf32, #tpu.memory_space<hbm>> -> memref<8x512xf32, #tpu.memory_space<hbm>>
      %dma_start3A_54 = arith.constant 0 : i32
      %dma_start3A_55 = tpu.memref_slice %arg3[%dma_start3A_54, %mul3A_2] : memref<8x16384xf32, #tpu.memory_space<hbm>> -> memref<8x512xf32, #tpu.memory_space<hbm>>
      tpu.enqueue_dma source(%arg7 : memref<8x512xf32, #tpu.memory_space<vmem>>) target(%dma_start3A_55 : memref<8x512xf32, #tpu.memory_space<hbm>>) target_semaphore(%run_scoped3A : memref<!tpu.dma_semaphore, #tpu.memory_space<semaphore_mem>>)
      %dma_wait3A_56 = arith.constant 0 : i32
      %dma_wait3A_57 = tpu.memref_slice %arg3[%dma_wait3A_56, %mul3A_2] : memref<8x16384xf32, #tpu.memory_space<hbm>> -> memref<8x512xf32, #tpu.memory_space<hbm>>
      %dma_wait3A_58 = arith.constant 0 : i32
      %dma_wait3A_59 = tpu.memref_slice %arg3[%dma_wait3A_58, %mul3A_2] : memref<8x16384xf32, #tpu.memory_space<hbm>> -> memref<8x512xf32, #tpu.memory_space<hbm>>
      tpu.wait_dma2 semaphore(%run_scoped3A : memref<!tpu.dma_semaphore, #tpu.memory_space<semaphore_mem>>) src(%arg7 : memref<8x512xf32, #tpu.memory_space<vmem>>) dst(%dma_wait3A_59 : memref<8x512xf32, #tpu.memory_space<hbm>>)
      tpu.yield
    }) : () -> ()
    "tpu.region"() ({
      %run_scoped3A = tpu.sem_alloc : memref<!tpu.dma_semaphore, #tpu.memory_space<semaphore_mem>>
      %dma_start3A_52 = arith.constant 0 : i32
      %dma_start3A_53 = tpu.memref_slice %arg4[%dma_start3A_52, %mul3A_2] : memref<8x16384xi32, #tpu.memory_space<hbm>> -> memref<8x512xi32, #tpu.memory_space<hbm>>
      %dma_start3A_54 = arith.constant 0 : i32
      %dma_start3A_55 = tpu.memref_slice %arg4[%dma_start3A_54, %mul3A_2] : memref<8x16384xi32, #tpu.memory_space<hbm>> -> memref<8x512xi32, #tpu.memory_space<hbm>>
      tpu.enqueue_dma source(%arg8 : memref<8x512xi32, #tpu.memory_space<vmem>>) target(%dma_start3A_55 : memref<8x512xi32, #tpu.memory_space<hbm>>) target_semaphore(%run_scoped3A : memref<!tpu.dma_semaphore, #tpu.memory_space<semaphore_mem>>)
      %dma_wait3A_56 = arith.constant 0 : i32
      %dma_wait3A_57 = tpu.memref_slice %arg4[%dma_wait3A_56, %mul3A_2] : memref<8x16384xi32, #tpu.memory_space<hbm>> -> memref<8x512xi32, #tpu.memory_space<hbm>>
      %dma_wait3A_58 = arith.constant 0 : i32
      %dma_wait3A_59 = tpu.memref_slice %arg4[%dma_wait3A_58, %mul3A_2] : memref<8x16384xi32, #tpu.memory_space<hbm>> -> memref<8x512xi32, #tpu.memory_space<hbm>>
      tpu.wait_dma2 semaphore(%run_scoped3A : memref<!tpu.dma_semaphore, #tpu.memory_space<semaphore_mem>>) src(%arg8 : memref<8x512xi32, #tpu.memory_space<vmem>>) dst(%dma_wait3A_59 : memref<8x512xi32, #tpu.memory_space<hbm>>)
      tpu.yield
    }) : () -> ()
    "tpu.region"() ({
      %run_scoped3A = tpu.sem_alloc : memref<!tpu.dma_semaphore, #tpu.memory_space<semaphore_mem>>
      %dma_start3A_52 = arith.constant 0 : i32
      %dma_start3A_53 = tpu.memref_slice %arg5[%add3A, %dma_start3A_52] : memref<32x64xf32, #tpu.memory_space<hbm>> -> memref<1x64xf32, #tpu.memory_space<hbm>>
      %dma_start3A_54 = tpu.memref_squeeze %dma_start3A_53 : memref<1x64xf32, #tpu.memory_space<hbm>> -> memref<64xf32, #tpu.memory_space<hbm>>
      %dma_start3A_55 = arith.constant 0 : i32
      %dma_start3A_56 = tpu.memref_slice %arg5[%add3A, %dma_start3A_55] : memref<32x64xf32, #tpu.memory_space<hbm>> -> memref<1x64xf32, #tpu.memory_space<hbm>>
      %dma_start3A_57 = tpu.memref_squeeze %dma_start3A_56 : memref<1x64xf32, #tpu.memory_space<hbm>> -> memref<64xf32, #tpu.memory_space<hbm>>
      tpu.enqueue_dma source(%arg9 : memref<64xf32, #tpu.memory_space<vmem>>) target(%dma_start3A_57 : memref<64xf32, #tpu.memory_space<hbm>>) target_semaphore(%run_scoped3A : memref<!tpu.dma_semaphore, #tpu.memory_space<semaphore_mem>>)
      %dma_wait3A_58 = arith.constant 0 : i32
      %dma_wait3A_59 = tpu.memref_slice %arg5[%add3A, %dma_wait3A_58] : memref<32x64xf32, #tpu.memory_space<hbm>> -> memref<1x64xf32, #tpu.memory_space<hbm>>
      %dma_wait3A_60 = tpu.memref_squeeze %dma_wait3A_59 : memref<1x64xf32, #tpu.memory_space<hbm>> -> memref<64xf32, #tpu.memory_space<hbm>>
      %dma_wait3A_61 = arith.constant 0 : i32
      %dma_wait3A_62 = tpu.memref_slice %arg5[%add3A, %dma_wait3A_61] : memref<32x64xf32, #tpu.memory_space<hbm>> -> memref<1x64xf32, #tpu.memory_space<hbm>>
      %dma_wait3A_63 = tpu.memref_squeeze %dma_wait3A_62 : memref<1x64xf32, #tpu.memory_space<hbm>> -> memref<64xf32, #tpu.memory_space<hbm>>
      tpu.wait_dma2 semaphore(%run_scoped3A : memref<!tpu.dma_semaphore, #tpu.memory_space<semaphore_mem>>) src(%arg9 : memref<64xf32, #tpu.memory_space<vmem>>) dst(%dma_wait3A_63 : memref<64xf32, #tpu.memory_space<hbm>>)
      tpu.yield
    }) : () -> ()
    return
  }
}

module attributes {stable_mosaic.version = 14 : i64} {
  func.func @_logits_body(%arg0: i32, %arg1: memref<1024x2048xf32, #tpu.memory_space<vmem>>, %arg2: memref<64x2048xf32, #tpu.memory_space<vmem>>, %arg3: memref<64x1024xi32, #tpu.memory_space<vmem>>, %arg4: memref<64x128xf32, #tpu.memory_space<vmem>>, %arg5: memref<64x128xf32, #tpu.memory_space<vmem>>) attributes {dimension_semantics = [#tpu.dimension_semantics<arbitrary>], iteration_bounds = array<i64: 16>, scalar_prefetch = 0 : i64, scratch_operands = 1 : i64, tpu.core_type = #tpu.core_type<tc>, window_params = [{transform_indices = @transform_0, window_bounds = array<i64: 1024, 2048>}, {pipeline_mode = #tpu.pipeline_mode<synchronous>, transform_indices = @transform_1, window_bounds = array<i64: 64, 2048>}, {transform_indices = @transform_2, window_bounds = array<i64: 64, 1024>}, {pipeline_mode = #tpu.pipeline_mode<synchronous>, transform_indices = @transform_3, window_bounds = array<i64: 64, 128>}]} {
    %get3A = arith.constant 0 : index
    %get3A_0 = arith.constant 0 : index
    %get3A_1 = vector.load %arg2[%get3A, %get3A_0] : memref<64x2048xf32, #tpu.memory_space<vmem>>, vector<64x2048xf32>
    %get3A_2 = arith.constant 0 : index
    %get3A_3 = arith.constant 0 : index
    %get3A_4 = vector.load %arg1[%get3A_2, %get3A_3] : memref<1024x2048xf32, #tpu.memory_space<vmem>>, vector<1024x2048xf32>
    %dot_general3A = arith.constant dense<0.000000e+00> : vector<64x1024xf32>
    %dot_general3A_5 = tpu.matmul %get3A_1, %get3A_4, %dot_general3A {dimension_numbers = #tpu.dot_dimension_numbers<[1], [1], [0], [0], [0, 0, 1, 0], [], []>, transpose_lhs_hint = false} : vector<64x2048xf32>, vector<1024x2048xf32>, vector<64x1024xf32> -> vector<64x1024xf32>
    %bitcast_convert_type3A = tpu.bitcast %dot_general3A_5 : vector<64x1024xf32> -> vector<64x1024xi32>
    %shift_right_arithmetic3A = arith.constant 31 : i32
    %shift_right_arithmetic3A_6 = vector.broadcast %shift_right_arithmetic3A : i32 to vector<64x1024xi32>
    %shift_right_arithmetic3A_7 = arith.shrsi %bitcast_convert_type3A, %shift_right_arithmetic3A_6 : vector<64x1024xi32>
    %and3A = arith.constant 2147483647 : i32
    %and3A_8 = vector.broadcast %and3A : i32 to vector<64x1024xi32>
    %and3A_9 = arith.andi %shift_right_arithmetic3A_7, %and3A_8 : vector<64x1024xi32>
    %xor3A = arith.xori %bitcast_convert_type3A, %and3A_9 : vector<64x1024xi32>
    %xor3A_10 = arith.constant -2147483648 : i32
    %xor3A_11 = vector.broadcast %xor3A_10 : i32 to vector<64x1024xi32>
    %xor3A_12 = arith.xori %xor3A, %xor3A_11 : vector<64x1024xi32>
    %bitcast_convert_type3A_13 = tpu.bitcast %xor3A_12 : vector<64x1024xi32> -> vector<64x1024xi32>
    %iota3A = tpu.iota {dimensions = array<i32: 0>} : vector<64x1024xi32>
    %and3A_14 = arith.constant -64 : i32
    %and3A_15 = vector.broadcast %and3A_14 : i32 to vector<64x1024xi32>
    %and3A_16 = arith.andi %bitcast_convert_type3A_13, %and3A_15 : vector<64x1024xi32>
    %sub3A = arith.constant 63 : i32
    %sub3A_17 = vector.broadcast %sub3A : i32 to vector<64x1024xi32>
    %sub3A_18 = arith.subi %sub3A_17, %iota3A : vector<64x1024xi32>
    %or3A = arith.ori %and3A_16, %sub3A_18 : vector<64x1024xi32>
    %swap3A = arith.constant 0 : index
    %swap3A_19 = arith.constant 0 : index
    %swap3A_20 = vector.load %arg3[%swap3A, %swap3A_19] : memref<64x1024xi32, #tpu.memory_space<vmem>>, vector<64x1024xi32>
    tpu.vector_store %arg3[%swap3A, %swap3A_19], %or3A {strides = array<i32>} : memref<64x1024xi32, #tpu.memory_space<vmem>>, vector<64x1024xi32>,
    %reduce_max3A = arith.constant dense<0xFF800000> : vector<1024xf32>
    %reduce_max3A_21 = vector.multi_reduction <maximumf>, %dot_general3A_5, %reduce_max3A [0] : vector<64x1024xf32> to vector<1024xf32>
    %broadcast_in_dim3A = vector.shape_cast %reduce_max3A_21 : vector<1024xf32> to vector<1x1024xf32>
    %sub3A_22 = vector.broadcast %broadcast_in_dim3A : vector<1x1024xf32> to vector<64x1024xf32>
    %sub3A_23 = arith.subf %dot_general3A_5, %sub3A_22 : vector<64x1024xf32>
    %exp3A = math.exp %sub3A_23 : vector<64x1024xf32>
    %reduce_sum3A = arith.constant dense<0.000000e+00> : vector<1024xf32>
    %reduce_sum3A_24 = vector.multi_reduction <add>, %exp3A, %reduce_sum3A [0] : vector<64x1024xf32> to vector<1024xf32>
    %broadcast_in_dim3A_25 = vector.shape_cast %reduce_sum3A_24 : vector<1024xf32> to vector<1x1024xf32>
    %div3A = vector.broadcast %broadcast_in_dim3A_25 : vector<1x1024xf32> to vector<64x1024xf32>
    %div3A_26 = arith.divf %exp3A, %div3A : vector<64x1024xf32>
    %reshape3A = vector.shape_cast %div3A_26 : vector<64x1024xf32> to vector<64x8x128xf32>
    %reduce_sum3A_27 = arith.constant dense<0.000000e+00> : vector<64x128xf32>
    %reduce_sum3A_28 = vector.multi_reduction <add>, %reshape3A, %reduce_sum3A_27 [1] : vector<64x8x128xf32> to vector<64x128xf32>
    %eq3A = arith.constant 0 : i32
    %eq3A_29 = arith.cmpi eq, %arg0, %eq3A : i32
    %convert_element_type3A = arith.extui %eq3A_29 : i1 to i32
    %cond3A = arith.constant 0 : i32
    %cond3A_30 = arith.cmpi ne, %convert_element_type3A, %cond3A : i32
    scf.if %cond3A_30 {
      %broadcast_in_dim3A_42 = arith.constant 0.000000e+00 : f32
      %broadcast_in_dim3A_43 = vector.broadcast %broadcast_in_dim3A_42 : f32 to vector<64x128xf32>
      %swap3A_44 = arith.constant 0 : index
      %swap3A_45 = arith.constant 0 : index
      %swap3A_46 = vector.load %arg5[%swap3A_44, %swap3A_45] : memref<64x128xf32, #tpu.memory_space<vmem>>, vector<64x128xf32>
      tpu.vector_store %arg5[%swap3A_44, %swap3A_45], %broadcast_in_dim3A_43 {strides = array<i32>} : memref<64x128xf32, #tpu.memory_space<vmem>>, vector<64x128xf32>,
    } else {
    }
    %get3A_31 = arith.constant 0 : index
    %get3A_32 = arith.constant 0 : index
    %get3A_33 = vector.load %arg5[%get3A_31, %get3A_32] : memref<64x128xf32, #tpu.memory_space<vmem>>, vector<64x128xf32>
    %add3A = arith.addf %get3A_33, %reduce_sum3A_28 : vector<64x128xf32>
    %swap3A_34 = arith.constant 0 : index
    %swap3A_35 = arith.constant 0 : index
    %swap3A_36 = vector.load %arg5[%swap3A_34, %swap3A_35] : memref<64x128xf32, #tpu.memory_space<vmem>>, vector<64x128xf32>
    tpu.vector_store %arg5[%swap3A_34, %swap3A_35], %add3A {strides = array<i32>} : memref<64x128xf32, #tpu.memory_space<vmem>>, vector<64x128xf32>,
    %eq3A_37 = arith.constant 15 : i32
    %eq3A_38 = arith.cmpi eq, %arg0, %eq3A_37 : i32
    %convert_element_type3A_39 = arith.extui %eq3A_38 : i1 to i32
    %cond3A_40 = arith.constant 0 : i32
    %cond3A_41 = arith.cmpi ne, %convert_element_type3A_39, %cond3A_40 : i32
    scf.if %cond3A_41 {
      %get3A_42 = arith.constant 0 : index
      %get3A_43 = arith.constant 0 : index
      %get3A_44 = vector.load %arg5[%get3A_42, %get3A_43] : memref<64x128xf32, #tpu.memory_space<vmem>>, vector<64x128xf32>
      %swap3A_45 = arith.constant 0 : index
      %swap3A_46 = arith.constant 0 : index
      %swap3A_47 = vector.load %arg4[%swap3A_45, %swap3A_46] : memref<64x128xf32, #tpu.memory_space<vmem>>, vector<64x128xf32>
      tpu.vector_store %arg4[%swap3A_45, %swap3A_46], %get3A_44 {strides = array<i32>} : memref<64x128xf32, #tpu.memory_space<vmem>>, vector<64x128xf32>,
    } else {
    }
    return
  }
  func.func @transform_0(%arg0: i32) -> (i32, i32) {
    %c0_i32 = arith.constant 0 : i32
    %c0_i32_0 = arith.constant 0 : i32
    return %arg0, %c0_i32 : i32, i32
  }
  func.func @transform_1(%arg0: i32) -> (i32, i32) {
    %c0_i32 = arith.constant 0 : i32
    %c0_i32_0 = arith.constant 0 : i32
    %c0_i32_1 = arith.constant 0 : i32
    return %c0_i32, %c0_i32_0 : i32, i32
  }
  func.func @transform_2(%arg0: i32) -> (i32, i32) {
    %c0_i32 = arith.constant 0 : i32
    %c0_i32_0 = arith.constant 0 : i32
    return %c0_i32, %arg0 : i32, i32
  }
  func.func @transform_3(%arg0: i32) -> (i32, i32) {
    %c0_i32 = arith.constant 0 : i32
    %c0_i32_0 = arith.constant 0 : i32
    %c0_i32_1 = arith.constant 0 : i32
    return %c0_i32, %c0_i32_0 : i32, i32
  }
}

</mosaic_0001>

<sc_bundles>
// kernel: kernel.4.cloned.1.call-start
scs
__scs_entry_jumppad:
0x0: {  	(pc) =	sbr.rel $0x88, $3  }
0x1: {  	(tag) =	ssettag $0x0;
	lr =	simm.s32 $0x1  }
0x2: {  	[smem:$0x3F9F] =	sst lr;
	_ =	strace $0xD0000000  }
0x3: {  	_ = 	snop  }
0x4: {  	_ = 	snop  }
0x5: {  	_ = 	snop  }
0x6: {  	_ = 	snop  }
0x7: {  	_ = 	snop  }
__scs_overlays_trampoline_lowered:
0x8: {  	[smem:$0x3FAE] =	sst s0  }
0x9: {  	[smem:$0x3FAF] =	sst s1  }
0xa: {  	[smem:$0x3FB0] =	sst s2  }
0xb: {  	[smem:$0x3FB1] =	sst s3  }
0xc: {  	[smem:$0x3FB2] =	sst s4  }
0xd: {  	[smem:$0x3FB3] =	sst s5  }
0xe: {  	[smem:$0x3FB4] =	sst s6  }
0xf: {  	[smem:$0x3FB5] =	sst s7  }
0x10: {  	[smem:$0x3FB6] =	sst s8  }
0x11: {  	[smem:$0x3FB7] =	sst s9;
	s0 =	simm.s32 @!p0 $0x0  }
0x12: {  	s1 =	sld [smem:$0x3F9D];
	s0 =	simm.s32 @p0 $0x1  }
0x13: {  	[smem:$0x3FB8] =	sst s0;
	s0 =	simm.s32 @!p1 $0x0  }
0x14: {  	s2 =	sld [smem:$0x3F9C];
	s0 =	simm.s32 @p1 $0x1  }
0x15: {  	[smem:$0x3FB9] =	sst s0;
	s0 =	simm.s32 @!p2 $0x0  }
0x16: {  	s3 =	sld [smem:$0x3FDB];
	s0 =	simm.s32 @p2 $0x1  }
0x17: {  	s4 =	simm.s32 $0x1BF5;
	[smem:$0x3FBB] =	sst s0  }
0x18: {  	s0 =	sld [smem:$0x3F9E];
	_ =	swait.ge [sflag:s4], $0x0  }
0x19: {  	s7 =	sld [smem:$0x3F9F]  }
0x1a: {  	s8 =	sadd.s32 $0xFFFFE003, lr  }
0x1b: {  	s9 =	sadd.s32 $0xFFFFFEF7, lr;
	s5 =	simm.s32 $0xFFFFFFFF;
	p2 =	slt.u32 s8, $0xFFFFF086  }
0x1c: {  	p1 =	slt.u32 s9, $0xF7A;
	s5 =	simm.s32 @!p2 $0x0  }
0x1d: {  	s5 =	simm.s32 @p1 $0x1;
	p0 =	seq.s32 s7, s2  }
0x1e: {  	s7 =	smul.u32 @!p0 $0xF7A, s2;
	p2 =	seq.s32 @!p0 s5, $0x0  }
0x1f: {  	s9 =	smul.u32 $0xF7A, s1;
	s8 =	simm.s32 @!p0 $0x1BF5;
	p2 =	por !p2, p0  }
0x20: {  	[sflag:s8] =	ssyncset.s32 @!p0 $0xFFFFF086;
	s6 =	sadd.s32 @!p0 s3, s7;
	s7 =	simm.s32 @!p0 $0x108  }
0x21: {  	s3 =	sadd.s32 s3, s9;
	s6 =	sadd.s32 @!p0 $0x88, s6;
	s7 =	simm.s32 @p2 $0x1082  }
0x22: {  	[simem:s7], [sflag:s8] =	dma.local @!p0 [hbm:s6], $0xF7A  }
0x23: {  	s9 =	sor.u32 $0xD0000000, s2;
	s6 =	simm.s32 $0x108;
	_ =	swait.ge @!p0 [sflag:s8], $0x0  }
0x24: {  	s3 =	sadd.s32 $0x88, s3;
	s6 =	simm.s32 @!p1 $0x1082;
	[sflag:s4] =	ssyncset.s32 $0xFFFFF086  }
0x25: {  	[simem:s6], [sflag:s4] =	dma.local [hbm:s3], $0xF7A  }
0x26: {  	[smem:$0x3F9F] =	sst s1;
	(tag) =	ssettag s2;
	_ =	strace s9  }
0x27: {  	s1 =	sld [smem:$0x3FAF]  }
0x28: {  	s2 =	sld [smem:$0x3FB0]  }
0x29: {  	s4 =	sld [smem:$0x3FB2]  }
0x2a: {  	p0 =	seq.s32 s5, $0x0;
	s5 =	sld [smem:$0x3FB3]  }
0x2b: {  	s6 =	sld [smem:$0x3FB4]  }
0x2c: {  	s7 =	sld [smem:$0x3FB5]  }
0x2d: {  	s3 =	simm.s32 $0x108;
	s8 =	sld [smem:$0x3FB6]  }
0x2e: {  	s3 =	simm.s32 @!p0 $0x1082;
	s9 =	sld [smem:$0x3FB7]  }
0x2f: {  	lr =	sadd.s32 s0, s3;
	s0 =	sld [smem:$0x3FAE]  }
0x30: {  	s3 =	sld [smem:$0x3FB1]  }
0x31: {  	[smem:$0x3FBA] =	sst s10  }
0x32: {  	s10 =	sld [smem:$0x3FB8];
	_ =	sdelay $0x3  }
0x33: {  	p0 =	seq.s32 s10, $0x1;
	s10 =	sld [smem:$0x3FBA];
	_ =	sdelay $0x3  }
0x34: {  	[smem:$0x3FBA] =	sst s10  }
0x35: {  	s10 =	sld [smem:$0x3FB9];
	_ =	sdelay $0x3  }
0x36: {  	p1 =	seq.s32 s10, $0x1;
	s10 =	sld [smem:$0x3FBA];
	_ =	sdelay $0x3  }
0x37: {  	[smem:$0x3FBA] =	sst s10  }
0x38: {  	s10 =	sld [smem:$0x3FBB]  }
0x39: {  	_ = 	snop;
	(pc) =	sbr.ind lr, $3  }
0x3a: {  	_ = 	snop  }
0x3b: {  	_ = 	snop  }
0x3c: {  	p2 =	seq.s32 s10, $0x1;
	s10 =	sld [smem:$0x3FBA]  }
0x3d: {  	_ =	shalt  }
0x3e: {  	_ =	shalt  }
0x3f: {  	_ =	shalt  }
0x40: {  	_ =	shalt  }
0x41: {  	_ =	shalt  }
0x42: {  	_ =	shalt  }
0x43: {  	_ =	shalt  }
0x44: {  	_ =	shalt  }
0x45: {  	_ =	shalt  }
0x46: {  	_ =	shalt  }
0x47: {  	_ =	shalt  }
0x48: {  	_ =	shalt  }
0x49: {  	_ =	shalt  }
0x4a: {  	_ =	shalt  }
0x4b: {  	_ =	shalt  }
0x4c: {  	_ =	shalt  }
0x4d: {  	_ =	shalt  }
0x4e: {  	_ =	shalt  }
0x4f: {  	_ =	shalt  }
0x50: {  	_ =	shalt  }
0x51: {  	_ =	shalt  }
0x52: {  	_ =	shalt  }
0x53: {  	_ =	shalt  }
0x54: {  	_ =	shalt  }
0x55: {  	_ =	shalt  }
0x56: {  	_ =	shalt  }
0x57: {  	_ =	shalt  }
0x58: {  	_ =	shalt  }
0x59: {  	_ =	shalt  }
0x5a: {  	_ =	shalt  }
0x5b: {  	_ =	shalt  }
0x5c: {  	_ =	shalt  }
0x5d: {  	_ =	shalt  }
0x5e: {  	_ =	shalt  }
0x5f: {  	_ =	shalt  }
0x60: {  	_ =	shalt  }
0x61: {  	_ =	shalt  }
0x62: {  	_ =	shalt  }
0x63: {  	_ =	shalt  }
0x64: {  	_ =	shalt  }
0x65: {  	_ =	shalt  }
0x66: {  	_ =	shalt  }
0x67: {  	_ =	shalt  }
0x68: {  	_ =	shalt  }
0x69: {  	_ =	shalt  }
0x6a: {  	_ =	shalt  }
0x6b: {  	_ =	shalt  }
0x6c: {  	_ =	shalt  }
0x6d: {  	_ =	shalt  }
0x6e: {  	_ =	shalt  }
0x6f: {  	_ =	shalt  }
0x70: {  	_ =	shalt  }
0x71: {  	_ =	shalt  }
0x72: {  	_ =	shalt  }
0x73: {  	_ =	shalt  }
0x74: {  	_ =	shalt  }
0x75: {  	_ =	shalt  }
0x76: {  	_ =	shalt  }
0x77: {  	_ =	shalt  }
0x78: {  	_ =	shalt  }
0x79: {  	_ =	shalt  }
0x7a: {  	_ =	shalt  }
0x7b: {  	_ =	shalt  }
0x7c: {  	_ =	shalt  }
0x7d: {  	_ =	shalt  }
0x7e: {  	_ =	shalt  }
0x7f: {  	_ =	shalt  }
0x80: {  	_ =	shalt  }
0x81: {  	_ =	shalt  }
0x82: {  	_ =	shalt  }
0x83: {  	_ =	shalt  }
0x84: {  	_ =	shalt  }
0x85: {  	_ =	shalt  }
0x86: {  	_ =	shalt  }
0x87: {  	_ =	shalt  }
.Lfunc_end0:
.L_simem_size_0:
called_computation_lowered:
.L_overlay_start_0:
0x88: {  	s2 =	sld [smem:$0x3FD9]  }
0x89: {  	s3 =	sld [smem:$0x3FFE];
	_ =	sdelay $0x1  }
0x8a: {  	s1 =	srdreg.scid  }
0x8b: {  	s0 =	sand.u32 $0x1, s1  }
0x8c: {  	s14 =	sshll.u32 s0, $0xA;
	s2 =	sadd.s32 s3, s2  }
0x8d: {  	s2 =	sadd.s32 s2, s14  }
0x8e: {  	[smem:$0x3FC6] =	sst s2  }
0x8f: {  	_ = 	snop  }
0x90: {  	s2 =	sld [smem:$0x3FD0];
	_ =	sdelay $0x2  }
0x91: {  	s15 =	simm.s32 $0xA;
	s4 =	simm.s32 $0x10  }
0x92: {  	[smem:s4], [sflag:s15] =	dma.local [hbm:s2], $0x1  }
0x93: {  	_ =	swait.eq [sflag:s15], $0x1  }
0x94: {  	[sflag:s15] =	ssyncset.done $0x0  }
0x95: {  	s16 =	sld [smem:$0x10];
	[sflag:s15] =	ssyncadd.s32 $0xFFFFFFFF  }
0x96: {  	s17 =	sld [smem:$0x11];
	(tm) =	ssettm $0x1  }
0x97: {  	s18 =	sld [smem:$0x3FFB];
	_ =	sdelay $0x3  }
0x98: {  	_ =	strace s18  }
0x99: {  	s4 =	sld [smem:$0x3FFC];
	_ =	sdelay $0x3  }
0x9a: {  	_ =	strace s4  }
0x9b: {  	s4 =	sld [smem:$0x3FFD];
	_ =	sdelay $0x3  }
0x9c: {  	_ =	strace s4  }
0x9d: {  	_ =	strace $0x8FFFFFFF  }
0x9e: {  	s19 =	sld [smem:$0x3FDB];
	_ =	sdelay $0x1  }
0x9f: {  	s5 =	simm.s32 $_scs_section_size  }
0xa0: {  	s6 =	simm.s32 $_size__tile_overlayer_lowered;
	s7 =	simm.s32 $_tile_overlayer_lowered  }
0xa1: {  	s22 =	simm.s32 $0x1BFF;
	s21 =	sshll.u32 s7, $0x1;
	s4 =	sadd.s32 s5, s19  }
0xa2: {  	s8 =	simm.s32 $0x0;
	s20 =	sshll.u32 s6, $0x1;
	s6 =	sadd.s32 s21, s4  }
0xa3: {  	[timem:s8], [sflag:s22] =	dma.local [hbm:s6], s20  }
0xa4: {  	_ =	swait.ge [sflag:s22], s20  }
0xa5: {  	s5 =	ssub.s32 $0x0, s20;
	[sflag:s22] =	ssyncset.done $0x0  }
0xa6: {  	[sflag:s22] =	ssyncadd.s32 s5;
	_ =	sdelay $0x1  }
0xa7: {  	s23 =	simm.s32 $0x1B8B  }
0xa8: {  	_ =	swait.ge [sflag:s23], $0x1  }
0xa9: {  	[sflag:s23] =	ssyncset.done $0x0  }
0xaa: {  	s25 =	simm.s32 $0x1B8E;
	s24 =	sld [smem:$0x3FFE];
	[sflag:s23] =	ssyncadd.s32 $0xFFFFFFFF  }
0xab: {  	s26 =	simm.s32 $execute0_lowered;
	[smem:$0x3FD2] =	sst s25  }
0xac: {  	s6 =	sshll.u32 s26, $0x1;
	_ =	strace $0x80000046;
	[dreg:$0x1] =	wrdreg $0xFFFFFFFF  }
0xad: {  	s28 =	simm.s32 $_size_execute0_lowered;
	s4 =	sadd.s32 s4, s6;
	[dreg:$0x0] =	wrdreg $0x0  }
0xae: {  	s6 =	sshll.u32 s28, $0x1;
	[dreg:$0x2] =	wrdreg s4  }
0xaf: {  	[dreg:$0x3] =	wrdreg s6  }
0xb0: {  	[dreg:$0x4] =	wrdreg $0xC0  }
0xb1: {  	_ =	task [dreg:s8], $0x5FFFF  }
0xb2: {  	[dreg:$0x1] =	wrdreg $0xFFFFFFFF  }
0xb3: {  	[dreg:$0x0] =	wrdreg $0x60  }
0xb4: {  	[dreg:$0x2] =	wrdreg s24  }
0xb5: {  	[dreg:$0x3] =	wrdreg s16  }
0xb6: {  	[dreg:$0x4] =	wrdreg s17  }
0xb7: {  	[dreg:$0x5] =	wrdreg $0x9  }
0xb8: {  	_ =	task.clear_ibuf [dreg:s8], $0x6FFFF;
	_ =	strace $0x90000046  }
0xb9: {  	s29 =	simm.s32 $0x9;
	_ =	strace $0x80000048  }
0xba: {  	_ =	swait.ge [sflag:s29], $0x1  }
0xbb: {  	[sflag:s29] =	ssyncadd.s32 $0xFFFFFFFF  }
0xbc: {  	_ =	strace $0x90000048  }
0xbd: {  	_ =	sfence  }
0xbe: {  	s30 =	sld [smem:$0x0];
	_ =	sdelay $0x2  }
0xbf: {  	s31 =	sshll.u32 s1, $0xD;
	s1 =	sshrl.u32 s1, $0x2  }
0xc0: {  	s3 =	sand.u32 $0x4000, s31;
	s1 =	sadd.s32 s1, s30  }
0xc1: {  	s0 =	sor.u32 s3, s0;
	s1 =	sshll.u32 s1, $0x11  }
0xc2: {  	s0 =	sor.u32 s1, s0  }
0xc3: {  	s0 =	sadd.s32 $0x8F2B, s0  }
0xc4: {  	[sflag:s0] =	ssyncadd.remote.s32 $0x1  }
0xc5: {  	_ =	sfence.sel $0xFFFF  }
0xc6: {  	[dreg:$0x0] =	wrdreg $0xFFFFFFFF;
	(pc) =	sbr.abs _section_cstart, $3  }
0xc7: {  	[dreg:$0x1] =	wrdreg $0xFFFFFFFF  }
0xc8: {  	_ =	task.clear_ibuf [dreg:s8], $0x2FFFF;
	_ =	strace $0x9FFFFFFF  }
0xc9: {  	(tm) =	ssettm $0x7FFFFFFF  }
tec
execute0_lowered:
.L_overlay_start_1:
0x0: {  	(tag) =	ssettag $0x1  }
0x1: {  	s0 =	rddreg [dreg:$0x0]  }
0x2: {  	s1 =	rddreg [dreg:$0x1]  }
0x3: {  	s6 =	rddreg [dreg:$0x2];
	s3 =	srdreg.scid  }
0x4: {  	s4 =	stileid.u32;
	s2 =	simm.s32 $0x0;
	s23 =	simm.s32 $0x2  }
0x5: {  	s31 =	simm.s32 $0x5800;
	s16 =	simm.s32 $0xA000;
	s17 =	simm.s32 $0x1  }
0x6: {  	s18 =	simm.s32 $0x8000;
	s19 =	simm.s32 $0x9000;
	s20 =	simm.s32 $0x0  }
0x7: {  	s3 =	sand.u32 $0x1, s3;
	s4 =	sshll.u32 s4, $0x1;
	[smem:$0x7FF] =	sst s2  }
0x8: {  	s4 =	sor.u32 s3, s4;
	_ =	strace $0x80000047;
	s5 =	ssub.s32 $0x2, s3  }
0x9: {  	s7 =	sshll.u32 s4, $0x9;
	s4 =	sshll.u32 s4, $0x4;
	s8 =	sshrl.u32 s5, $0x1  }
0xa: {  	s3 =	sadd.s32 s0, s7;
	s0 =	sadd.s32 s4, s0;
	s8 =	ssub.s32 s5, s8  }
0xb: {  	s5 =	sadd.s32 s1, s7;
	s6 =	sadd.s32 s6, s7;
	s1 =	simm.s32 $0x7800  }
0xc: {  	s4 =	sadd.s32 $0x100, s3;
	s7 =	sadd.s32 $0x20000, s0;
	s8 =	smax.u32 s8, $0x1  }
0xd: {  	s9 =	sadd.s32 $0x4000, s3;
	s10 =	sadd.s32 $0x8000, s3;
	s11 =	sadd.s32 $0xC000, s3  }
0xe: {  	s12 =	sadd.s32 $0x10000, s3;
	s13 =	sadd.s32 $0x14000, s3;
	s14 =	sadd.s32 $0x18000, s3  }
0xf: {  	v0 =	vimm.f32 $0.0e+00;
	v1 =	vimm.s32 $0x7FFFFFFF;
	v2 =	vimm.f32 $1.000000000e+00;
	s15 =	sadd.s32 $0x1C000, s3;
	s0 =	simm.s32 $0x6800;
	s25 =	sadd.s32 $0x4000, s4  }
.LBB2_1:
0x10: {  	[tilespmem:s2], [sflag:$0x2] =	stream.linear.gather [hbm4b:s3+s2], $0x800, $0x38;
	[tilespmem:$0xA080] =	vst v63  }
0x11: {  	s21 =	simm.s32 $0x1000  }
0x12: {  	[tilespmem:s21], [sflag:$0x2] =	stream.linear.gather [hbm4b:s9+s2], $0x800, $0x38;
	[tilespmem:$0xA080] =	vst v63  }
0x13: {  	s24 =	simm.s32 $0x2000  }
0x14: {  	[tilespmem:s24], [sflag:$0x2] =	stream.linear.gather [hbm4b:s10+s2], $0x800, $0x38;
	[tilespmem:$0xA080] =	vst v63  }
0x15: {  	s26 =	simm.s32 $0x3000  }
0x16: {  	[tilespmem:s26], [sflag:$0x2] =	stream.linear.gather [hbm4b:s11+s2], $0x800, $0x38;
	[tilespmem:$0xA080] =	vst v63  }
0x17: {  	s28 =	simm.s32 $0x4000  }
0x18: {  	[tilespmem:s28], [sflag:$0x2] =	stream.linear.gather [hbm4b:s12+s2], $0x800, $0x38;
	[tilespmem:$0xA080] =	vst v63  }
0x19: {  	s29 =	simm.s32 $0x5000  }
0x1a: {  	[tilespmem:s29], [sflag:$0x2] =	stream.linear.gather [hbm4b:s13+s2], $0x800, $0x38;
	[tilespmem:$0xA080] =	vst v63  }
0x1b: {  	s30 =	simm.s32 $0x6000  }
0x1c: {  	[tilespmem:s30], [sflag:$0x2] =	stream.linear.gather [hbm4b:s14+s2], $0x800, $0x38;
	[tilespmem:$0xA080] =	vst v63  }
0x1d: {  	s22 =	simm.s32 $0x7000  }
0x1e: {  	[tilespmem:s22], [sflag:$0x2] =	stream.linear.gather [hbm4b:s15+s2], $0x800, $0x38;
	[tilespmem:$0xA080] =	vst v63  }
0x1f: {  	_ =	swait.ge [sflag:s23], $0x4000  }
0x20: {  	[sflag:s23] =	ssyncset.done $0x0  }
0x21: {  	s24 =	simm.s32 $0x800;
	[sflag:s23] =	ssyncadd.s32 $0xFFFFC000  }
0x22: {  	[tilespmem:s24], [sflag:$0x1] =	stream.linear.gather [hbm4b:s4+s2], $0x800, $0x38;
	[tilespmem:$0xA080] =	vst v63  }
0x23: {  	s26 =	simm.s32 $0x1800  }
0x24: {  	[tilespmem:s26], [sflag:$0x1] =	stream.linear.gather [hbm4b:s25+s2], $0x800, $0x38;
	[tilespmem:$0xA080] =	vst v63  }
0x25: {  	s28 =	sadd.s32 $0x8000, s4;
	s22 =	simm.s32 $0x2800  }
0x26: {  	[tilespmem:s22], [sflag:$0x1] =	stream.linear.gather [hbm4b:s28+s2], $0x800, $0x38;
	[tilespmem:$0xA080] =	vst v63  }
0x27: {  	s29 =	sadd.s32 $0xC000, s4;
	s30 =	simm.s32 $0x3800  }
0x28: {  	[tilespmem:s30], [sflag:$0x1] =	stream.linear.gather [hbm4b:s29+s2], $0x800, $0x38;
	[tilespmem:$0xA080] =	vst v63  }
0x29: {  	s24 =	sadd.s32 $0x10000, s4;
	s26 =	simm.s32 $0x4800  }
0x2a: {  	[tilespmem:s26], [sflag:$0x1] =	stream.linear.gather [hbm4b:s24+s2], $0x800, $0x38;
	[tilespmem:$0xA080] =	vst v63  }
0x2b: {  	s28 =	sadd.s32 $0x14000, s4  }
0x2c: {  	[tilespmem:s31], [sflag:$0x1] =	stream.linear.gather [hbm4b:s28+s2], $0x800, $0x38;
	[tilespmem:$0xA080] =	vst v63  }
0x2d: {  	s29 =	sadd.s32 $0x18000, s4  }
0x2e: {  	[tilespmem:s0], [sflag:$0x1] =	stream.linear.gather [hbm4b:s29+s2], $0x800, $0x38;
	[tilespmem:$0xA080] =	vst v63  }
0x2f: {  	s30 =	sadd.s32 $0x1C000, s4  }
0x30: {  	[tilespmem:s1], [sflag:$0x1] =	stream.linear.gather [hbm4b:s30+s2], $0x800, $0x38;
	[tilespmem:$0xA080] =	vst v63  }
0x31: {  	[tilespmem:$0xA000] =	vst v0  }
0x32: {  	[tilespmem:$0xA010] =	vst v0  }
0x33: {  	[tilespmem:$0xA020] =	vst v0  }
0x34: {  	s21 =	simm.s32 $0x0;
	s22 =	simm.s32 $0x0;
	[tilespmem:$0xA030] =	vst v0  }
.LBB2_2:
0x35: {  	s24 =	sand.u32 $0x70, s22;
	s28 =	sand.u32 $0x400, s21  }
0x36: {  	s24 =	sor.u32 s24, s28  }
0x37: {  	v3 =	vld [tilespmem:s24+$0x0]  }
0x38: {  	v5 =	vld [tilespmem:s24+$0x100]  }
0x39: {  	v7 =	vld [tilespmem:s24+$0x200]  }
0x3a: {  	v9 =	vld [tilespmem:s24+$0x300]  }
0x3b: {  	v37 =	vld [tilespmem:s24+$0x1000]  }
0x3c: {  	v13 =	vld [tilespmem:s24+$0x1080]  }
0x3d: {  	v40 =	vld [tilespmem:s24+$0x1100]  }
0x3e: {  	v15 =	vld [tilespmem:s24+$0x1180]  }
0x3f: {  	v43 =	vld [tilespmem:s24+$0x1200]  }
0x40: {  	s26 =	sand.u32 $0xFFFFFC00, s21;
	v17 =	vld [tilespmem:s24+$0x1280]  }
0x41: {  	s26 =	sadd.s32 s26, s22;
	v46 =	vld [tilespmem:s24+$0x1300]  }
0x42: {  	s30 =	sor.u32 $0x80, s26;
	v19 =	vld [tilespmem:s24+$0x1380]  }
0x43: {  	s29 =	sor.u32 $0x180, s26;
	v4 =	vld [tilespmem:s30+$0x0]  }
0x44: {  	s28 =	sor.u32 $0x280, s26;
	s26 =	sor.u32 s21, s22;
	v6 =	vld [tilespmem:s29+$0x0]  }
0x45: {  	v8 =	vld [tilespmem:s28+$0x0];
	s26 =	sor.u32 $0x380, s26  }
0x46: {  	v10 =	vld [tilespmem:s26+$0x0]  }
0x47: {  	v51 =	vmax.u32 v37, v13  }
0x48: {  	v52 =	vmax.u32 v40, v15;
	v53 =	vmax.u32 v43, v17;
	v54 =	vmax.u32 v46, v19  }
0x49: {  	v11 =	vmax.u32 v3, v4;
	v3 =	vmin.u32 v3, v4;
	v33 =	vmax.u32 v5, v6  }
0x4a: {  	v5 =	vmin.u32 v5, v6;
	v34 =	vmax.u32 v7, v8;
	v7 =	vmin.u32 v7, v8  }
0x4b: {  	v55 =	vmax.u32 v51, v52;
	v57 =	vmax.u32 v53, v54;
	v35 =	vmax.u32 v9, v10  }
0x4c: {  	v9 =	vmin.u32 v9, v10;
	v36 =	vmax.u32 v11, v33;
	v4 =	vmin.u32 v11, v33  }
0x4d: {  	v12 =	vmax.u32 v3, v5;
	v3 =	vmin.u32 v3, v5;
	v11 =	vmin.u32 v37, v13  }
0x4e: {  	v27 =	vld [tilespmem:s24+$0x2000];
	v10 =	vmin.u32 v43, v17;
	v61 =	vmax.u32 v55, v57;
	v38 =	vmax.u32 v34, v35  }
0x4f: {  	v28 =	vld [tilespmem:s24+$0x2080];
	v6 =	vmin.u32 v34, v35;
	v39 =	vmax.u32 v7, v9;
	v7 =	vmin.u32 v7, v9  }
0x50: {  	v14 =	vmax.u32 v12, v4;
	v4 =	vmin.u32 v12, v4;
	v9 =	vmin.u32 v40, v15  }
0x51: {  	v15 =	vmin.u32 v53, v54;
	v41 =	vmax.u32 v39, v6;
	v6 =	vmin.u32 v39, v6  }
0x52: {  	v42 =	vmax.u32 v36, v38;
	v5 =	vmin.u32 v36, v38;
	v45 =	vmax.u32 v3, v7  }
0x53: {  	v3 =	vmin.u32 v3, v7;
	v7 =	vmin.u32 v46, v19;
	v56 =	vmax.u32 v11, v9  }
0x54: {  	v9 =	vmin.u32 v11, v9;
	v11 =	vmin.u32 v55, v57;
	v46 =	vmax.u32 v27, v28  }
0x55: {  	v16 =	vmax.u32 v14, v41;
	v12 =	vmin.u32 v14, v41;
	v44 =	vmax.u32 v4, v6  }
0x56: {  	v4 =	vmin.u32 v4, v6;
	v58 =	vmax.u32 v10, v7;
	v7 =	vmin.u32 v10, v7  }
0x57: {  	v30 =	vld [tilespmem:s24+$0x2100];
	v3 =	vmax.u32 v3, v61;
	v18 =	vmax.u32 v44, v5;
	v5 =	vmin.u32 v44, v5  }
0x58: {  	v32 =	vld [tilespmem:s24+$0x2180];
	v47 =	vmax.u32 v45, v12;
	v6 =	vmin.u32 v45, v12;
	v60 =	vmax.u32 v58, v15  }
0x59: {  	v15 =	vmin.u32 v58, v15;
	v20 =	vmax.u32 v9, v7;
	v7 =	vmin.u32 v9, v7  }
0x5a: {  	v48 =	vmax.u32 v16, v18;
	v16 =	vmin.u32 v16, v18;
	v49 =	vmax.u32 v47, v5  }
0x5b: {  	v50 =	vmax.u32 v6, v4;
	v4 =	vmin.u32 v6, v4;
	v6 =	vmin.u32 v51, v52  }
0x5c: {  	v5 =	vmin.u32 v47, v5;
	v7 =	vmax.u32 v42, v7;
	v59 =	vmax.u32 v56, v6  }
0x5d: {  	v34 =	vld [tilespmem:s24+$0x2200];
	v47 =	vmax.u32 v30, v32;
	v6 =	vmin.u32 v56, v6;
	v62 =	vmax.u32 v59, v60  }
0x5e: {  	v36 =	vld [tilespmem:s24+$0x2280];
	v10 =	vmin.u32 v59, v60;
	v63 =	vmax.u32 v6, v15;
	v6 =	vmin.u32 v6, v15  }
0x5f: {  	v39 =	vld [tilespmem:s24+$0x2300];
	v21 =	vmax.u32 v63, v11;
	v11 =	vmin.u32 v63, v11;
	v22 =	vmax.u32 v20, v10  }
0x60: {  	v41 =	vld [tilespmem:s24+$0x2380];
	v10 =	vmin.u32 v20, v10;
	v23 =	vmax.u32 v62, v21;
	v9 =	vmin.u32 v62, v21  }
0x61: {  	v24 =	vmax.u32 v22, v11;
	v25 =	vmax.u32 v10, v6;
	v6 =	vmin.u32 v10, v6  }
0x62: {  	v11 =	vmin.u32 v22, v11;
	v10 =	vmin.u32 v27, v28;
	v6 =	vmax.u32 v48, v6  }
0x63: {  	v26 =	vmax.u32 v16, v25;
	v11 =	vmax.u32 v49, v11;
	v5 =	vmax.u32 v5, v24  }
0x64: {  	v9 =	vmax.u32 v50, v9;
	v4 =	vmax.u32 v4, v23;
	v48 =	vmax.u32 v34, v36  }
0x65: {  	v49 =	vmax.u32 v39, v41;
	v50 =	vmax.u32 v46, v47;
	v29 =	vmax.u32 v7, v5  }
0x66: {  	v5 =	vmin.u32 v7, v5;
	v31 =	vmax.u32 v6, v9;
	v6 =	vmin.u32 v6, v9  }
0x67: {  	v15 =	vmax.u32 v26, v4;
	v4 =	vmin.u32 v26, v4;
	v33 =	vmax.u32 v11, v3  }
0x68: {  	v3 =	vmin.u32 v11, v3;
	v9 =	vmin.u32 v30, v32;
	v52 =	vmax.u32 v48, v49  }
0x69: {  	v14 =	vmin.u32 v48, v49;
	v35 =	vmax.u32 v29, v15;
	v13 =	vmin.u32 v29, v15  }
0x6a: {  	v37 =	vmax.u32 v31, v33;
	v7 =	vmin.u32 v31, v33;
	v38 =	vmax.u32 v5, v4  }
0x6b: {  	v4 =	vmin.u32 v5, v4;
	v40 =	vmax.u32 v6, v3;
	v3 =	vmin.u32 v6, v3  }
0x6c: {  	v15 =	vmin.u32 v34, v36;
	v6 =	vmin.u32 v39, v41;
	v51 =	vmax.u32 v10, v9  }
0x6d: {  	v9 =	vmin.u32 v10, v9;
	v56 =	vmax.u32 v50, v52;
	v10 =	vmin.u32 v50, v52  }
0x6e: {  	v42 =	vmax.u32 v35, v37;
	v11 =	vmin.u32 v35, v37;
	v43 =	vmax.u32 v13, v7  }
0x6f: {  	v23 =	vld [tilespmem:s24+$0x3000];
	v7 =	vmin.u32 v13, v7;
	v44 =	vmax.u32 v38, v40;
	v5 =	vmin.u32 v38, v40  }
0x70: {  	v24 =	vld [tilespmem:s24+$0x3080];
	v45 =	vmax.u32 v4, v3;
	v3 =	vmin.u32 v4, v3;
	v4 =	vmin.u32 v46, v47  }
0x71: {  	v53 =	vmax.u32 v15, v6;
	v6 =	vmin.u32 v15, v6;
	v54 =	vmax.u32 v51, v4  }
0x72: {  	v28 =	vld [tilespmem:s24+$0x3180];
	v4 =	vmin.u32 v51, v4;
	v55 =	vmax.u32 v53, v14;
	v14 =	vmin.u32 v53, v14  }
0x73: {  	v31 =	vld [tilespmem:s24+$0x3200];
	v59 =	vmax.u32 v9, v6;
	v6 =	vmin.u32 v9, v6;
	v3 =	vmax.u32 v3, v56  }
0x74: {  	v33 =	vld [tilespmem:s24+$0x3280];
	v57 =	vmax.u32 v54, v55;
	v12 =	vmin.u32 v54, v55;
	v58 =	vmax.u32 v4, v14  }
0x75: {  	v26 =	vld [tilespmem:s24+$0x3100];
	v4 =	vmin.u32 v4, v14;
	v6 =	vmax.u32 v42, v6;
	v42 =	vmax.u32 v23, v24  }
0x76: {  	v36 =	vld [tilespmem:s24+$0x3300];
	v60 =	vmax.u32 v58, v10;
	v10 =	vmin.u32 v58, v10;
	v61 =	vmax.u32 v59, v12  }
0x77: {  	v38 =	vld [tilespmem:s24+$0x3380];
	v12 =	vmin.u32 v59, v12;
	v62 =	vmax.u32 v57, v60;
	v9 =	vmin.u32 v57, v60  }
0x78: {  	v63 =	vmax.u32 v61, v10;
	v10 =	vmin.u32 v61, v10;
	v21 =	vmin.u32 v12, v4  }
0x79: {  	v4 =	vmax.u32 v12, v4;
	v15 =	vmin.u32 v31, v33;
	v11 =	vmax.u32 v11, v21  }
0x7a: {  	v4 =	vmax.u32 v43, v4;
	v7 =	vmax.u32 v7, v10;
	v22 =	vmax.u32 v44, v63  }
0x7b: {  	v5 =	vmax.u32 v5, v9;
	v8 =	vmax.u32 v45, v62;
	v9 =	vmin.u32 v23, v24  }
0x7c: {  	v43 =	vmax.u32 v26, v28;
	v44 =	vmax.u32 v31, v33;
	v45 =	vmax.u32 v36, v38  }
0x7d: {  	v13 =	vmax.u32 v6, v22;
	v6 =	vmin.u32 v6, v22;
	v25 =	vmax.u32 v11, v5  }
0x7e: {  	v5 =	vmin.u32 v11, v5;
	v27 =	vmax.u32 v4, v8;
	v4 =	vmin.u32 v4, v8  }
0x7f: {  	v29 =	vmax.u32 v7, v3;
	v3 =	vmin.u32 v7, v3;
	v8 =	vmin.u32 v26, v28  }
0x80: {  	v46 =	vmax.u32 v42, v43;
	v48 =	vmax.u32 v44, v45;
	v14 =	vmin.u32 v44, v45  }
0x81: {  	v30 =	vmax.u32 v13, v27;
	v11 =	vmin.u32 v13, v27;
	v32 =	vmax.u32 v25, v29  }
0x82: {  	v10 =	vmin.u32 v25, v29;
	v34 =	vmax.u32 v6, v4;
	v4 =	vmin.u32 v6, v4  }
0x83: {  	v35 =	vmax.u32 v5, v3;
	v3 =	vmin.u32 v5, v3;
	v13 =	vmin.u32 v36, v38  }
0x84: {  	v47 =	vmax.u32 v9, v8;
	v8 =	vmin.u32 v9, v8;
	v52 =	vmax.u32 v46, v48  }
0x85: {  	v9 =	vmin.u32 v46, v48;
	v37 =	vmax.u32 v30, v32;
	v7 =	vmin.u32 v30, v32  }
0x86: {  	v39 =	vmax.u32 v11, v10;
	v10 =	vmin.u32 v11, v10;
	v40 =	vmax.u32 v34, v35  }
0x87: {  	v6 =	vmin.u32 v34, v35;
	v41 =	vmax.u32 v4, v3;
	v3 =	vmin.u32 v4, v3  }
0x88: {  	v4 =	vmin.u32 v42, v43;
	v49 =	vmax.u32 v15, v13;
	v13 =	vmin.u32 v15, v13  }
0x89: {  	v63 =	vld [tilespmem:s24+$0x4000];
	v50 =	vmax.u32 v47, v4;
	v4 =	vmin.u32 v47, v4;
	v51 =	vmax.u32 v49, v14  }
0x8a: {  	v24 =	vld [tilespmem:s24+$0x4100];
	v14 =	vmin.u32 v49, v14;
	v55 =	vmax.u32 v8, v13;
	v8 =	vmin.u32 v8, v13  }
0x8b: {  	v27 =	vld [tilespmem:s24+$0x4180];
	v3 =	vmax.u32 v3, v52;
	v53 =	vmax.u32 v50, v51;
	v12 =	vmin.u32 v50, v51  }
0x8c: {  	v22 =	vld [tilespmem:s24+$0x4080];
	v54 =	vmax.u32 v4, v14;
	v4 =	vmin.u32 v4, v14;
	v5 =	vmax.u32 v37, v8  }
0x8d: {  	v29 =	vld [tilespmem:s24+$0x4200];
	v56 =	vmax.u32 v54, v9;
	v9 =	vmin.u32 v54, v9;
	v57 =	vmax.u32 v55, v12  }
0x8e: {  	v32 =	vld [tilespmem:s24+$0x4280];
	v12 =	vmin.u32 v55, v12;
	v58 =	vmax.u32 v53, v56;
	v13 =	vmin.u32 v53, v56  }
0x8f: {  	v59 =	vmax.u32 v57, v9;
	v60 =	vmax.u32 v12, v4;
	v4 =	vmin.u32 v12, v4  }
0x90: {  	v9 =	vmin.u32 v57, v9;
	v42 =	vmax.u32 v24, v27;
	v4 =	vmax.u32 v7, v4  }
0x91: {  	v61 =	vmax.u32 v39, v60;
	v62 =	vmax.u32 v10, v9;
	v20 =	vmax.u32 v40, v59  }
0x92: {  	v6 =	vmax.u32 v6, v13;
	v21 =	vmax.u32 v41, v58;
	v41 =	vmax.u32 v63, v22  }
0x93: {  	v9 =	vmin.u32 v63, v22;
	v10 =	vmin.u32 v24, v27;
	v43 =	vmax.u32 v29, v32  }
0x94: {  	v34 =	vld [tilespmem:s24+$0x4300];
	v8 =	vmin.u32 v29, v32;
	v23 =	vmax.u32 v5, v20;
	v5 =	vmin.u32 v5, v20  }
0x95: {  	v37 =	vld [tilespmem:s24+$0x4380];
	v25 =	vmax.u32 v4, v6;
	v4 =	vmin.u32 v4, v6;
	v26 =	vmax.u32 v61, v21  }
0x96: {  	v7 =	vmin.u32 v61, v21;
	v28 =	vmax.u32 v62, v3;
	v3 =	vmin.u32 v62, v3  }
0x97: {  	v45 =	vmax.u32 v41, v42;
	v46 =	vmax.u32 v9, v10;
	v9 =	vmin.u32 v9, v10  }
0x98: {  	v30 =	vmax.u32 v23, v26;
	v6 =	vmin.u32 v23, v26;
	v31 =	vmax.u32 v25, v28  }
0x99: {  	v11 =	vmin.u32 v25, v28;
	v33 =	vmax.u32 v5, v7;
	v5 =	vmin.u32 v5, v7  }
0x9a: {  	v35 =	vmax.u32 v4, v3;
	v3 =	vmin.u32 v4, v3;
	v44 =	vmax.u32 v34, v37  }
0x9b: {  	v7 =	vmin.u32 v34, v37;
	v36 =	vmax.u32 v30, v31;
	v13 =	vmin.u32 v30, v31  }
0x9c: {  	v38 =	vmax.u32 v6, v11;
	v6 =	vmin.u32 v6, v11;
	v39 =	vmax.u32 v33, v35  }
0x9d: {  	v14 =	vmin.u32 v33, v35;
	v40 =	vmax.u32 v5, v3;
	v3 =	vmin.u32 v5, v3  }
0x9e: {  	v5 =	vmin.u32 v41, v42;
	v47 =	vmax.u32 v43, v44;
	v15 =	vmin.u32 v43, v44  }
0x9f: {  	v63 =	vld [tilespmem:s24+$0x5080];
	v48 =	vmax.u32 v8, v7;
	v7 =	vmin.u32 v8, v7;
	v49 =	vmax.u32 v46, v5  }
0xa0: {  	v61 =	vld [tilespmem:s24+$0x5000];
	v5 =	vmin.u32 v46, v5;
	v50 =	vmax.u32 v48, v15;
	v15 =	vmin.u32 v48, v15  }
0xa1: {  	v27 =	vld [tilespmem:s24+$0x5280];
	v51 =	vmax.u32 v45, v47;
	v10 =	vmin.u32 v45, v47;
	v54 =	vmax.u32 v9, v7  }
0xa2: {  	v32 =	vld [tilespmem:s24+$0x5380];
	v7 =	vmin.u32 v9, v7;
	v52 =	vmax.u32 v49, v50;
	v8 =	vmin.u32 v49, v50  }
0xa3: {  	v21 =	vld [tilespmem:s24+$0x5100];
	v53 =	vmax.u32 v5, v15;
	v5 =	vmin.u32 v5, v15;
	v4 =	vmax.u32 v36, v7  }
0xa4: {  	v23 =	vld [tilespmem:s24+$0x5180];
	v3 =	vmax.u32 v3, v51;
	v55 =	vmax.u32 v53, v10;
	v10 =	vmin.u32 v53, v10  }
0xa5: {  	v25 =	vld [tilespmem:s24+$0x5200];
	v56 =	vmax.u32 v54, v8;
	v8 =	vmin.u32 v54, v8;
	v37 =	vmax.u32 v61, v63  }
0xa6: {  	v30 =	vld [tilespmem:s24+$0x5300];
	v57 =	vmax.u32 v52, v55;
	v9 =	vmin.u32 v52, v55;
	v58 =	vmax.u32 v56, v10  }
0xa7: {  	v10 =	vmin.u32 v56, v10;
	v59 =	vmax.u32 v8, v5;
	v5 =	vmin.u32 v8, v5  }
0xa8: {  	v8 =	vmin.u32 v61, v63;
	v5 =	vmax.u32 v13, v5;
	v60 =	vmax.u32 v38, v59  }
0xa9: {  	v6 =	vmax.u32 v6, v10;
	v62 =	vmax.u32 v39, v58;
	v9 =	vmax.u32 v14, v9  }
0xaa: {  	v19 =	vmax.u32 v40, v57;
	v38 =	vmax.u32 v21, v23;
	v39 =	vmax.u32 v25, v27  }
0xab: {  	v40 =	vmax.u32 v30, v32;
	v20 =	vmax.u32 v4, v62;
	v4 =	vmin.u32 v4, v62  }
0xac: {  	v22 =	vmax.u32 v5, v9;
	v5 =	vmin.u32 v5, v9;
	v15 =	vmax.u32 v60, v19  }
0xad: {  	v7 =	vmin.u32 v60, v19;
	v24 =	vmax.u32 v6, v3;
	v3 =	vmin.u32 v6, v3  }
0xae: {  	v9 =	vmin.u32 v21, v23;
	v41 =	vmax.u32 v37, v38;
	v43 =	vmax.u32 v39, v40  }
0xaf: {  	v14 =	vmin.u32 v39, v40;
	v26 =	vmax.u32 v20, v15;
	v13 =	vmin.u32 v20, v15  }
0xb0: {  	v28 =	vmax.u32 v22, v24;
	v10 =	vmin.u32 v22, v24;
	v29 =	vmax.u32 v4, v7  }
0xb1: {  	v4 =	vmin.u32 v4, v7;
	v31 =	vmax.u32 v5, v3;
	v3 =	vmin.u32 v5, v3  }
0xb2: {  	v15 =	vmin.u32 v25, v27;
	v5 =	vmin.u32 v30, v32;
	v42 =	vmax.u32 v8, v9  }
0xb3: {  	v8 =	vmin.u32 v8, v9;
	v47 =	vmax.u32 v41, v43;
	v9 =	vmin.u32 v41, v43  }
0xb4: {  	v33 =	vmax.u32 v26, v28;
	v6 =	vmin.u32 v26, v28;
	v34 =	vmax.u32 v13, v10  }
0xb5: {  	v57 =	vld [tilespmem:s24+$0x6000];
	v10 =	vmin.u32 v13, v10;
	v35 =	vmax.u32 v29, v31;
	v7 =	vmin.u32 v29, v31  }
0xb6: {  	v59 =	vld [tilespmem:s24+$0x6080];
	v36 =	vmax.u32 v4, v3;
	v3 =	vmin.u32 v4, v3;
	v4 =	vmin.u32 v37, v38  }
0xb7: {  	v44 =	vmax.u32 v15, v5;
	v5 =	vmin.u32 v15, v5;
	v45 =	vmax.u32 v42, v4  }
0xb8: {  	v4 =	vmin.u32 v42, v4;
	v46 =	vmax.u32 v44, v14;
	v14 =	vmin.u32 v44, v14  }
0xb9: {  	v22 =	vld [tilespmem:s24+$0x6200];
	v50 =	vmax.u32 v8, v5;
	v5 =	vmin.u32 v8, v5;
	v3 =	vmax.u32 v3, v47  }
0xba: {  	v24 =	vld [tilespmem:s24+$0x6280];
	v48 =	vmax.u32 v45, v46;
	v11 =	vmin.u32 v45, v46;
	v49 =	vmax.u32 v4, v14  }
0xbb: {  	v61 =	vld [tilespmem:s24+$0x6100];
	v4 =	vmin.u32 v4, v14;
	v5 =	vmax.u32 v33, v5;
	v33 =	vmax.u32 v57, v59  }
0xbc: {  	v63 =	vld [tilespmem:s24+$0x6180];
	v51 =	vmax.u32 v49, v9;
	v9 =	vmin.u32 v49, v9;
	v52 =	vmax.u32 v50, v11  }
0xbd: {  	v27 =	vld [tilespmem:s24+$0x6300];
	v11 =	vmin.u32 v50, v11;
	v53 =	vmax.u32 v48, v51;
	v8 =	vmin.u32 v48, v51  }
0xbe: {  	v29 =	vld [tilespmem:s24+$0x6380];
	v54 =	vmax.u32 v52, v9;
	v9 =	vmin.u32 v52, v9;
	v55 =	vmin.u32 v11, v4  }
0xbf: {  	v4 =	vmax.u32 v11, v4;
	v11 =	vmin.u32 v57, v59;
	v15 =	vmin.u32 v22, v24  }
0xc0: {  	v6 =	vmax.u32 v6, v55;
	v4 =	vmax.u32 v34, v4;
	v9 =	vmax.u32 v10, v9  }
0xc1: {  	v56 =	vmax.u32 v35, v54;
	v7 =	vmax.u32 v7, v8;
	v58 =	vmax.u32 v36, v53  }
0xc2: {  	v34 =	vmax.u32 v61, v63;
	v8 =	vmin.u32 v61, v63;
	v35 =	vmax.u32 v22, v24  }
0xc3: {  	v36 =	vmax.u32 v27, v29;
	v13 =	vmax.u32 v5, v56;
	v5 =	vmin.u32 v5, v56  }
0xc4: {  	v60 =	vmax.u32 v6, v7;
	v6 =	vmin.u32 v6, v7;
	v62 =	vmax.u32 v4, v58  }
0xc5: {  	v4 =	vmin.u32 v4, v58;
	v20 =	vmax.u32 v9, v3;
	v3 =	vmin.u32 v9, v3  }
0xc6: {  	v37 =	vmax.u32 v33, v34;
	v38 =	vmax.u32 v11, v8;
	v8 =	vmin.u32 v11, v8  }
0xc7: {  	v39 =	vmax.u32 v35, v36;
	v14 =	vmin.u32 v35, v36;
	v21 =	vmax.u32 v13, v62  }
0xc8: {  	v7 =	vmin.u32 v13, v62;
	v23 =	vmax.u32 v60, v20;
	v10 =	vmin.u32 v60, v20  }
0xc9: {  	v25 =	vmax.u32 v5, v4;
	v4 =	vmin.u32 v5, v4;
	v26 =	vmax.u32 v6, v3  }
0xca: {  	v3 =	vmin.u32 v6, v3;
	v13 =	vmin.u32 v27, v29;
	v43 =	vmax.u32 v37, v39  }
0xcb: {  	v11 =	vmin.u32 v37, v39;
	v28 =	vmax.u32 v21, v23;
	v9 =	vmin.u32 v21, v23  }
0xcc: {  	v30 =	vmax.u32 v7, v10;
	v7 =	vmin.u32 v7, v10;
	v31 =	vmax.u32 v25, v26  }
0xcd: {  	v57 =	vld [tilespmem:s24+$0x7100];
	v5 =	vmin.u32 v25, v26;
	v32 =	vmax.u32 v4, v3;
	v3 =	vmin.u32 v4, v3  }
0xce: {  	v22 =	vld [tilespmem:s24+$0x7280];
	v4 =	vmin.u32 v33, v34;
	v40 =	vmax.u32 v15, v13;
	v13 =	vmin.u32 v15, v13  }
0xcf: {  	v24 =	vld [tilespmem:s24+$0x7300];
	v41 =	vmax.u32 v38, v4;
	v4 =	vmin.u32 v38, v4;
	v42 =	vmax.u32 v40, v14  }
0xd0: {  	v62 =	vld [tilespmem:s24+$0x7200];
	v14 =	vmin.u32 v40, v14;
	v46 =	vmax.u32 v8, v13;
	v8 =	vmin.u32 v8, v13  }
0xd1: {  	v27 =	vld [tilespmem:s24+$0x7380];
	v3 =	vmax.u32 v3, v43;
	v44 =	vmax.u32 v41, v42;
	v12 =	vmin.u32 v41, v42  }
0xd2: {  	v53 =	vld [tilespmem:s24+$0x7000];
	v45 =	vmax.u32 v4, v14;
	v4 =	vmin.u32 v4, v14;
	v6 =	vmax.u32 v28, v8  }
0xd3: {  	v55 =	vld [tilespmem:s24+$0x7080];
	v47 =	vmax.u32 v45, v11;
	v11 =	vmin.u32 v45, v11;
	v48 =	vmax.u32 v46, v12  }
0xd4: {  	v60 =	vld [tilespmem:s24+$0x7180];
	v12 =	vmin.u32 v46, v12;
	v49 =	vmax.u32 v44, v47;
	v13 =	vmin.u32 v44, v47  }
0xd5: {  	v50 =	vmax.u32 v48, v11;
	v11 =	vmin.u32 v48, v11;
	v51 =	vmax.u32 v12, v4  }
0xd6: {  	v4 =	vmin.u32 v12, v4;
	v33 =	vmax.u32 v62, v22;
	v34 =	vmax.u32 v24, v27  }
0xd7: {  	v4 =	vmax.u32 v9, v4;
	v52 =	vmax.u32 v30, v51;
	v7 =	vmax.u32 v7, v11  }
0xd8: {  	v10 =	vmax.u32 v31, v50;
	v5 =	vmax.u32 v5, v13;
	v54 =	vmax.u32 v32, v49  }
0xd9: {  	v31 =	vmax.u32 v53, v55;
	v9 =	vmin.u32 v53, v55;
	v32 =	vmax.u32 v57, v60  }
0xda: {  	v37 =	vmax.u32 v33, v34;
	v15 =	vmin.u32 v33, v34;
	v56 =	vmax.u32 v6, v10  }
0xdb: {  	v6 =	vmin.u32 v6, v10;
	v58 =	vmax.u32 v4, v5;
	v4 =	vmin.u32 v4, v5  }
0xdc: {  	v59 =	vmax.u32 v52, v54;
	v8 =	vmin.u32 v52, v54;
	v61 =	vmax.u32 v7, v3  }
0xdd: {  	v3 =	vmin.u32 v7, v3;
	v10 =	vmin.u32 v57, v60;
	v7 =	vmin.u32 v62, v22  }
0xde: {  	v35 =	vmax.u32 v31, v32;
	v63 =	vmax.u32 v56, v59;
	v5 =	vmin.u32 v56, v59  }
0xdf: {  	v21 =	vmax.u32 v58, v61;
	v11 =	vmin.u32 v58, v61;
	v23 =	vmax.u32 v6, v8  }
0xe0: {  	v6 =	vmin.u32 v6, v8;
	v25 =	vmax.u32 v4, v3;
	v3 =	vmin.u32 v4, v3  }
0xe1: {  	v8 =	vmin.u32 v24, v27;
	v36 =	vmax.u32 v9, v10;
	v9 =	vmin.u32 v9, v10  }
0xe2: {  	v41 =	vmax.u32 v35, v37;
	v10 =	vmin.u32 v35, v37;
	v26 =	vmax.u32 v63, v21  }
0xe3: {  	v13 =	vmin.u32 v63, v21;
	v28 =	vmax.u32 v5, v11;
	v5 =	vmin.u32 v5, v11  }
0xe4: {  	v29 =	vmax.u32 v23, v25;
	v14 =	vmin.u32 v23, v25;
	v30 =	vmax.u32 v6, v3  }
0xe5: {  	v3 =	vmin.u32 v6, v3;
	v6 =	vmin.u32 v31, v32;
	v38 =	vmax.u32 v7, v8  }
0xe6: {  	v7 =	vmin.u32 v7, v8;
	v39 =	vmax.u32 v36, v6;
	v6 =	vmin.u32 v36, v6  }
0xe7: {  	v40 =	vmax.u32 v38, v15;
	v15 =	vmin.u32 v38, v15;
	v44 =	vmax.u32 v9, v7  }
0xe8: {  	v7 =	vmin.u32 v9, v7;
	v3 =	vmax.u32 v3, v41;
	v42 =	vmax.u32 v39, v40  }
0xe9: {  	v8 =	vmin.u32 v39, v40;
	v43 =	vmax.u32 v6, v15;
	v6 =	vmin.u32 v6, v15  }
0xea: {  	v4 =	vmax.u32 v26, v7;
	v45 =	vmax.u32 v43, v10;
	v10 =	vmin.u32 v43, v10  }
0xeb: {  	v46 =	vmax.u32 v44, v8;
	v8 =	vmin.u32 v44, v8;
	v47 =	vmax.u32 v42, v45  }
0xec: {  	v9 =	vmin.u32 v42, v45;
	v49 =	vmax.u32 v8, v6;
	v6 =	vmin.u32 v8, v6  }
0xed: {  	v48 =	vmax.u32 v46, v10;
	v10 =	vmin.u32 v46, v10;
	v6 =	vmax.u32 v13, v6  }
0xee: {  	v50 =	vmax.u32 v28, v49;
	v5 =	vmax.u32 v5, v10;
	v51 =	vmax.u32 v29, v48  }
0xef: {  	v9 =	vmax.u32 v14, v9;
	v52 =	vmax.u32 v30, v47;
	v11 =	vmax.u32 v4, v51  }
0xf0: {  	v4 =	vmin.u32 v4, v51;
	v53 =	vmax.u32 v6, v9;
	v6 =	vmin.u32 v6, v9  }
0xf1: {  	v54 =	vmax.u32 v50, v52;
	v7 =	vmin.u32 v50, v52;
	v55 =	vmax.u32 v5, v3  }
0xf2: {  	v3 =	vmin.u32 v5, v3;
	v56 =	vmax.u32 v11, v54;
	v9 =	vmin.u32 v11, v54  }
0xf3: {  	v57 =	vmax.u32 v53, v55;
	v8 =	vmin.u32 v53, v55;
	v58 =	vmax.u32 v4, v7  }
0xf4: {  	v4 =	vmin.u32 v4, v7;
	v59 =	vmax.u32 v6, v3;
	v3 =	vmin.u32 v6, v3  }
0xf5: {  	v60 =	vmax.u32 v56, v57;
	v5 =	vmin.u32 v56, v57;
	v61 =	vmax.u32 v9, v8  }
0xf6: {  	v8 =	vmin.u32 v9, v8;
	v62 =	vmax.u32 v58, v59;
	v7 =	vmin.u32 v58, v59  }
0xf7: {  	v63 =	vmax.u32 v4, v3;
	v3 =	vmin.u32 v4, v3;
	vm0 =	vlt.s32 v60, $0x0  }
0xf8: {  	v16 =	vand.u32 $0xFFFFFFC0, v60;
	vm9 =	vlt.s32 v5, $0x0;
	v18 =	vand.u32 $0xFFFFFFC0, v5  }
0xf9: {  	vm10 =	vlt.s32 v61, $0x0;
	v20 =	vand.u32 $0xFFFFFFC0, v61;
	vm11 =	vlt.s32 v8, $0x0  }
0xfa: {  	v22 =	vand.u32 $0xFFFFFFC0, v8;
	v24 =	vand.u32 $0xFFFFFFC0, v62;
	vm12 =	vlt.s32 v62, $0x0  }
0xfb: {  	vm13 =	vlt.s32 v7, $0x0;
	v26 =	vand.u32 $0xFFFFFFC0, v7;
	vm14 =	vlt.s32 v63, $0x0  }
0xfc: {  	v30 =	vand.u32 $0xFFFFFFC0, v63;
	v17 =	vsel vm0, $0x0, v1;
	v19 =	vsel vm9, $0x0, v1  }
0xfd: {  	vm15 =	vlt.s32 v3, $0x0;
	v4 =	vxor.u32 v17, v16;
	v12 =	vxor.u32 v19, v18  }
0xfe: {  	v21 =	vsel vm10, $0x0, v1;
	v4 =	vxor.u32 $0x80000000, v4;
	v12 =	vxor.u32 $0x80000000, v12  }
0xff: {  	v34 =	vand.u32 $0xFFFFFFC0, v3;
	v13 =	vxor.u32 v21, v20;
	v12 =	vsub.f32 v12, v4  }
0x100: {  	v23 =	vsel vm11, $0x0, v1;
	v25 =	vsel vm12, $0x0, v1;
	v13 =	vxor.u32 $0x80000000, v13  }
0x101: {  	v14 =	vxor.u32 v23, v22;
	v13 =	vsub.f32 v13, v4;
	v12 =	vmul.f32 $1.442695020e+00, v12  }
0x102: {  	v27 =	vsel vm13, $0x0, v1;
	v15 =	vxor.u32 v25, v24;
	v14 =	vxor.u32 $0x80000000, v14  }
0x103: {  	v29 =	vsub.f32 v14, v4;
	v28 =	vmul.f32 $1.442695020e+00, v13;
	(erf) = vpow2.f32 v12  }
0x104: {  	v31 =	vsel vm14, $0x0, v1;
	v16 =	vxor.u32 v27, v26;
	v15 =	vxor.u32 $0x80000000, v15  }
0x105: {  	v33 =	vsub.f32 v15, v4;
	v32 =	vmul.f32 $1.442695020e+00, v29;
	(erf) = vpow2.f32 v28  }
0x106: {  	v35 =	vsel vm15, $0x0, v1;
	v16 =	vxor.u32 $0x80000000, v16;
	v14 =	vxor.u32 v31, v30  }
0x107: {  	v37 =	vsub.f32 v16, v4;
	v36 =	vmul.f32 $1.442695020e+00, v33;
	(erf) = vpow2.f32 v32  }
0x108: {  	v15 =	vxor.u32 v35, v34;
	v14 =	vxor.u32 $0x80000000, v14  }
0x109: {  	v38 =	vmul.f32 $1.442695020e+00, v37;
	v39 =	vsub.f32 v14, v4;
	(erf) = vpow2.f32 v36  }
0x10a: {  	v40 =	vxor.u32 $0x80000000, v15  }
0x10b: {  	v4 =	vsub.f32 v40, v4;
	v41 =	vmul.f32 $1.442695020e+00, v39;
	(erf) = vpow2.f32 v38  }
0x10c: {  	v42 =	vpop (erf)  }
0x10d: {  	v4 =	vmul.f32 $1.442695020e+00, v4;
	(erf) = vpow2.f32 v41;
	v43 =	vadd.f32 $1.000000000e+00, v42  }
0x10e: {  	v44 =	vpop (erf)  }
0x10f: {  	(erf) = vpow2.f32 v4;
	v45 =	vadd.f32 v43, v44  }
0x110: {  	v46 =	vpop (erf)  }
0x111: {  	v4 =	vadd.f32 v45, v46  }
0x112: {  	v47 =	vpop (erf)  }
0x113: {  	v4 =	vadd.f32 v4, v47  }
0x114: {  	v48 =	vpop (erf)  }
0x115: {  	v4 =	vadd.f32 v4, v48  }
0x116: {  	v49 =	vpop (erf)  }
0x117: {  	v4 =	vadd.f32 v4, v49  }
0x118: {  	v50 =	vpop (erf)  }
0x119: {  	v4 =	vadd.f32 v4, v50;
	_ =	sdelay $0x1  }
0x11a: {  	(erf) = vrcp.f32 v4;
	_ =	sdelay $0x5  }
0x11b: {  	v51 =	vandn.u32 $0x3F, v60;
	_ =	sdelay $0x2  }
0x11c: {  	v5 =	vandn.u32 $0x3F, v5;
	[tilespmem:s24+$0x9000] =	vst v51;
	v52 =	vpop (erf)  }
0x11d: {  	[tilespmem:s24+$0x8000] =	vst v52;
	v13 =	vmul.f32 v52, v42  }
0x11e: {  	[tilespmem:v51+s16+$0x0] =	vst.idx.add.f32.msk $0xffff, v2  }
0x11f: {  	v53 =	vandn.u32 $0x3F, v61;
	[tilespmem:s30+$0x8000] =	vst v13  }
0x120: {  	v54 =	vmul.f32 v52, v44;
	[tilespmem:s30+$0x9000] =	vst v5  }
0x121: {  	[tilespmem:v5+s16+$0x0] =	vst.idx.add.f32.msk $0xffff, v2  }
0x122: {  	v55 =	vandn.u32 $0x3F, v8;
	[tilespmem:s24+$0x8100] =	vst v54  }
0x123: {  	v56 =	vmul.f32 v52, v46;
	[tilespmem:s24+$0x9100] =	vst v53  }
0x124: {  	[tilespmem:v53+s16+$0x0] =	vst.idx.add.f32.msk $0xffff, v2  }
0x125: {  	v57 =	vandn.u32 $0x3F, v62;
	[tilespmem:s29+$0x8000] =	vst v56  }
0x126: {  	v58 =	vmul.f32 v52, v47;
	[tilespmem:s29+$0x9000] =	vst v55  }
0x127: {  	[tilespmem:v55+s16+$0x0] =	vst.idx.add.f32.msk $0xffff, v2  }
0x128: {  	v59 =	vandn.u32 $0x3F, v7;
	[tilespmem:s24+$0x8200] =	vst v58  }
0x129: {  	v60 =	vmul.f32 v52, v48;
	[tilespmem:s24+$0x9200] =	vst v57  }
0x12a: {  	[tilespmem:v57+s16+$0x0] =	vst.idx.add.f32.msk $0xffff, v2  }
0x12b: {  	v61 =	vandn.u32 $0x3F, v63;
	[tilespmem:s28+$0x8000] =	vst v60  }
0x12c: {  	v62 =	vmul.f32 v52, v49;
	[tilespmem:s28+$0x9000] =	vst v59  }
0x12d: {  	[tilespmem:v59+s16+$0x0] =	vst.idx.add.f32.msk $0xffff, v2  }
0x12e: {  	p0 =	sne.s32 s22, $0xF0;
	v3 =	vandn.u32 $0x3F, v3;
	[tilespmem:s24+$0x8300] =	vst v62  }
.Ltmp0:
0x12f: {  	v63 =	vmul.f32 v52, v50;
	[tilespmem:s24+$0x9300] =	vst v61;
	(pc) =	sbr.rel @p0 .LBB2_2-.Ltmp0, $4  }
0x130: {  	[tilespmem:v61+s16+$0x0] =	vst.idx.add.f32.msk $0xffff, v2  }
0x131: {  	[tilespmem:s26+$0x8000] =	vst v63  }
0x132: {  	[tilespmem:s26+$0x9000] =	vst v3  }
0x133: {  	s21 =	sadd.s32 $0x80, s21;
	s22 =	sadd.s32 $0x10, s22;
	[tilespmem:v3+s16+$0x0] =	vst.idx.add.f32.msk $0xffff, v2  }
0x134: {  	_ =	swait.ge [sflag:s17], $0x4000  }
0x135: {  	[sflag:s17] =	ssyncset.done $0x0  }
0x136: {  	s21 =	simm.s32 $0x100;
	s22 =	simm.s32 $0x800;
	[sflag:s17] =	ssyncadd.s32 $0xFFFFC000  }
.LBB2_4:
0x137: {  	s24 =	sand.u32 $0x70, s21;
	s26 =	sand.u32 $0xC00, s22  }
0x138: {  	s24 =	sor.u32 s24, s26  }
0x139: {  	v3 =	vld [tilespmem:s24+$0x0]  }
0x13a: {  	v4 =	vld [tilespmem:s24+$0x80]  }
0x13b: {  	v5 =	vld [tilespmem:s24+$0x100]  }
0x13c: {  	v7 =	vld [tilespmem:s24+$0x200]  }
0x13d: {  	v8 =	vld [tilespmem:s24+$0x280]  }
0x13e: {  	v9 =	vld [tilespmem:s24+$0x300]  }
0x13f: {  	v37 =	vld [tilespmem:s24+$0x1000]  }
0x140: {  	v13 =	vld [tilespmem:s24+$0x1080]  }
0x141: {  	v40 =	vld [tilespmem:s24+$0x1100]  }
0x142: {  	v15 =	vld [tilespmem:s24+$0x1180]  }
0x143: {  	v43 =	vld [tilespmem:s24+$0x1200]  }
0x144: {  	v17 =	vld [tilespmem:s24+$0x1280]  }
0x145: {  	s26 =	sor.u32 s26, s21;
	v46 =	vld [tilespmem:s24+$0x1300]  }
0x146: {  	s30 =	sor.u32 s22, s21;
	s28 =	sor.u32 $0x180, s26;
	v19 =	vld [tilespmem:s24+$0x1380]  }
0x147: {  	s26 =	sor.u32 $0x380, s30;
	v6 =	vld [tilespmem:s28+$0x0]  }
0x148: {  	v10 =	vld [tilespmem:s26+$0x0]  }
0x149: {  	v11 =	vmax.u32 v3, v4  }
0x14a: {  	v3 =	vmin.u32 v3, v4;
	v34 =	vmax.u32 v7, v8;
	v7 =	vmin.u32 v7, v8  }
0x14b: {  	v51 =	vmax.u32 v37, v13;
	v52 =	vmax.u32 v40, v15;
	v53 =	vmax.u32 v43, v17  }
0x14c: {  	v54 =	vmax.u32 v46, v19;
	v33 =	vmax.u32 v5, v6;
	v5 =	vmin.u32 v5, v6  }
0x14d: {  	v35 =	vmax.u32 v9, v10;
	v9 =	vmin.u32 v9, v10;
	v10 =	vmin.u32 v43, v17  }
0x14e: {  	v55 =	vmax.u32 v51, v52;
	v57 =	vmax.u32 v53, v54;
	v36 =	vmax.u32 v11, v33  }
0x14f: {  	v4 =	vmin.u32 v11, v33;
	v12 =	vmax.u32 v3, v5;
	v3 =	vmin.u32 v3, v5  }
0x150: {  	v27 =	vld [tilespmem:s24+$0x2000];
	v38 =	vmax.u32 v34, v35;
	v6 =	vmin.u32 v34, v35;
	v39 =	vmax.u32 v7, v9  }
0x151: {  	v28 =	vld [tilespmem:s24+$0x2080];
	v7 =	vmin.u32 v7, v9;
	v11 =	vmin.u32 v37, v13;
	v9 =	vmin.u32 v40, v15  }
0x152: {  	v15 =	vmin.u32 v53, v54;
	v61 =	vmax.u32 v55, v57;
	v14 =	vmax.u32 v12, v4  }
0x153: {  	v4 =	vmin.u32 v12, v4;
	v41 =	vmax.u32 v39, v6;
	v6 =	vmin.u32 v39, v6  }
0x154: {  	v42 =	vmax.u32 v36, v38;
	v5 =	vmin.u32 v36, v38;
	v45 =	vmax.u32 v3, v7  }
0x155: {  	v3 =	vmin.u32 v3, v7;
	v7 =	vmin.u32 v46, v19;
	v56 =	vmax.u32 v11, v9  }
0x156: {  	v9 =	vmin.u32 v11, v9;
	v11 =	vmin.u32 v55, v57;
	v46 =	vmax.u32 v27, v28  }
0x157: {  	v16 =	vmax.u32 v14, v41;
	v12 =	vmin.u32 v14, v41;
	v44 =	vmax.u32 v4, v6  }
0x158: {  	v4 =	vmin.u32 v4, v6;
	v58 =	vmax.u32 v10, v7;
	v7 =	vmin.u32 v10, v7  }
0x159: {  	v30 =	vld [tilespmem:s24+$0x2100];
	v3 =	vmax.u32 v3, v61;
	v18 =	vmax.u32 v44, v5;
	v5 =	vmin.u32 v44, v5  }
0x15a: {  	v32 =	vld [tilespmem:s24+$0x2180];
	v47 =	vmax.u32 v45, v12;
	v6 =	vmin.u32 v45, v12;
	v60 =	vmax.u32 v58, v15  }
0x15b: {  	v15 =	vmin.u32 v58, v15;
	v20 =	vmax.u32 v9, v7;
	v7 =	vmin.u32 v9, v7  }
0x15c: {  	v48 =	vmax.u32 v16, v18;
	v16 =	vmin.u32 v16, v18;
	v49 =	vmax.u32 v47, v5  }
0x15d: {  	v50 =	vmax.u32 v6, v4;
	v4 =	vmin.u32 v6, v4;
	v6 =	vmin.u32 v51, v52  }
0x15e: {  	v5 =	vmin.u32 v47, v5;
	v7 =	vmax.u32 v42, v7;
	v59 =	vmax.u32 v56, v6  }
0x15f: {  	v34 =	vld [tilespmem:s24+$0x2200];
	v47 =	vmax.u32 v30, v32;
	v6 =	vmin.u32 v56, v6;
	v62 =	vmax.u32 v59, v60  }
0x160: {  	v36 =	vld [tilespmem:s24+$0x2280];
	v10 =	vmin.u32 v59, v60;
	v63 =	vmax.u32 v6, v15;
	v6 =	vmin.u32 v6, v15  }
0x161: {  	v39 =	vld [tilespmem:s24+$0x2300];
	v21 =	vmax.u32 v63, v11;
	v11 =	vmin.u32 v63, v11;
	v22 =	vmax.u32 v20, v10  }
0x162: {  	v41 =	vld [tilespmem:s24+$0x2380];
	v10 =	vmin.u32 v20, v10;
	v23 =	vmax.u32 v62, v21;
	v9 =	vmin.u32 v62, v21  }
0x163: {  	v24 =	vmax.u32 v22, v11;
	v25 =	vmax.u32 v10, v6;
	v6 =	vmin.u32 v10, v6  }
0x164: {  	v11 =	vmin.u32 v22, v11;
	v10 =	vmin.u32 v27, v28;
	v6 =	vmax.u32 v48, v6  }
0x165: {  	v26 =	vmax.u32 v16, v25;
	v11 =	vmax.u32 v49, v11;
	v5 =	vmax.u32 v5, v24  }
0x166: {  	v9 =	vmax.u32 v50, v9;
	v4 =	vmax.u32 v4, v23;
	v48 =	vmax.u32 v34, v36  }
0x167: {  	v49 =	vmax.u32 v39, v41;
	v50 =	vmax.u32 v46, v47;
	v29 =	vmax.u32 v7, v5  }
0x168: {  	v5 =	vmin.u32 v7, v5;
	v31 =	vmax.u32 v6, v9;
	v6 =	vmin.u32 v6, v9  }
0x169: {  	v15 =	vmax.u32 v26, v4;
	v4 =	vmin.u32 v26, v4;
	v33 =	vmax.u32 v11, v3  }
0x16a: {  	v3 =	vmin.u32 v11, v3;
	v9 =	vmin.u32 v30, v32;
	v52 =	vmax.u32 v48, v49  }
0x16b: {  	v14 =	vmin.u32 v48, v49;
	v35 =	vmax.u32 v29, v15;
	v13 =	vmin.u32 v29, v15  }
0x16c: {  	v37 =	vmax.u32 v31, v33;
	v7 =	vmin.u32 v31, v33;
	v38 =	vmax.u32 v5, v4  }
0x16d: {  	v4 =	vmin.u32 v5, v4;
	v40 =	vmax.u32 v6, v3;
	v3 =	vmin.u32 v6, v3  }
0x16e: {  	v15 =	vmin.u32 v34, v36;
	v6 =	vmin.u32 v39, v41;
	v51 =	vmax.u32 v10, v9  }
0x16f: {  	v9 =	vmin.u32 v10, v9;
	v56 =	vmax.u32 v50, v52;
	v10 =	vmin.u32 v50, v52  }
0x170: {  	v42 =	vmax.u32 v35, v37;
	v11 =	vmin.u32 v35, v37;
	v43 =	vmax.u32 v13, v7  }
0x171: {  	v23 =	vld [tilespmem:s24+$0x3000];
	v7 =	vmin.u32 v13, v7;
	v44 =	vmax.u32 v38, v40;
	v5 =	vmin.u32 v38, v40  }
0x172: {  	v24 =	vld [tilespmem:s24+$0x3080];
	v45 =	vmax.u32 v4, v3;
	v3 =	vmin.u32 v4, v3;
	v4 =	vmin.u32 v46, v47  }
0x173: {  	v53 =	vmax.u32 v15, v6;
	v6 =	vmin.u32 v15, v6;
	v54 =	vmax.u32 v51, v4  }
0x174: {  	v28 =	vld [tilespmem:s24+$0x3180];
	v4 =	vmin.u32 v51, v4;
	v55 =	vmax.u32 v53, v14;
	v14 =	vmin.u32 v53, v14  }
0x175: {  	v31 =	vld [tilespmem:s24+$0x3200];
	v59 =	vmax.u32 v9, v6;
	v6 =	vmin.u32 v9, v6;
	v3 =	vmax.u32 v3, v56  }
0x176: {  	v33 =	vld [tilespmem:s24+$0x3280];
	v57 =	vmax.u32 v54, v55;
	v12 =	vmin.u32 v54, v55;
	v58 =	vmax.u32 v4, v14  }
0x177: {  	v26 =	vld [tilespmem:s24+$0x3100];
	v4 =	vmin.u32 v4, v14;
	v6 =	vmax.u32 v42, v6;
	v42 =	vmax.u32 v23, v24  }
0x178: {  	v36 =	vld [tilespmem:s24+$0x3300];
	v60 =	vmax.u32 v58, v10;
	v10 =	vmin.u32 v58, v10;
	v61 =	vmax.u32 v59, v12  }
0x179: {  	v38 =	vld [tilespmem:s24+$0x3380];
	v12 =	vmin.u32 v59, v12;
	v62 =	vmax.u32 v57, v60;
	v9 =	vmin.u32 v57, v60  }
0x17a: {  	v63 =	vmax.u32 v61, v10;
	v10 =	vmin.u32 v61, v10;
	v21 =	vmin.u32 v12, v4  }
0x17b: {  	v4 =	vmax.u32 v12, v4;
	v15 =	vmin.u32 v31, v33;
	v11 =	vmax.u32 v11, v21  }
0x17c: {  	v4 =	vmax.u32 v43, v4;
	v7 =	vmax.u32 v7, v10;
	v22 =	vmax.u32 v44, v63  }
0x17d: {  	v5 =	vmax.u32 v5, v9;
	v8 =	vmax.u32 v45, v62;
	v9 =	vmin.u32 v23, v24  }
0x17e: {  	v43 =	vmax.u32 v26, v28;
	v44 =	vmax.u32 v31, v33;
	v45 =	vmax.u32 v36, v38  }
0x17f: {  	v13 =	vmax.u32 v6, v22;
	v6 =	vmin.u32 v6, v22;
	v25 =	vmax.u32 v11, v5  }
0x180: {  	v5 =	vmin.u32 v11, v5;
	v27 =	vmax.u32 v4, v8;
	v4 =	vmin.u32 v4, v8  }
0x181: {  	v29 =	vmax.u32 v7, v3;
	v3 =	vmin.u32 v7, v3;
	v8 =	vmin.u32 v26, v28  }
0x182: {  	v46 =	vmax.u32 v42, v43;
	v48 =	vmax.u32 v44, v45;
	v14 =	vmin.u32 v44, v45  }
0x183: {  	v30 =	vmax.u32 v13, v27;
	v11 =	vmin.u32 v13, v27;
	v32 =	vmax.u32 v25, v29  }
0x184: {  	v10 =	vmin.u32 v25, v29;
	v34 =	vmax.u32 v6, v4;
	v4 =	vmin.u32 v6, v4  }
0x185: {  	v35 =	vmax.u32 v5, v3;
	v3 =	vmin.u32 v5, v3;
	v13 =	vmin.u32 v36, v38  }
0x186: {  	v47 =	vmax.u32 v9, v8;
	v8 =	vmin.u32 v9, v8;
	v52 =	vmax.u32 v46, v48  }
0x187: {  	v9 =	vmin.u32 v46, v48;
	v37 =	vmax.u32 v30, v32;
	v7 =	vmin.u32 v30, v32  }
0x188: {  	v39 =	vmax.u32 v11, v10;
	v10 =	vmin.u32 v11, v10;
	v40 =	vmax.u32 v34, v35  }
0x189: {  	v6 =	vmin.u32 v34, v35;
	v41 =	vmax.u32 v4, v3;
	v3 =	vmin.u32 v4, v3  }
0x18a: {  	v4 =	vmin.u32 v42, v43;
	v49 =	vmax.u32 v15, v13;
	v13 =	vmin.u32 v15, v13  }
0x18b: {  	v63 =	vld [tilespmem:s24+$0x4000];
	v50 =	vmax.u32 v47, v4;
	v4 =	vmin.u32 v47, v4;
	v51 =	vmax.u32 v49, v14  }
0x18c: {  	v24 =	vld [tilespmem:s24+$0x4100];
	v14 =	vmin.u32 v49, v14;
	v55 =	vmax.u32 v8, v13;
	v8 =	vmin.u32 v8, v13  }
0x18d: {  	v27 =	vld [tilespmem:s24+$0x4180];
	v3 =	vmax.u32 v3, v52;
	v53 =	vmax.u32 v50, v51;
	v12 =	vmin.u32 v50, v51  }
0x18e: {  	v22 =	vld [tilespmem:s24+$0x4080];
	v54 =	vmax.u32 v4, v14;
	v4 =	vmin.u32 v4, v14;
	v5 =	vmax.u32 v37, v8  }
0x18f: {  	v29 =	vld [tilespmem:s24+$0x4200];
	v56 =	vmax.u32 v54, v9;
	v9 =	vmin.u32 v54, v9;
	v57 =	vmax.u32 v55, v12  }
0x190: {  	v32 =	vld [tilespmem:s24+$0x4280];
	v12 =	vmin.u32 v55, v12;
	v58 =	vmax.u32 v53, v56;
	v13 =	vmin.u32 v53, v56  }
0x191: {  	v59 =	vmax.u32 v57, v9;
	v60 =	vmax.u32 v12, v4;
	v4 =	vmin.u32 v12, v4  }
0x192: {  	v9 =	vmin.u32 v57, v9;
	v42 =	vmax.u32 v24, v27;
	v4 =	vmax.u32 v7, v4  }
0x193: {  	v61 =	vmax.u32 v39, v60;
	v62 =	vmax.u32 v10, v9;
	v20 =	vmax.u32 v40, v59  }
0x194: {  	v6 =	vmax.u32 v6, v13;
	v21 =	vmax.u32 v41, v58;
	v41 =	vmax.u32 v63, v22  }
0x195: {  	v9 =	vmin.u32 v63, v22;
	v10 =	vmin.u32 v24, v27;
	v43 =	vmax.u32 v29, v32  }
0x196: {  	v34 =	vld [tilespmem:s24+$0x4300];
	v8 =	vmin.u32 v29, v32;
	v23 =	vmax.u32 v5, v20;
	v5 =	vmin.u32 v5, v20  }
0x197: {  	v37 =	vld [tilespmem:s24+$0x4380];
	v25 =	vmax.u32 v4, v6;
	v4 =	vmin.u32 v4, v6;
	v26 =	vmax.u32 v61, v21  }
0x198: {  	v7 =	vmin.u32 v61, v21;
	v28 =	vmax.u32 v62, v3;
	v3 =	vmin.u32 v62, v3  }
0x199: {  	v45 =	vmax.u32 v41, v42;
	v46 =	vmax.u32 v9, v10;
	v9 =	vmin.u32 v9, v10  }
0x19a: {  	v30 =	vmax.u32 v23, v26;
	v6 =	vmin.u32 v23, v26;
	v31 =	vmax.u32 v25, v28  }
0x19b: {  	v11 =	vmin.u32 v25, v28;
	v33 =	vmax.u32 v5, v7;
	v5 =	vmin.u32 v5, v7  }
0x19c: {  	v35 =	vmax.u32 v4, v3;
	v3 =	vmin.u32 v4, v3;
	v44 =	vmax.u32 v34, v37  }
0x19d: {  	v7 =	vmin.u32 v34, v37;
	v36 =	vmax.u32 v30, v31;
	v13 =	vmin.u32 v30, v31  }
0x19e: {  	v38 =	vmax.u32 v6, v11;
	v6 =	vmin.u32 v6, v11;
	v39 =	vmax.u32 v33, v35  }
0x19f: {  	v14 =	vmin.u32 v33, v35;
	v40 =	vmax.u32 v5, v3;
	v3 =	vmin.u32 v5, v3  }
0x1a0: {  	v5 =	vmin.u32 v41, v42;
	v47 =	vmax.u32 v43, v44;
	v15 =	vmin.u32 v43, v44  }
0x1a1: {  	v63 =	vld [tilespmem:s24+$0x5080];
	v48 =	vmax.u32 v8, v7;
	v7 =	vmin.u32 v8, v7;
	v49 =	vmax.u32 v46, v5  }
0x1a2: {  	v61 =	vld [tilespmem:s24+$0x5000];
	v5 =	vmin.u32 v46, v5;
	v50 =	vmax.u32 v48, v15;
	v15 =	vmin.u32 v48, v15  }
0x1a3: {  	v27 =	vld [tilespmem:s24+$0x5280];
	v51 =	vmax.u32 v45, v47;
	v10 =	vmin.u32 v45, v47;
	v54 =	vmax.u32 v9, v7  }
0x1a4: {  	v32 =	vld [tilespmem:s24+$0x5380];
	v7 =	vmin.u32 v9, v7;
	v52 =	vmax.u32 v49, v50;
	v8 =	vmin.u32 v49, v50  }
0x1a5: {  	v21 =	vld [tilespmem:s24+$0x5100];
	v53 =	vmax.u32 v5, v15;
	v5 =	vmin.u32 v5, v15;
	v4 =	vmax.u32 v36, v7  }
0x1a6: {  	v23 =	vld [tilespmem:s24+$0x5180];
	v3 =	vmax.u32 v3, v51;
	v55 =	vmax.u32 v53, v10;
	v10 =	vmin.u32 v53, v10  }
0x1a7: {  	v25 =	vld [tilespmem:s24+$0x5200];
	v56 =	vmax.u32 v54, v8;
	v8 =	vmin.u32 v54, v8;
	v37 =	vmax.u32 v61, v63  }
0x1a8: {  	v30 =	vld [tilespmem:s24+$0x5300];
	v57 =	vmax.u32 v52, v55;
	v9 =	vmin.u32 v52, v55;
	v58 =	vmax.u32 v56, v10  }
0x1a9: {  	v10 =	vmin.u32 v56, v10;
	v59 =	vmax.u32 v8, v5;
	v5 =	vmin.u32 v8, v5  }
0x1aa: {  	v8 =	vmin.u32 v61, v63;
	v5 =	vmax.u32 v13, v5;
	v60 =	vmax.u32 v38, v59  }
0x1ab: {  	v6 =	vmax.u32 v6, v10;
	v62 =	vmax.u32 v39, v58;
	v9 =	vmax.u32 v14, v9  }
0x1ac: {  	v19 =	vmax.u32 v40, v57;
	v38 =	vmax.u32 v21, v23;
	v39 =	vmax.u32 v25, v27  }
0x1ad: {  	v40 =	vmax.u32 v30, v32;
	v20 =	vmax.u32 v4, v62;
	v4 =	vmin.u32 v4, v62  }
0x1ae: {  	v22 =	vmax.u32 v5, v9;
	v5 =	vmin.u32 v5, v9;
	v15 =	vmax.u32 v60, v19  }
0x1af: {  	v7 =	vmin.u32 v60, v19;
	v24 =	vmax.u32 v6, v3;
	v3 =	vmin.u32 v6, v3  }
0x1b0: {  	v9 =	vmin.u32 v21, v23;
	v41 =	vmax.u32 v37, v38;
	v43 =	vmax.u32 v39, v40  }
0x1b1: {  	v14 =	vmin.u32 v39, v40;
	v26 =	vmax.u32 v20, v15;
	v13 =	vmin.u32 v20, v15  }
0x1b2: {  	v28 =	vmax.u32 v22, v24;
	v10 =	vmin.u32 v22, v24;
	v29 =	vmax.u32 v4, v7  }
0x1b3: {  	v4 =	vmin.u32 v4, v7;
	v31 =	vmax.u32 v5, v3;
	v3 =	vmin.u32 v5, v3  }
0x1b4: {  	v15 =	vmin.u32 v25, v27;
	v5 =	vmin.u32 v30, v32;
	v42 =	vmax.u32 v8, v9  }
0x1b5: {  	v8 =	vmin.u32 v8, v9;
	v47 =	vmax.u32 v41, v43;
	v9 =	vmin.u32 v41, v43  }
0x1b6: {  	v33 =	vmax.u32 v26, v28;
	v6 =	vmin.u32 v26, v28;
	v34 =	vmax.u32 v13, v10  }
0x1b7: {  	v57 =	vld [tilespmem:s24+$0x6000];
	v10 =	vmin.u32 v13, v10;
	v35 =	vmax.u32 v29, v31;
	v7 =	vmin.u32 v29, v31  }
0x1b8: {  	v59 =	vld [tilespmem:s24+$0x6080];
	v36 =	vmax.u32 v4, v3;
	v3 =	vmin.u32 v4, v3;
	v4 =	vmin.u32 v37, v38  }
0x1b9: {  	v44 =	vmax.u32 v15, v5;
	v5 =	vmin.u32 v15, v5;
	v45 =	vmax.u32 v42, v4  }
0x1ba: {  	v4 =	vmin.u32 v42, v4;
	v46 =	vmax.u32 v44, v14;
	v14 =	vmin.u32 v44, v14  }
0x1bb: {  	v22 =	vld [tilespmem:s24+$0x6200];
	v50 =	vmax.u32 v8, v5;
	v5 =	vmin.u32 v8, v5;
	v3 =	vmax.u32 v3, v47  }
0x1bc: {  	v24 =	vld [tilespmem:s24+$0x6280];
	v48 =	vmax.u32 v45, v46;
	v11 =	vmin.u32 v45, v46;
	v49 =	vmax.u32 v4, v14  }
0x1bd: {  	v61 =	vld [tilespmem:s24+$0x6100];
	v4 =	vmin.u32 v4, v14;
	v5 =	vmax.u32 v33, v5;
	v33 =	vmax.u32 v57, v59  }
0x1be: {  	v63 =	vld [tilespmem:s24+$0x6180];
	v51 =	vmax.u32 v49, v9;
	v9 =	vmin.u32 v49, v9;
	v52 =	vmax.u32 v50, v11  }
0x1bf: {  	v27 =	vld [tilespmem:s24+$0x6300];
	v11 =	vmin.u32 v50, v11;
	v53 =	vmax.u32 v48, v51;
	v8 =	vmin.u32 v48, v51  }
0x1c0: {  	v29 =	vld [tilespmem:s24+$0x6380];
	v54 =	vmax.u32 v52, v9;
	v9 =	vmin.u32 v52, v9;
	v55 =	vmin.u32 v11, v4  }
0x1c1: {  	v4 =	vmax.u32 v11, v4;
	v11 =	vmin.u32 v57, v59;
	v15 =	vmin.u32 v22, v24  }
0x1c2: {  	v6 =	vmax.u32 v6, v55;
	v4 =	vmax.u32 v34, v4;
	v9 =	vmax.u32 v10, v9  }
0x1c3: {  	v56 =	vmax.u32 v35, v54;
	v7 =	vmax.u32 v7, v8;
	v58 =	vmax.u32 v36, v53  }
0x1c4: {  	v34 =	vmax.u32 v61, v63;
	v8 =	vmin.u32 v61, v63;
	v35 =	vmax.u32 v22, v24  }
0x1c5: {  	v36 =	vmax.u32 v27, v29;
	v13 =	vmax.u32 v5, v56;
	v5 =	vmin.u32 v5, v56  }
0x1c6: {  	v60 =	vmax.u32 v6, v7;
	v6 =	vmin.u32 v6, v7;
	v62 =	vmax.u32 v4, v58  }
0x1c7: {  	v4 =	vmin.u32 v4, v58;
	v20 =	vmax.u32 v9, v3;
	v3 =	vmin.u32 v9, v3  }
0x1c8: {  	v37 =	vmax.u32 v33, v34;
	v38 =	vmax.u32 v11, v8;
	v8 =	vmin.u32 v11, v8  }
0x1c9: {  	v39 =	vmax.u32 v35, v36;
	v14 =	vmin.u32 v35, v36;
	v21 =	vmax.u32 v13, v62  }
0x1ca: {  	v7 =	vmin.u32 v13, v62;
	v23 =	vmax.u32 v60, v20;
	v10 =	vmin.u32 v60, v20  }
0x1cb: {  	v25 =	vmax.u32 v5, v4;
	v4 =	vmin.u32 v5, v4;
	v26 =	vmax.u32 v6, v3  }
0x1cc: {  	v3 =	vmin.u32 v6, v3;
	v13 =	vmin.u32 v27, v29;
	v43 =	vmax.u32 v37, v39  }
0x1cd: {  	v11 =	vmin.u32 v37, v39;
	v28 =	vmax.u32 v21, v23;
	v9 =	vmin.u32 v21, v23  }
0x1ce: {  	v30 =	vmax.u32 v7, v10;
	v7 =	vmin.u32 v7, v10;
	v31 =	vmax.u32 v25, v26  }
0x1cf: {  	v57 =	vld [tilespmem:s24+$0x7100];
	v5 =	vmin.u32 v25, v26;
	v32 =	vmax.u32 v4, v3;
	v3 =	vmin.u32 v4, v3  }
0x1d0: {  	v22 =	vld [tilespmem:s24+$0x7280];
	v4 =	vmin.u32 v33, v34;
	v40 =	vmax.u32 v15, v13;
	v13 =	vmin.u32 v15, v13  }
0x1d1: {  	v24 =	vld [tilespmem:s24+$0x7300];
	v41 =	vmax.u32 v38, v4;
	v4 =	vmin.u32 v38, v4;
	v42 =	vmax.u32 v40, v14  }
0x1d2: {  	v62 =	vld [tilespmem:s24+$0x7200];
	v14 =	vmin.u32 v40, v14;
	v46 =	vmax.u32 v8, v13;
	v8 =	vmin.u32 v8, v13  }
0x1d3: {  	v27 =	vld [tilespmem:s24+$0x7380];
	v3 =	vmax.u32 v3, v43;
	v44 =	vmax.u32 v41, v42;
	v12 =	vmin.u32 v41, v42  }
0x1d4: {  	v53 =	vld [tilespmem:s24+$0x7000];
	v45 =	vmax.u32 v4, v14;
	v4 =	vmin.u32 v4, v14;
	v6 =	vmax.u32 v28, v8  }
0x1d5: {  	v55 =	vld [tilespmem:s24+$0x7080];
	v47 =	vmax.u32 v45, v11;
	v11 =	vmin.u32 v45, v11;
	v48 =	vmax.u32 v46, v12  }
0x1d6: {  	v60 =	vld [tilespmem:s24+$0x7180];
	v12 =	vmin.u32 v46, v12;
	v49 =	vmax.u32 v44, v47;
	v13 =	vmin.u32 v44, v47  }
0x1d7: {  	v50 =	vmax.u32 v48, v11;
	v11 =	vmin.u32 v48, v11;
	v51 =	vmax.u32 v12, v4  }
0x1d8: {  	v4 =	vmin.u32 v12, v4;
	v33 =	vmax.u32 v62, v22;
	v34 =	vmax.u32 v24, v27  }
0x1d9: {  	v4 =	vmax.u32 v9, v4;
	v52 =	vmax.u32 v30, v51;
	v7 =	vmax.u32 v7, v11  }
0x1da: {  	v10 =	vmax.u32 v31, v50;
	v5 =	vmax.u32 v5, v13;
	v54 =	vmax.u32 v32, v49  }
0x1db: {  	v31 =	vmax.u32 v53, v55;
	v9 =	vmin.u32 v53, v55;
	v32 =	vmax.u32 v57, v60  }
0x1dc: {  	v37 =	vmax.u32 v33, v34;
	v15 =	vmin.u32 v33, v34;
	v56 =	vmax.u32 v6, v10  }
0x1dd: {  	v6 =	vmin.u32 v6, v10;
	v58 =	vmax.u32 v4, v5;
	v4 =	vmin.u32 v4, v5  }
0x1de: {  	v59 =	vmax.u32 v52, v54;
	v8 =	vmin.u32 v52, v54;
	v61 =	vmax.u32 v7, v3  }
0x1df: {  	v3 =	vmin.u32 v7, v3;
	v10 =	vmin.u32 v57, v60;
	v7 =	vmin.u32 v62, v22  }
0x1e0: {  	v35 =	vmax.u32 v31, v32;
	v63 =	vmax.u32 v56, v59;
	v5 =	vmin.u32 v56, v59  }
0x1e1: {  	v21 =	vmax.u32 v58, v61;
	v11 =	vmin.u32 v58, v61;
	v23 =	vmax.u32 v6, v8  }
0x1e2: {  	v6 =	vmin.u32 v6, v8;
	v25 =	vmax.u32 v4, v3;
	v3 =	vmin.u32 v4, v3  }
0x1e3: {  	v8 =	vmin.u32 v24, v27;
	v36 =	vmax.u32 v9, v10;
	v9 =	vmin.u32 v9, v10  }
0x1e4: {  	v41 =	vmax.u32 v35, v37;
	v10 =	vmin.u32 v35, v37;
	v26 =	vmax.u32 v63, v21  }
0x1e5: {  	v13 =	vmin.u32 v63, v21;
	v28 =	vmax.u32 v5, v11;
	v5 =	vmin.u32 v5, v11  }
0x1e6: {  	v29 =	vmax.u32 v23, v25;
	v14 =	vmin.u32 v23, v25;
	v30 =	vmax.u32 v6, v3  }
0x1e7: {  	v3 =	vmin.u32 v6, v3;
	v6 =	vmin.u32 v31, v32;
	v38 =	vmax.u32 v7, v8  }
0x1e8: {  	v7 =	vmin.u32 v7, v8;
	v39 =	vmax.u32 v36, v6;
	v6 =	vmin.u32 v36, v6  }
0x1e9: {  	v40 =	vmax.u32 v38, v15;
	v15 =	vmin.u32 v38, v15;
	v44 =	vmax.u32 v9, v7  }
0x1ea: {  	v7 =	vmin.u32 v9, v7;
	v3 =	vmax.u32 v3, v41;
	v42 =	vmax.u32 v39, v40  }
0x1eb: {  	v8 =	vmin.u32 v39, v40;
	v43 =	vmax.u32 v6, v15;
	v6 =	vmin.u32 v6, v15  }
0x1ec: {  	v4 =	vmax.u32 v26, v7;
	v45 =	vmax.u32 v43, v10;
	v10 =	vmin.u32 v43, v10  }
0x1ed: {  	v46 =	vmax.u32 v44, v8;
	v8 =	vmin.u32 v44, v8;
	v47 =	vmax.u32 v42, v45  }
0x1ee: {  	v9 =	vmin.u32 v42, v45;
	v49 =	vmax.u32 v8, v6;
	v6 =	vmin.u32 v8, v6  }
0x1ef: {  	v48 =	vmax.u32 v46, v10;
	v10 =	vmin.u32 v46, v10;
	v6 =	vmax.u32 v13, v6  }
0x1f0: {  	v50 =	vmax.u32 v28, v49;
	v5 =	vmax.u32 v5, v10;
	v51 =	vmax.u32 v29, v48  }
0x1f1: {  	v9 =	vmax.u32 v14, v9;
	v52 =	vmax.u32 v30, v47;
	v11 =	vmax.u32 v4, v51  }
0x1f2: {  	v4 =	vmin.u32 v4, v51;
	v53 =	vmax.u32 v6, v9;
	v6 =	vmin.u32 v6, v9  }
0x1f3: {  	v54 =	vmax.u32 v50, v52;
	v7 =	vmin.u32 v50, v52;
	v55 =	vmax.u32 v5, v3  }
0x1f4: {  	v3 =	vmin.u32 v5, v3;
	v56 =	vmax.u32 v11, v54;
	v9 =	vmin.u32 v11, v54  }
0x1f5: {  	v57 =	vmax.u32 v53, v55;
	v8 =	vmin.u32 v53, v55;
	v58 =	vmax.u32 v4, v7  }
0x1f6: {  	v4 =	vmin.u32 v4, v7;
	v59 =	vmax.u32 v6, v3;
	v3 =	vmin.u32 v6, v3  }
0x1f7: {  	v60 =	vmax.u32 v56, v57;
	v5 =	vmin.u32 v56, v57;
	v61 =	vmax.u32 v9, v8  }
0x1f8: {  	v8 =	vmin.u32 v9, v8;
	v62 =	vmax.u32 v58, v59;
	v7 =	vmin.u32 v58, v59  }
0x1f9: {  	v63 =	vmax.u32 v4, v3;
	v3 =	vmin.u32 v4, v3;
	vm0 =	vlt.s32 v60, $0x0  }
0x1fa: {  	v16 =	vand.u32 $0xFFFFFFC0, v60;
	vm9 =	vlt.s32 v5, $0x0;
	v18 =	vand.u32 $0xFFFFFFC0, v5  }
0x1fb: {  	vm10 =	vlt.s32 v61, $0x0;
	v20 =	vand.u32 $0xFFFFFFC0, v61;
	vm11 =	vlt.s32 v8, $0x0  }
0x1fc: {  	v22 =	vand.u32 $0xFFFFFFC0, v8;
	v24 =	vand.u32 $0xFFFFFFC0, v62;
	vm12 =	vlt.s32 v62, $0x0  }
0x1fd: {  	vm13 =	vlt.s32 v7, $0x0;
	v26 =	vand.u32 $0xFFFFFFC0, v7;
	vm14 =	vlt.s32 v63, $0x0  }
0x1fe: {  	v30 =	vand.u32 $0xFFFFFFC0, v63;
	v17 =	vsel vm0, $0x0, v1;
	v19 =	vsel vm9, $0x0, v1  }
0x1ff: {  	vm15 =	vlt.s32 v3, $0x0;
	v4 =	vxor.u32 v17, v16;
	v12 =	vxor.u32 v19, v18  }
0x200: {  	v21 =	vsel vm10, $0x0, v1;
	v4 =	vxor.u32 $0x80000000, v4;
	v12 =	vxor.u32 $0x80000000, v12  }
0x201: {  	v34 =	vand.u32 $0xFFFFFFC0, v3;
	v13 =	vxor.u32 v21, v20;
	v12 =	vsub.f32 v12, v4  }
0x202: {  	v23 =	vsel vm11, $0x0, v1;
	v25 =	vsel vm12, $0x0, v1;
	v13 =	vxor.u32 $0x80000000, v13  }
0x203: {  	v14 =	vxor.u32 v23, v22;
	v13 =	vsub.f32 v13, v4;
	v12 =	vmul.f32 $1.442695020e+00, v12  }
0x204: {  	v27 =	vsel vm13, $0x0, v1;
	v15 =	vxor.u32 v25, v24;
	v14 =	vxor.u32 $0x80000000, v14  }
0x205: {  	v29 =	vsub.f32 v14, v4;
	v28 =	vmul.f32 $1.442695020e+00, v13;
	(erf) = vpow2.f32 v12  }
0x206: {  	v31 =	vsel vm14, $0x0, v1;
	v16 =	vxor.u32 v27, v26;
	v15 =	vxor.u32 $0x80000000, v15  }
0x207: {  	v33 =	vsub.f32 v15, v4;
	v32 =	vmul.f32 $1.442695020e+00, v29;
	(erf) = vpow2.f32 v28  }
0x208: {  	v35 =	vsel vm15, $0x0, v1;
	v16 =	vxor.u32 $0x80000000, v16;
	v14 =	vxor.u32 v31, v30  }
0x209: {  	v37 =	vsub.f32 v16, v4;
	v36 =	vmul.f32 $1.442695020e+00, v33;
	(erf) = vpow2.f32 v32  }
0x20a: {  	v15 =	vxor.u32 v35, v34;
	v14 =	vxor.u32 $0x80000000, v14  }
0x20b: {  	v38 =	vmul.f32 $1.442695020e+00, v37;
	v39 =	vsub.f32 v14, v4;
	(erf) = vpow2.f32 v36  }
0x20c: {  	v40 =	vxor.u32 $0x80000000, v15  }
0x20d: {  	v4 =	vsub.f32 v40, v4;
	v41 =	vmul.f32 $1.442695020e+00, v39;
	(erf) = vpow2.f32 v38  }
0x20e: {  	v42 =	vpop (erf)  }
0x20f: {  	v4 =	vmul.f32 $1.442695020e+00, v4;
	(erf) = vpow2.f32 v41;
	v43 =	vadd.f32 $1.000000000e+00, v42  }
0x210: {  	v44 =	vpop (erf)  }
0x211: {  	(erf) = vpow2.f32 v4;
	v45 =	vadd.f32 v43, v44  }
0x212: {  	v46 =	vpop (erf)  }
0x213: {  	v4 =	vadd.f32 v45, v46  }
0x214: {  	v47 =	vpop (erf)  }
0x215: {  	v4 =	vadd.f32 v4, v47  }
0x216: {  	v48 =	vpop (erf)  }
0x217: {  	v4 =	vadd.f32 v4, v48  }
0x218: {  	v49 =	vpop (erf)  }
0x219: {  	v4 =	vadd.f32 v4, v49  }
0x21a: {  	v50 =	vpop (erf)  }
0x21b: {  	v4 =	vadd.f32 v4, v50;
	_ =	sdelay $0x1  }
0x21c: {  	(erf) = vrcp.f32 v4;
	_ =	sdelay $0x5  }
0x21d: {  	v51 =	vandn.u32 $0x3F, v60;
	_ =	sdelay $0x2  }
0x21e: {  	v5 =	vandn.u32 $0x3F, v5;
	[tilespmem:s24+$0x9000] =	vst v51;
	v52 =	vpop (erf)  }
0x21f: {  	[tilespmem:s24+$0x8000] =	vst v52;
	v13 =	vmul.f32 v52, v42  }
0x220: {  	[tilespmem:v51+s16+$0x0] =	vst.idx.add.f32.msk $0xffff, v2  }
0x221: {  	v53 =	vandn.u32 $0x3F, v61;
	[tilespmem:s24+$0x8080] =	vst v13  }
0x222: {  	v54 =	vmul.f32 v52, v44;
	[tilespmem:s24+$0x9080] =	vst v5  }
0x223: {  	[tilespmem:v5+s16+$0x0] =	vst.idx.add.f32.msk $0xffff, v2  }
0x224: {  	v55 =	vandn.u32 $0x3F, v8;
	[tilespmem:s24+$0x8100] =	vst v54  }
0x225: {  	v56 =	vmul.f32 v52, v46;
	[tilespmem:s24+$0x9100] =	vst v53  }
0x226: {  	[tilespmem:v53+s16+$0x0] =	vst.idx.add.f32.msk $0xffff, v2  }
0x227: {  	v57 =	vandn.u32 $0x3F, v62;
	[tilespmem:s28+$0x8000] =	vst v56  }
0x228: {  	v58 =	vmul.f32 v52, v47;
	[tilespmem:s28+$0x9000] =	vst v55  }
0x229: {  	[tilespmem:v55+s16+$0x0] =	vst.idx.add.f32.msk $0xffff, v2  }
0x22a: {  	v59 =	vandn.u32 $0x3F, v7;
	[tilespmem:s24+$0x8200] =	vst v58  }
0x22b: {  	v60 =	vmul.f32 v52, v48;
	[tilespmem:s24+$0x9200] =	vst v57  }
0x22c: {  	[tilespmem:v57+s16+$0x0] =	vst.idx.add.f32.msk $0xffff, v2  }
0x22d: {  	v61 =	vandn.u32 $0x3F, v63;
	[tilespmem:s24+$0x8280] =	vst v60  }
0x22e: {  	v62 =	vmul.f32 v52, v49;
	[tilespmem:s24+$0x9280] =	vst v59  }
0x22f: {  	[tilespmem:v59+s16+$0x0] =	vst.idx.add.f32.msk $0xffff, v2  }
0x230: {  	p0 =	sne.s32 s21, $0x1F0;
	v3 =	vandn.u32 $0x3F, v3;
	[tilespmem:s24+$0x8300] =	vst v62  }
.Ltmp1:
0x231: {  	v63 =	vmul.f32 v52, v50;
	[tilespmem:s24+$0x9300] =	vst v61;
	(pc) =	sbr.rel @p0 .LBB2_4-.Ltmp1, $4  }
0x232: {  	[tilespmem:v61+s16+$0x0] =	vst.idx.add.f32.msk $0xffff, v2  }
0x233: {  	[tilespmem:s26+$0x8000] =	vst v63  }
0x234: {  	[tilespmem:s26+$0x9000] =	vst v3  }
0x235: {  	s22 =	sadd.s32 $0x80, s22;
	s21 =	sadd.s32 $0x10, s21;
	[tilespmem:v3+s16+$0x0] =	vst.idx.add.f32.msk $0xffff, v2  }
0x236: {  	[hbm4b:s5+s2] =	stream.linear.scatter [tilespmem:s18], [sflag:$0x2], $0x1000, $0x38;
	[tilespmem:$0xA080] =	vst v63  }
0x237: {  	_ =	swait.ge [sflag:s23], $0x1000  }
0x238: {  	[sflag:s23] =	ssyncset.done $0x0  }
0x239: {  	[sflag:s23] =	ssyncadd.s32 $0xFFFFF000  }
0x23a: {  	[hbm4b:s6+s2] =	stream.linear.scatter [tilespmem:s19], [sflag:$0x2], $0x1000, $0x38;
	[tilespmem:$0xA080] =	vst v63  }
0x23b: {  	s20 =	sadd.s32 $0x1, s20;
	_ =	swait.ge [sflag:s23], $0x1000  }
0x23c: {  	p0 =	sne.s32 s20, s8;
	[sflag:s23] =	ssyncset.done $0x0  }
.Ltmp2:
0x23d: {  	[sflag:s23] =	ssyncadd.s32 $0xFFFFF000;
	(pc) =	sbr.rel @p0 .LBB2_1-.Ltmp2, $4  }
0x23e: {  	[hbm4b:s7+s2] =	stream.linear.scatter [tilespmem:s16], [sflag:$0x2], $0x80, $0x38;
	[tilespmem:$0xA080] =	vst v63  }
0x23f: {  	_ =	swait.ge [sflag:s23], $0x80  }
0x240: {  	[sflag:s23] =	ssyncset.done $0x0  }
0x241: {  	[sflag:s23] =	ssyncadd.s32 $0xFFFFFF80  }
0x242: {  	_ =	sfence.sel $0x180000  }
0x243: {  	[bflag:$0x0] =	sbarrier.arrive $0xFFFF  }
0x244: {  	_ =	strace $0x90000047  }
0x245: {  	s0 =	stileid.u32;
	[bflag:$0x2] =	sbarrier.arrive $0xFFFF  }
0x246: {  	p0 =	sne.s32 s0, $0x0;
	s0 =	rddreg [dreg:$0x3]  }
0x247: {  	s0 =	sadd.s32 @!p0 $0x100000, s0  }
0x248: {  	[sflag:s0] =	ssyncadd.tile.s32 @!p0 $0x1;
	_ =	shalt  }
.Lfunc_end2:
_tile_overlayer_lowered:
.L_overlay_start_2:
0x249: {  	(tag) =	ssettag $0x2  }
0x24a: {  	s0 =	rddreg [dreg:$0x0];
	s2 =	stileid.u32  }
0x24b: {  	s1 =	rddreg [dreg:$0x1];
	p0 =	sne.s32 s2, $0x0  }
0x24c: {  	s3 =	rddreg [dreg:$0x2];
	[bflag:$0x3] =	sbarrier.arrive $0xFFFF;
	s2 =	simm.s32 @!p0 $0x1C02  }
0x24d: {  	[timem:s3], [sflag:s2] =	dma.local @!p0 [hbm:s0], s1  }
0x24e: {  	s0 =	simm.s32 @!p0 $0x2  }
0x24f: {  	_ =	swait.ge @!p0 [sflag:s0], s1  }
0x250: {  	s1 =	ssub.s32 @!p0 $0x0, s1;
	[sflag:s0] =	ssyncset.done @!p0 $0x0  }
0x251: {  	[sflag:s0] =	ssyncadd.s32 @!p0 s1  }
0x252: {  	[bflag:$0x3] =	sbarrier.arrive $0xFFFF  }
0x253: {  	_ =	shalt  }

</sc_bundles>
